<compile_context>
chip_gen: v7x
topology: tpu7x:2x2x1
jax: 0.10.2.dev20260603
libtpu: 0.0.44.dev20260713+nightly
codegen_flags: <defaults>
</compile_context>

<pallas_src>
import functools

import jax
import jax.numpy as jnp
from jax import lax
from jax.experimental import pallas as pl
from jax.experimental.pallas import tpu as pltpu
from jax.experimental.pallas import tpu_sc as plsc

N = 10000
NPAD = 10240
E = 160000
EPAD = 163840
NC, NS = 2, 16
NW = NC * NS
EPT = EPAD // NW
CH = 128
NCHUNK = EPT // CH
NBUF = 2
ROWS_PT = NPAD // NS
EPS = 1e-5
BR = 1000
GRID = N // BR

def _zero_buf(buf, nrows, d):
    zero = jnp.zeros((16,), jnp.float32)

    def body(i, carry):
        for j in range(d // 16):
            buf[i, pl.ds(j * 16, 16)] = zero
        return carry

    lax.fori_loop(0, nrows, body, 0)


@functools.lru_cache(maxsize=None)
def _sc_kernels():
    mesh = plsc.VectorSubcoreMesh(
        core_axis_name="c", subcore_axis_name="s", num_cores=NC, num_subcores=NS
    )

    @functools.partial(
        pl.kernel,
        mesh=mesh,
        out_type=jax.ShapeDtypeStruct((NC, NPAD, 128), jnp.float32),
        scratch_types=[
            pltpu.VMEM((NCHUNK, CH), jnp.int32),
            pltpu.VMEM((CH, 128), jnp.float32),
            pltpu.VMEM_SHARED((NPAD, 128), jnp.float32),
            pltpu.SemaphoreType.DMA,
        ],
    )
    def sc_degree(dst_hbm, out_hbm, dst_all, buf_v, acc, sem):
        c = lax.axis_index("c")
        s = lax.axis_index("s")
        wid = c * NS + s
        base = s * ROWS_PT
        _zero_buf(buf_v, CH, 128)
        for r in range(ROWS_PT // CH):
            pltpu.sync_copy(buf_v, acc.at[pl.ds(base + r * CH, CH)])
        one = jnp.ones((16,), jnp.float32)

        def fill(i, carry):
            for j in range(8):
                buf_v[i, pl.ds(j * 16, 16)] = one
            return carry

        lax.fori_loop(0, CH, fill, 0)
        pltpu.sync_copy(dst_hbm.at[pl.ds(wid * NCHUNK, NCHUNK)], dst_all)
        plsc.subcore_barrier()

        def body(t, carry):
            pltpu.async_copy(buf_v, acc.at[dst_all.at[t]], sem, add=True)
            return carry

        lax.fori_loop(0, NCHUNK, body, 0)

        def drain(t, carry):
            pltpu.make_async_copy(buf_v, acc.at[dst_all.at[0]], sem).wait()
            return carry

        lax.fori_loop(0, NCHUNK, drain, 0)
        plsc.subcore_barrier()
        pltpu.sync_copy(
            acc.at[pl.ds(base, ROWS_PT)], out_hbm.at[c, pl.ds(base, ROWS_PT)]
        )

    def make_agg(d):
        @functools.partial(
            pl.kernel,
            mesh=mesh,
            out_type=jax.ShapeDtypeStruct((NC, NPAD, d), jnp.float32),
            scratch_types=[
                pltpu.VMEM((NCHUNK, CH), jnp.int32),
                pltpu.VMEM((NCHUNK, CH), jnp.int32),
                pltpu.VMEM((NBUF, CH, d), jnp.float32),
                pltpu.VMEM_SHARED((NPAD, d), jnp.float32),
            ]
            + [pltpu.SemaphoreType.DMA] * (2 * NBUF),
        )
        def agg(y_hbm, src_hbm, dst_hbm, out_hbm, src_all, dst_all, rows, acc, *sems):
            gsem, ssem = sems[:NBUF], sems[NBUF:]
            c = lax.axis_index("c")
            s = lax.axis_index("s")
            base = s * ROWS_PT
            _zero_buf(rows.at[0], CH, d)
            for r in range(ROWS_PT // CH):
                pltpu.sync_copy(rows.at[0], acc.at[pl.ds(base + r * CH, CH)])
            plsc.subcore_barrier()

            cb = (c * NS + s) * NCHUNK
            pltpu.sync_copy(src_hbm.at[pl.ds(cb, NCHUNK)], src_all)
            pltpu.sync_copy(dst_hbm.at[pl.ds(cb, NCHUNK)], dst_all)
            for b in range(NBUF):
                pltpu.async_copy(y_hbm.at[src_all.at[b]], rows.at[b], gsem[b])

            def body(i, carry):
                t0 = i * NBUF
                for b in range(NBUF):
                    t = t0 + b
                    pltpu.make_async_copy(
                        y_hbm.at[src_all.at[t]], rows.at[b], gsem[b]
                    ).wait()
                    pltpu.async_copy(
                        rows.at[b], acc.at[dst_all.at[t]], ssem[b], add=True
                    )

                    @pl.when(t + NBUF < NCHUNK)
                    def _():
                        pltpu.make_async_copy(
                            rows.at[b], acc.at[dst_all.at[t]], ssem[b]
                        ).wait()
                        pltpu.async_copy(
                            y_hbm.at[src_all.at[t + NBUF]], rows.at[b], gsem[b]
                        )

                return carry

            lax.fori_loop(0, NCHUNK // NBUF, body, 0)
            for b in range(NBUF):
                pltpu.make_async_copy(
                    rows.at[b], acc.at[dst_all.at[0]], ssem[b]
                ).wait()

            plsc.subcore_barrier()
            pltpu.sync_copy(
                acc.at[pl.ds(base, ROWS_PT)], out_hbm.at[c, pl.ds(base, ROWS_PT)]
            )

        return agg

    return sc_degree, make_agg(128)


def _k1_body(x_ref, w_ref, y_ref):
    y_ref[...] = jnp.dot(x_ref[...], w_ref[...], preferred_element_type=jnp.float32)


def _k1(x, w1):
    return pl.pallas_call(
        _k1_body,
        grid=(GRID,),
        in_specs=[
            pl.BlockSpec((BR, 256), lambda i: (i, 0)),
            pl.BlockSpec((256, 128), lambda i: (0, 0)),
        ],
        out_specs=pl.BlockSpec((BR, 128), lambda i: (i, 0)),
        out_shape=jax.ShapeDtypeStruct((N, 128), jnp.float32),
    )(x, w1)


def _k1b_body(xw_ref, dinv_ref, y_ref):
    y_ref[...] = dinv_ref[...] * xw_ref[...]


def _k1b(xw, dinv2):
    return pl.pallas_call(
        _k1b_body,
        grid=(GRID,),
        in_specs=[
            pl.BlockSpec((BR, 128), lambda i: (i, 0)),
            pl.BlockSpec((BR, 1), lambda i: (i, 0)),
        ],
        out_specs=pl.BlockSpec((BR, 128), lambda i: (i, 0)),
        out_shape=jax.ShapeDtypeStruct((N, 128), jnp.float32),
    )(xw, dinv2)


def _stats(part, y, dinv2, b, d):
    dp = part.shape[-1]

    def body(part_ref, y_ref, dinv_ref, b_ref, z_ref, s_ref, q_ref):
        z = (
            dinv_ref[...]
            * (part_ref[0, :, :d] + part_ref[1, :, :d] + y_ref[:, :d])
            + b_ref[...]
        )
        z_ref[...] = z
        s = jnp.sum(z, axis=0, keepdims=True)
        q = jnp.sum(z * z, axis=0, keepdims=True)

        @pl.when(pl.program_id(0) == 0)
        def _():
            s_ref[...] = s
            q_ref[...] = q

        @pl.when(pl.program_id(0) != 0)
        def _():
            s_ref[...] += s
            q_ref[...] += q

    return pl.pallas_call(
        body,
        grid=(GRID,),
        in_specs=[
            pl.BlockSpec((NC, BR, dp), lambda i: (0, i, 0)),
            pl.BlockSpec((BR, dp), lambda i: (i, 0)),
            pl.BlockSpec((BR, 1), lambda i: (i, 0)),
            pl.BlockSpec((1, d), lambda i: (0, 0)),
        ],
        out_specs=[
            pl.BlockSpec((BR, d), lambda i: (i, 0)),
            pl.BlockSpec((1, d), lambda i: (0, 0)),
            pl.BlockSpec((1, d), lambda i: (0, 0)),
        ],
        out_shape=[
            jax.ShapeDtypeStruct((N, d), jnp.float32),
            jax.ShapeDtypeStruct((1, d), jnp.float32),
            jax.ShapeDtypeStruct((1, d), jnp.float32),
        ],
    )(part, y, dinv2, b)


def _k2b_body(z_ref, sc_ref, sh_ref, w_ref, dinv_ref, h_ref, y_ref):
    h = jnp.maximum(z_ref[...] * sc_ref[...] + sh_ref[...], 0.0)
    h_ref[...] = h
    y_ref[...] = dinv_ref[...] * jnp.dot(
        h, w_ref[...], preferred_element_type=jnp.float32
    )


def _k2b(z1, scale1, shift1, w2p, dinv2):
    return pl.pallas_call(
        _k2b_body,
        grid=(GRID,),
        in_specs=[
            pl.BlockSpec((BR, 128), lambda i: (i, 0)),
            pl.BlockSpec((1, 128), lambda i: (0, 0)),
            pl.BlockSpec((1, 128), lambda i: (0, 0)),
            pl.BlockSpec((128, 128), lambda i: (0, 0)),
            pl.BlockSpec((BR, 1), lambda i: (i, 0)),
        ],
        out_specs=[
            pl.BlockSpec((BR, 128), lambda i: (i, 0)),
            pl.BlockSpec((BR, 128), lambda i: (i, 0)),
        ],
        out_shape=[
            jax.ShapeDtypeStruct((N, 128), jnp.float32),
            jax.ShapeDtypeStruct((N, 128), jnp.float32),
        ],
    )(z1, scale1, shift1, w2p, dinv2)


def _k3b_body(
    x_ref, h1_ref, z2_ref, sc_ref, sh_ref, wa_ref, wb_ref, wc_ref, bf_ref, o_ref
):
    h2 = jnp.maximum(z2_ref[...] * sc_ref[...] + sh_ref[...], 0.0)
    acc = jnp.dot(x_ref[...], wa_ref[...], preferred_element_type=jnp.float32)
    acc += jnp.dot(h1_ref[...], wb_ref[...], preferred_element_type=jnp.float32)
    acc += jnp.dot(h2, wc_ref[...], preferred_element_type=jnp.float32)
    o_ref[...] = jnp.maximum(acc + bf_ref[...], 0.0)


def _k3b(x, h1, z2, scale2, shift2, wa, wb, wc, bf2):
    return pl.pallas_call(
        _k3b_body,
        grid=(GRID,),
        in_specs=[
            pl.BlockSpec((BR, 256), lambda i: (i, 0)),
            pl.BlockSpec((BR, 128), lambda i: (i, 0)),
            pl.BlockSpec((BR, 64), lambda i: (i, 0)),
            pl.BlockSpec((1, 64), lambda i: (0, 0)),
            pl.BlockSpec((1, 64), lambda i: (0, 0)),
            pl.BlockSpec((256, 256), lambda i: (0, 0)),
            pl.BlockSpec((128, 256), lambda i: (0, 0)),
            pl.BlockSpec((64, 256), lambda i: (0, 0)),
            pl.BlockSpec((1, 256), lambda i: (0, 0)),
        ],
        out_specs=pl.BlockSpec((BR, 256), lambda i: (i, 0)),
        out_shape=jax.ShapeDtypeStruct((N, 256), jnp.float32),
    )(x, h1, z2, scale2, shift2, wa, wb, wc, bf2)


def _bn_coeffs(s, q, g, bt):
    m = s[0] / N
    var = q[0] / N - m * m
    scale = g / jnp.sqrt(var + EPS)
    shift = bt - m * scale
    return scale[None, :], shift[None, :]


def kernel(node_features, edge_index, W1, b1, g1, bt1, W2, b2, g2, bt2, Wf, bf):
    src = edge_index[0].astype(jnp.int32)
    dst = edge_index[1].astype(jnp.int32)
    pad = jnp.arange(EPAD - E, dtype=jnp.int32)
    src = jnp.concatenate([src, pad % N]).reshape(-1, CH)
    dst = jnp.concatenate([dst, N + pad % (NPAD - N)]).reshape(-1, CH)

    _sc_degree, _sc_agg_128 = _sc_kernels()
    xw1 = _k1(node_features, W1)
    degp = _sc_degree(dst)
    deg = degp[0, :N, 0] + degp[1, :N, 0] + 1.0
    dinv2 = lax.rsqrt(jnp.maximum(deg, 1.0))[:, None]

    y1 = _k1b(xw1, dinv2)
    part1 = _sc_agg_128(y1, src, dst)
    z1, s1, q1 = _stats(part1, y1, dinv2, b1[None, :], 128)
    scale1, shift1 = _bn_coeffs(s1, q1, g1, bt1)

    w2p = jnp.concatenate([W2, jnp.zeros((128, 64), jnp.float32)], axis=1)
    h1, y2 = _k2b(z1, scale1, shift1, w2p, dinv2)
    part2 = _sc_agg_128(y2, src, dst)
    z2, s2, q2 = _stats(part2, y2, dinv2, b2[None, :], 64)
    scale2, shift2 = _bn_coeffs(s2, q2, g2, bt2)

    return _k3b(
        node_features, h1, z2, scale2, shift2,
        Wf[:256], Wf[256:384], Wf[384:448], bf[None, :],
    )

# --- scband reference (transcript-rebuilt; emitter-appended) ---
"""Pipeline reference for scband-wireframe-gnnclassifier-10943576671013 (READ-ONLY COPY).

The authoritative reference and input builder live on the scoring server;
editing this copy changes nothing except your own understanding.
"""

import jax, jax.numpy as jnp
import numpy as np

N_NODES = 10000
D_FEAT = 256
N_EDGES = 160000
EPS = 1e-5


def setup_inputs(seed: int = 0) -> dict:
    key = jax.random.key(seed)
    ks = jax.random.split(key, 12)
    node_features = jax.random.normal(ks[0], (N_NODES, D_FEAT), dtype=jnp.float32)
    edge_index = jax.random.randint(ks[1], (2, N_EDGES), 0, N_NODES, dtype=jnp.int64)
    # GNN layer 1: 256 -> 128
    W1 = jax.random.normal(ks[2], (D_FEAT, D_FEAT // 2), dtype=jnp.float32) * (1.0 / np.sqrt(D_FEAT))
    b1 = jnp.zeros((D_FEAT // 2,), dtype=jnp.float32)
    g1 = jnp.ones((D_FEAT // 2,), dtype=jnp.float32)
    bt1 = jnp.zeros((D_FEAT // 2,), dtype=jnp.float32)
    # GNN layer 2: 128 -> 64
    W2 = jax.random.normal(ks[3], (D_FEAT // 2, D_FEAT // 4), dtype=jnp.float32) * (1.0 / np.sqrt(D_FEAT // 2))
    b2 = jnp.zeros((D_FEAT // 4,), dtype=jnp.float32)
    g2 = jnp.ones((D_FEAT // 4,), dtype=jnp.float32)
    bt2 = jnp.zeros((D_FEAT // 4,), dtype=jnp.float32)
    # fc: Linear(256+128+64=448 -> 256) + ReLU
    out_channels = D_FEAT + D_FEAT // 2 + D_FEAT // 4
    Wf = jax.random.normal(ks[4], (out_channels, D_FEAT), dtype=jnp.float32) * (1.0 / np.sqrt(out_channels))
    bf = jnp.zeros((D_FEAT,), dtype=jnp.float32)
    return {
        "node_features": node_features,
        "edge_index": edge_index,
        "W1": W1, "b1": b1, "g1": g1, "bt1": bt1,
        "W2": W2, "b2": b2, "g2": g2, "bt2": bt2,
        "Wf": Wf, "bf": bf,
    }


def _gcn_conv(x, edge_index, W, b, n):
    # GCNConv with added self loops and symmetric normalization
    src = jnp.concatenate([edge_index[0], jnp.arange(n, dtype=edge_index.dtype)])
    dst = jnp.concatenate([edge_index[1], jnp.arange(n, dtype=edge_index.dtype)])
    deg = jax.ops.segment_sum(jnp.ones_like(src, dtype=x.dtype), dst, num_segments=n)
    dinv = 1.0 / jnp.sqrt(jnp.clip(deg, 1.0))
    norm = dinv[src] * dinv[dst]
    xw = x @ W
    msg = jnp.take(xw, src, axis=0) * norm[:, None]
    out = jax.ops.segment_sum(msg, dst, num_segments=n)
    return out + b


def _batch_norm(x, g, bt):
    # BatchNorm in training mode: per-feature batch statistics over nodes
    m = jnp.mean(x, axis=0)
    v = jnp.var(x, axis=0)
    return (x - m) / jnp.sqrt(v + EPS) * g + bt


def reference(node_features, edge_index, W1, b1, g1, bt1, W2, b2, g2, bt2, Wf, bf):
    n = node_features.shape[0]
    feats = [node_features]
    h = node_features
    # layer 1
    h = _gcn_conv(h, edge_index, W1, b1, n)
    h = _batch_norm(h, g1, bt1)
    h = jax.nn.relu(h)
    feats.append(h)
    # layer 2
    h = _gcn_conv(h, edge_index, W2, b2, n)
    h = _batch_norm(h, g2, bt2)
    h = jax.nn.relu(h)
    feats.append(h)
    cat = jnp.concatenate(feats, axis=1)
    out = jax.nn.relu(cat @ Wf + bf)
    return out

if __name__ == "__main__":
    import jax
    _d = setup_inputs()
    print(jax.jit(kernel)(*tuple(_d.values())))

</pallas_src>

<mosaic_0001>
#map = affine_map<(d0, d1) -> (0, 0)>
#map1 = affine_map<(d0, d1) -> (0, 0, 0)>
module attributes {stable_mosaic.version = 14 : i64} {
  func.func @sc_degree(%arg0: i32, %arg1: i32, %arg2: memref<1280x128xi32, #tpu.memory_space<hbm>>, %arg3: memref<2x10240x128xf32, #tpu.memory_space<hbm>>, %arg4: memref<40x128xi32, #tpu.memory_space<vmem>>, %arg5: memref<128x128xf32, #tpu.memory_space<vmem>>, %arg6: memref<10240x128xf32, #tpu.memory_space<vmem_shared>>, %arg7: memref<!tpu.dma_semaphore, #tpu.memory_space<semaphore_mem>>) attributes {dimension_semantics = [#tpu.dimension_semantics<core_parallel>, #tpu.dimension_semantics<subcore_parallel>], iteration_bounds = array<i64: 2, 16>, scalar_prefetch = 0 : i64, scratch_operands = 4 : i64, tpu.core_type = #tpu.core_type<sc_vector_subcore>, window_params = [{transform_indices = #map}, {transform_indices = #map1}]} {
    %mul3A = arith.constant 16 : i32
    %mul3A_0 = arith.muli %arg0, %mul3A : i32
    %add3A = arith.addi %mul3A_0, %arg1 : i32
    %mul3A_1 = arith.constant 640 : i32
    %mul3A_2 = arith.muli %arg1, %mul3A_1 : i32
    %broadcast_in_dim3A = arith.constant 0.000000e+00 : f32
    %broadcast_in_dim3A_3 = vector.broadcast %broadcast_in_dim3A : f32 to vector<16xf32>
    %scan3A = arith.constant 0 : i32
    %scan3A_4 = arith.constant 0 : i32
    %scan3A_5 = arith.constant 128 : i32
    %scan3A_6 = arith.addi %scan3A_4, %scan3A_5 : i32
    %scan3A_7 = arith.constant 1 : i32
    scf.for %scan3A_42 = %scan3A_4 to %scan3A_6 step %scan3A_7  : i32 {
      %swap3A = arith.index_cast %scan3A_42 : i32 to index
      %swap3A_43 = arith.constant 0 : index
      %swap3A_44 = tpu.vector_load %arg5[%swap3A, %swap3A_43] {strides = array<i32>} : memref<128x128xf32, #tpu.memory_space<vmem>>, vector<1x16xf32>,
      %swap3A_45 = vector.shape_cast %swap3A_44 : vector<1x16xf32> to vector<16xf32>
      %swap3A_46 = vector.shape_cast %broadcast_in_dim3A_3 : vector<16xf32> to vector<1x16xf32>
      tpu.vector_store %arg5[%swap3A, %swap3A_43], %swap3A_46 {strides = array<i32>} : memref<128x128xf32, #tpu.memory_space<vmem>>, vector<1x16xf32>,
      %swap3A_47 = arith.index_cast %scan3A_42 : i32 to index
      %swap3A_48 = arith.constant 16 : index
      %swap3A_49 = tpu.vector_load %arg5[%swap3A_47, %swap3A_48] {strides = array<i32>} : memref<128x128xf32, #tpu.memory_space<vmem>>, vector<1x16xf32>,
      %swap3A_50 = vector.shape_cast %swap3A_49 : vector<1x16xf32> to vector<16xf32>
      %swap3A_51 = vector.shape_cast %broadcast_in_dim3A_3 : vector<16xf32> to vector<1x16xf32>
      tpu.vector_store %arg5[%swap3A_47, %swap3A_48], %swap3A_51 {strides = array<i32>} : memref<128x128xf32, #tpu.memory_space<vmem>>, vector<1x16xf32>,
      %swap3A_52 = arith.index_cast %scan3A_42 : i32 to index
      %swap3A_53 = arith.constant 32 : index
      %swap3A_54 = tpu.vector_load %arg5[%swap3A_52, %swap3A_53] {strides = array<i32>} : memref<128x128xf32, #tpu.memory_space<vmem>>, vector<1x16xf32>,
      %swap3A_55 = vector.shape_cast %swap3A_54 : vector<1x16xf32> to vector<16xf32>
      %swap3A_56 = vector.shape_cast %broadcast_in_dim3A_3 : vector<16xf32> to vector<1x16xf32>
      tpu.vector_store %arg5[%swap3A_52, %swap3A_53], %swap3A_56 {strides = array<i32>} : memref<128x128xf32, #tpu.memory_space<vmem>>, vector<1x16xf32>,
      %swap3A_57 = arith.index_cast %scan3A_42 : i32 to index
      %swap3A_58 = arith.constant 48 : index
      %swap3A_59 = tpu.vector_load %arg5[%swap3A_57, %swap3A_58] {strides = array<i32>} : memref<128x128xf32, #tpu.memory_space<vmem>>, vector<1x16xf32>,
      %swap3A_60 = vector.shape_cast %swap3A_59 : vector<1x16xf32> to vector<16xf32>
      %swap3A_61 = vector.shape_cast %broadcast_in_dim3A_3 : vector<16xf32> to vector<1x16xf32>
      tpu.vector_store %arg5[%swap3A_57, %swap3A_58], %swap3A_61 {strides = array<i32>} : memref<128x128xf32, #tpu.memory_space<vmem>>, vector<1x16xf32>,
      %swap3A_62 = arith.index_cast %scan3A_42 : i32 to index
      %swap3A_63 = arith.constant 64 : index
      %swap3A_64 = tpu.vector_load %arg5[%swap3A_62, %swap3A_63] {strides = array<i32>} : memref<128x128xf32, #tpu.memory_space<vmem>>, vector<1x16xf32>,
      %swap3A_65 = vector.shape_cast %swap3A_64 : vector<1x16xf32> to vector<16xf32>
      %swap3A_66 = vector.shape_cast %broadcast_in_dim3A_3 : vector<16xf32> to vector<1x16xf32>
      tpu.vector_store %arg5[%swap3A_62, %swap3A_63], %swap3A_66 {strides = array<i32>} : memref<128x128xf32, #tpu.memory_space<vmem>>, vector<1x16xf32>,
      %swap3A_67 = arith.index_cast %scan3A_42 : i32 to index
      %swap3A_68 = arith.constant 80 : index
      %swap3A_69 = tpu.vector_load %arg5[%swap3A_67, %swap3A_68] {strides = array<i32>} : memref<128x128xf32, #tpu.memory_space<vmem>>, vector<1x16xf32>,
      %swap3A_70 = vector.shape_cast %swap3A_69 : vector<1x16xf32> to vector<16xf32>
      %swap3A_71 = vector.shape_cast %broadcast_in_dim3A_3 : vector<16xf32> to vector<1x16xf32>
      tpu.vector_store %arg5[%swap3A_67, %swap3A_68], %swap3A_71 {strides = array<i32>} : memref<128x128xf32, #tpu.memory_space<vmem>>, vector<1x16xf32>,
      %swap3A_72 = arith.index_cast %scan3A_42 : i32 to index
      %swap3A_73 = arith.constant 96 : index
      %swap3A_74 = tpu.vector_load %arg5[%swap3A_72, %swap3A_73] {strides = array<i32>} : memref<128x128xf32, #tpu.memory_space<vmem>>, vector<1x16xf32>,
      %swap3A_75 = vector.shape_cast %swap3A_74 : vector<1x16xf32> to vector<16xf32>
      %swap3A_76 = vector.shape_cast %broadcast_in_dim3A_3 : vector<16xf32> to vector<1x16xf32>
      tpu.vector_store %arg5[%swap3A_72, %swap3A_73], %swap3A_76 {strides = array<i32>} : memref<128x128xf32, #tpu.memory_space<vmem>>, vector<1x16xf32>,
      %swap3A_77 = arith.index_cast %scan3A_42 : i32 to index
      %swap3A_78 = arith.constant 112 : index
      %swap3A_79 = tpu.vector_load %arg5[%swap3A_77, %swap3A_78] {strides = array<i32>} : memref<128x128xf32, #tpu.memory_space<vmem>>, vector<1x16xf32>,
      %swap3A_80 = vector.shape_cast %swap3A_79 : vector<1x16xf32> to vector<16xf32>
      %swap3A_81 = vector.shape_cast %broadcast_in_dim3A_3 : vector<16xf32> to vector<1x16xf32>
      tpu.vector_store %arg5[%swap3A_77, %swap3A_78], %swap3A_81 {strides = array<i32>} : memref<128x128xf32, #tpu.memory_space<vmem>>, vector<1x16xf32>,
    }
    %scan3A_8 = arith.constant 128 : i32
    %add3A_9 = arith.constant 0 : i32
    %add3A_10 = arith.addi %mul3A_2, %add3A_9 : i32
    "tpu.region"() ({
      %run_scoped3A = tpu.sem_alloc : memref<!tpu.dma_semaphore, #tpu.memory_space<semaphore_mem>>
      %dma_start3A = arith.constant 0 : i32
      %dma_start3A_42 = tpu.memref_slice %arg6[%add3A_10, %dma_start3A] : memref<10240x128xf32, #tpu.memory_space<vmem_shared>> -> memref<128x128xf32, #tpu.memory_space<vmem_shared>>
      %dma_start3A_43 = arith.constant 0 : i32
      %dma_start3A_44 = tpu.memref_slice %arg6[%add3A_10, %dma_start3A_43] : memref<10240x128xf32, #tpu.memory_space<vmem_shared>> -> memref<128x128xf32, #tpu.memory_space<vmem_shared>>
      tpu.enqueue_dma source(%arg5 : memref<128x128xf32, #tpu.memory_space<vmem>>) target(%dma_start3A_44 : memref<128x128xf32, #tpu.memory_space<vmem_shared>>) target_semaphore(%run_scoped3A : memref<!tpu.dma_semaphore, #tpu.memory_space<semaphore_mem>>)
      %dma_wait3A = arith.constant 0 : i32
      %dma_wait3A_45 = tpu.memref_slice %arg6[%add3A_10, %dma_wait3A] : memref<10240x128xf32, #tpu.memory_space<vmem_shared>> -> memref<128x128xf32, #tpu.memory_space<vmem_shared>>
      %dma_wait3A_46 = arith.constant 0 : i32
      %dma_wait3A_47 = tpu.memref_slice %arg6[%add3A_10, %dma_wait3A_46] : memref<10240x128xf32, #tpu.memory_space<vmem_shared>> -> memref<128x128xf32, #tpu.memory_space<vmem_shared>>
      tpu.wait_dma2 semaphore(%run_scoped3A : memref<!tpu.dma_semaphore, #tpu.memory_space<semaphore_mem>>) src(%arg5 : memref<128x128xf32, #tpu.memory_space<vmem>>) dst(%dma_wait3A_47 : memref<128x128xf32, #tpu.memory_space<vmem_shared>>)
      tpu.yield
    }) : () -> ()
    %add3A_11 = arith.constant 128 : i32
    %add3A_12 = arith.addi %mul3A_2, %add3A_11 : i32
    "tpu.region"() ({
      %run_scoped3A = tpu.sem_alloc : memref<!tpu.dma_semaphore, #tpu.memory_space<semaphore_mem>>
      %dma_start3A = arith.constant 0 : i32
      %dma_start3A_42 = tpu.memref_slice %arg6[%add3A_12, %dma_start3A] : memref<10240x128xf32, #tpu.memory_space<vmem_shared>> -> memref<128x128xf32, #tpu.memory_space<vmem_shared>>
      %dma_start3A_43 = arith.constant 0 : i32
      %dma_start3A_44 = tpu.memref_slice %arg6[%add3A_12, %dma_start3A_43] : memref<10240x128xf32, #tpu.memory_space<vmem_shared>> -> memref<128x128xf32, #tpu.memory_space<vmem_shared>>
      tpu.enqueue_dma source(%arg5 : memref<128x128xf32, #tpu.memory_space<vmem>>) target(%dma_start3A_44 : memref<128x128xf32, #tpu.memory_space<vmem_shared>>) target_semaphore(%run_scoped3A : memref<!tpu.dma_semaphore, #tpu.memory_space<semaphore_mem>>)
      %dma_wait3A = arith.constant 0 : i32
      %dma_wait3A_45 = tpu.memref_slice %arg6[%add3A_12, %dma_wait3A] : memref<10240x128xf32, #tpu.memory_space<vmem_shared>> -> memref<128x128xf32, #tpu.memory_space<vmem_shared>>
      %dma_wait3A_46 = arith.constant 0 : i32
      %dma_wait3A_47 = tpu.memref_slice %arg6[%add3A_12, %dma_wait3A_46] : memref<10240x128xf32, #tpu.memory_space<vmem_shared>> -> memref<128x128xf32, #tpu.memory_space<vmem_shared>>
      tpu.wait_dma2 semaphore(%run_scoped3A : memref<!tpu.dma_semaphore, #tpu.memory_space<semaphore_mem>>) src(%arg5 : memref<128x128xf32, #tpu.memory_space<vmem>>) dst(%dma_wait3A_47 : memref<128x128xf32, #tpu.memory_space<vmem_shared>>)
      tpu.yield
    }) : () -> ()
    %add3A_13 = arith.constant 256 : i32
    %add3A_14 = arith.addi %mul3A_2, %add3A_13 : i32
    "tpu.region"() ({
      %run_scoped3A = tpu.sem_alloc : memref<!tpu.dma_semaphore, #tpu.memory_space<semaphore_mem>>
      %dma_start3A = arith.constant 0 : i32
      %dma_start3A_42 = tpu.memref_slice %arg6[%add3A_14, %dma_start3A] : memref<10240x128xf32, #tpu.memory_space<vmem_shared>> -> memref<128x128xf32, #tpu.memory_space<vmem_shared>>
      %dma_start3A_43 = arith.constant 0 : i32
      %dma_start3A_44 = tpu.memref_slice %arg6[%add3A_14, %dma_start3A_43] : memref<10240x128xf32, #tpu.memory_space<vmem_shared>> -> memref<128x128xf32, #tpu.memory_space<vmem_shared>>
      tpu.enqueue_dma source(%arg5 : memref<128x128xf32, #tpu.memory_space<vmem>>) target(%dma_start3A_44 : memref<128x128xf32, #tpu.memory_space<vmem_shared>>) target_semaphore(%run_scoped3A : memref<!tpu.dma_semaphore, #tpu.memory_space<semaphore_mem>>)
      %dma_wait3A = arith.constant 0 : i32
      %dma_wait3A_45 = tpu.memref_slice %arg6[%add3A_14, %dma_wait3A] : memref<10240x128xf32, #tpu.memory_space<vmem_shared>> -> memref<128x128xf32, #tpu.memory_space<vmem_shared>>
      %dma_wait3A_46 = arith.constant 0 : i32
      %dma_wait3A_47 = tpu.memref_slice %arg6[%add3A_14, %dma_wait3A_46] : memref<10240x128xf32, #tpu.memory_space<vmem_shared>> -> memref<128x128xf32, #tpu.memory_space<vmem_shared>>
      tpu.wait_dma2 semaphore(%run_scoped3A : memref<!tpu.dma_semaphore, #tpu.memory_space<semaphore_mem>>) src(%arg5 : memref<128x128xf32, #tpu.memory_space<vmem>>) dst(%dma_wait3A_47 : memref<128x128xf32, #tpu.memory_space<vmem_shared>>)
      tpu.yield
    }) : () -> ()
    %add3A_15 = arith.constant 384 : i32
    %add3A_16 = arith.addi %mul3A_2, %add3A_15 : i32
    "tpu.region"() ({
      %run_scoped3A = tpu.sem_alloc : memref<!tpu.dma_semaphore, #tpu.memory_space<semaphore_mem>>
      %dma_start3A = arith.constant 0 : i32
      %dma_start3A_42 = tpu.memref_slice %arg6[%add3A_16, %dma_start3A] : memref<10240x128xf32, #tpu.memory_space<vmem_shared>> -> memref<128x128xf32, #tpu.memory_space<vmem_shared>>
      %dma_start3A_43 = arith.constant 0 : i32
      %dma_start3A_44 = tpu.memref_slice %arg6[%add3A_16, %dma_start3A_43] : memref<10240x128xf32, #tpu.memory_space<vmem_shared>> -> memref<128x128xf32, #tpu.memory_space<vmem_shared>>
      tpu.enqueue_dma source(%arg5 : memref<128x128xf32, #tpu.memory_space<vmem>>) target(%dma_start3A_44 : memref<128x128xf32, #tpu.memory_space<vmem_shared>>) target_semaphore(%run_scoped3A : memref<!tpu.dma_semaphore, #tpu.memory_space<semaphore_mem>>)
      %dma_wait3A = arith.constant 0 : i32
      %dma_wait3A_45 = tpu.memref_slice %arg6[%add3A_16, %dma_wait3A] : memref<10240x128xf32, #tpu.memory_space<vmem_shared>> -> memref<128x128xf32, #tpu.memory_space<vmem_shared>>
      %dma_wait3A_46 = arith.constant 0 : i32
      %dma_wait3A_47 = tpu.memref_slice %arg6[%add3A_16, %dma_wait3A_46] : memref<10240x128xf32, #tpu.memory_space<vmem_shared>> -> memref<128x128xf32, #tpu.memory_space<vmem_shared>>
      tpu.wait_dma2 semaphore(%run_scoped3A : memref<!tpu.dma_semaphore, #tpu.memory_space<semaphore_mem>>) src(%arg5 : memref<128x128xf32, #tpu.memory_space<vmem>>) dst(%dma_wait3A_47 : memref<128x128xf32, #tpu.memory_space<vmem_shared>>)
      tpu.yield
    }) : () -> ()
    %add3A_17 = arith.constant 512 : i32
    %add3A_18 = arith.addi %mul3A_2, %add3A_17 : i32
    "tpu.region"() ({
      %run_scoped3A = tpu.sem_alloc : memref<!tpu.dma_semaphore, #tpu.memory_space<semaphore_mem>>
      %dma_start3A = arith.constant 0 : i32
      %dma_start3A_42 = tpu.memref_slice %arg6[%add3A_18, %dma_start3A] : memref<10240x128xf32, #tpu.memory_space<vmem_shared>> -> memref<128x128xf32, #tpu.memory_space<vmem_shared>>
      %dma_start3A_43 = arith.constant 0 : i32
      %dma_start3A_44 = tpu.memref_slice %arg6[%add3A_18, %dma_start3A_43] : memref<10240x128xf32, #tpu.memory_space<vmem_shared>> -> memref<128x128xf32, #tpu.memory_space<vmem_shared>>
      tpu.enqueue_dma source(%arg5 : memref<128x128xf32, #tpu.memory_space<vmem>>) target(%dma_start3A_44 : memref<128x128xf32, #tpu.memory_space<vmem_shared>>) target_semaphore(%run_scoped3A : memref<!tpu.dma_semaphore, #tpu.memory_space<semaphore_mem>>)
      %dma_wait3A = arith.constant 0 : i32
      %dma_wait3A_45 = tpu.memref_slice %arg6[%add3A_18, %dma_wait3A] : memref<10240x128xf32, #tpu.memory_space<vmem_shared>> -> memref<128x128xf32, #tpu.memory_space<vmem_shared>>
      %dma_wait3A_46 = arith.constant 0 : i32
      %dma_wait3A_47 = tpu.memref_slice %arg6[%add3A_18, %dma_wait3A_46] : memref<10240x128xf32, #tpu.memory_space<vmem_shared>> -> memref<128x128xf32, #tpu.memory_space<vmem_shared>>
      tpu.wait_dma2 semaphore(%run_scoped3A : memref<!tpu.dma_semaphore, #tpu.memory_space<semaphore_mem>>) src(%arg5 : memref<128x128xf32, #tpu.memory_space<vmem>>) dst(%dma_wait3A_47 : memref<128x128xf32, #tpu.memory_space<vmem_shared>>)
      tpu.yield
    }) : () -> ()
    %broadcast_in_dim3A_19 = arith.constant 1.000000e+00 : f32
    %broadcast_in_dim3A_20 = vector.broadcast %broadcast_in_dim3A_19 : f32 to vector<16xf32>
    %scan3A_21 = arith.constant 0 : i32
    %scan3A_22 = arith.constant 0 : i32
    %scan3A_23 = arith.constant 128 : i32
    %scan3A_24 = arith.addi %scan3A_22, %scan3A_23 : i32
    %scan3A_25 = arith.constant 1 : i32
    scf.for %scan3A_42 = %scan3A_22 to %scan3A_24 step %scan3A_25  : i32 {
      %swap3A = arith.index_cast %scan3A_42 : i32 to index
      %swap3A_43 = arith.constant 0 : index
      %swap3A_44 = tpu.vector_load %arg5[%swap3A, %swap3A_43] {strides = array<i32>} : memref<128x128xf32, #tpu.memory_space<vmem>>, vector<1x16xf32>,
      %swap3A_45 = vector.shape_cast %swap3A_44 : vector<1x16xf32> to vector<16xf32>
      %swap3A_46 = vector.shape_cast %broadcast_in_dim3A_20 : vector<16xf32> to vector<1x16xf32>
      tpu.vector_store %arg5[%swap3A, %swap3A_43], %swap3A_46 {strides = array<i32>} : memref<128x128xf32, #tpu.memory_space<vmem>>, vector<1x16xf32>,
      %swap3A_47 = arith.index_cast %scan3A_42 : i32 to index
      %swap3A_48 = arith.constant 16 : index
      %swap3A_49 = tpu.vector_load %arg5[%swap3A_47, %swap3A_48] {strides = array<i32>} : memref<128x128xf32, #tpu.memory_space<vmem>>, vector<1x16xf32>,
      %swap3A_50 = vector.shape_cast %swap3A_49 : vector<1x16xf32> to vector<16xf32>
      %swap3A_51 = vector.shape_cast %broadcast_in_dim3A_20 : vector<16xf32> to vector<1x16xf32>
      tpu.vector_store %arg5[%swap3A_47, %swap3A_48], %swap3A_51 {strides = array<i32>} : memref<128x128xf32, #tpu.memory_space<vmem>>, vector<1x16xf32>,
      %swap3A_52 = arith.index_cast %scan3A_42 : i32 to index
      %swap3A_53 = arith.constant 32 : index
      %swap3A_54 = tpu.vector_load %arg5[%swap3A_52, %swap3A_53] {strides = array<i32>} : memref<128x128xf32, #tpu.memory_space<vmem>>, vector<1x16xf32>,
      %swap3A_55 = vector.shape_cast %swap3A_54 : vector<1x16xf32> to vector<16xf32>
      %swap3A_56 = vector.shape_cast %broadcast_in_dim3A_20 : vector<16xf32> to vector<1x16xf32>
      tpu.vector_store %arg5[%swap3A_52, %swap3A_53], %swap3A_56 {strides = array<i32>} : memref<128x128xf32, #tpu.memory_space<vmem>>, vector<1x16xf32>,
      %swap3A_57 = arith.index_cast %scan3A_42 : i32 to index
      %swap3A_58 = arith.constant 48 : index
      %swap3A_59 = tpu.vector_load %arg5[%swap3A_57, %swap3A_58] {strides = array<i32>} : memref<128x128xf32, #tpu.memory_space<vmem>>, vector<1x16xf32>,
      %swap3A_60 = vector.shape_cast %swap3A_59 : vector<1x16xf32> to vector<16xf32>
      %swap3A_61 = vector.shape_cast %broadcast_in_dim3A_20 : vector<16xf32> to vector<1x16xf32>
      tpu.vector_store %arg5[%swap3A_57, %swap3A_58], %swap3A_61 {strides = array<i32>} : memref<128x128xf32, #tpu.memory_space<vmem>>, vector<1x16xf32>,
      %swap3A_62 = arith.index_cast %scan3A_42 : i32 to index
      %swap3A_63 = arith.constant 64 : index
      %swap3A_64 = tpu.vector_load %arg5[%swap3A_62, %swap3A_63] {strides = array<i32>} : memref<128x128xf32, #tpu.memory_space<vmem>>, vector<1x16xf32>,
      %swap3A_65 = vector.shape_cast %swap3A_64 : vector<1x16xf32> to vector<16xf32>
      %swap3A_66 = vector.shape_cast %broadcast_in_dim3A_20 : vector<16xf32> to vector<1x16xf32>
      tpu.vector_store %arg5[%swap3A_62, %swap3A_63], %swap3A_66 {strides = array<i32>} : memref<128x128xf32, #tpu.memory_space<vmem>>, vector<1x16xf32>,
      %swap3A_67 = arith.index_cast %scan3A_42 : i32 to index
      %swap3A_68 = arith.constant 80 : index
      %swap3A_69 = tpu.vector_load %arg5[%swap3A_67, %swap3A_68] {strides = array<i32>} : memref<128x128xf32, #tpu.memory_space<vmem>>, vector<1x16xf32>,
      %swap3A_70 = vector.shape_cast %swap3A_69 : vector<1x16xf32> to vector<16xf32>
      %swap3A_71 = vector.shape_cast %broadcast_in_dim3A_20 : vector<16xf32> to vector<1x16xf32>
      tpu.vector_store %arg5[%swap3A_67, %swap3A_68], %swap3A_71 {strides = array<i32>} : memref<128x128xf32, #tpu.memory_space<vmem>>, vector<1x16xf32>,
      %swap3A_72 = arith.index_cast %scan3A_42 : i32 to index
      %swap3A_73 = arith.constant 96 : index
      %swap3A_74 = tpu.vector_load %arg5[%swap3A_72, %swap3A_73] {strides = array<i32>} : memref<128x128xf32, #tpu.memory_space<vmem>>, vector<1x16xf32>,
      %swap3A_75 = vector.shape_cast %swap3A_74 : vector<1x16xf32> to vector<16xf32>
      %swap3A_76 = vector.shape_cast %broadcast_in_dim3A_20 : vector<16xf32> to vector<1x16xf32>
      tpu.vector_store %arg5[%swap3A_72, %swap3A_73], %swap3A_76 {strides = array<i32>} : memref<128x128xf32, #tpu.memory_space<vmem>>, vector<1x16xf32>,
      %swap3A_77 = arith.index_cast %scan3A_42 : i32 to index
      %swap3A_78 = arith.constant 112 : index
      %swap3A_79 = tpu.vector_load %arg5[%swap3A_77, %swap3A_78] {strides = array<i32>} : memref<128x128xf32, #tpu.memory_space<vmem>>, vector<1x16xf32>,
      %swap3A_80 = vector.shape_cast %swap3A_79 : vector<1x16xf32> to vector<16xf32>
      %swap3A_81 = vector.shape_cast %broadcast_in_dim3A_20 : vector<16xf32> to vector<1x16xf32>
      tpu.vector_store %arg5[%swap3A_77, %swap3A_78], %swap3A_81 {strides = array<i32>} : memref<128x128xf32, #tpu.memory_space<vmem>>, vector<1x16xf32>,
    }
    %scan3A_26 = arith.constant 128 : i32
    %mul3A_27 = arith.constant 40 : i32
    %mul3A_28 = arith.muli %add3A, %mul3A_27 : i32
    "tpu.region"() ({
      %run_scoped3A = tpu.sem_alloc : memref<!tpu.dma_semaphore, #tpu.memory_space<semaphore_mem>>
      %dma_start3A = arith.constant 0 : i32
      %dma_start3A_42 = tpu.memref_slice %arg2[%mul3A_28, %dma_start3A] : memref<1280x128xi32, #tpu.memory_space<hbm>> -> memref<40x128xi32, #tpu.memory_space<hbm>>
      %dma_start3A_43 = arith.constant 0 : i32
      %dma_start3A_44 = tpu.memref_slice %arg2[%mul3A_28, %dma_start3A_43] : memref<1280x128xi32, #tpu.memory_space<hbm>> -> memref<40x128xi32, #tpu.memory_space<hbm>>
      tpu.enqueue_dma source(%dma_start3A_44 : memref<40x128xi32, #tpu.memory_space<hbm>>) target(%arg4 : memref<40x128xi32, #tpu.memory_space<vmem>>) target_semaphore(%run_scoped3A : memref<!tpu.dma_semaphore, #tpu.memory_space<semaphore_mem>>)
      %dma_wait3A = arith.constant 0 : i32
      %dma_wait3A_45 = tpu.memref_slice %arg2[%mul3A_28, %dma_wait3A] : memref<1280x128xi32, #tpu.memory_space<hbm>> -> memref<40x128xi32, #tpu.memory_space<hbm>>
      %dma_wait3A_46 = arith.constant 0 : i32
      %dma_wait3A_47 = tpu.memref_slice %arg2[%mul3A_28, %dma_wait3A_46] : memref<1280x128xi32, #tpu.memory_space<hbm>> -> memref<40x128xi32, #tpu.memory_space<hbm>>
      tpu.wait_dma2 semaphore(%run_scoped3A : memref<!tpu.dma_semaphore, #tpu.memory_space<semaphore_mem>>) src(%dma_wait3A_47 : memref<40x128xi32, #tpu.memory_space<hbm>>) dst(%arg4 : memref<40x128xi32, #tpu.memory_space<vmem>>)
      tpu.yield
    }) : () -> ()
    %barrier3A = arith.constant 0 : index
    tpu.barrier barrier_id(%barrier3A)
    %scan3A_29 = arith.constant 0 : i32
    %scan3A_30 = arith.constant 0 : i32
    %scan3A_31 = arith.constant 40 : i32
    %scan3A_32 = arith.addi %scan3A_30, %scan3A_31 : i32
    %scan3A_33 = arith.constant 1 : i32
    scf.for %scan3A_42 = %scan3A_30 to %scan3A_32 step %scan3A_33  : i32 {
      %dma_start3A = arith.constant 0 : i32
      %dma_start3A_43 = tpu.memref_slice %arg4[%scan3A_42, %dma_start3A] : memref<40x128xi32, #tpu.memory_space<vmem>> -> memref<1x128xi32, #tpu.memory_space<vmem>>
      %dma_start3A_44 = tpu.memref_squeeze %dma_start3A_43 : memref<1x128xi32, #tpu.memory_space<vmem>> -> memref<128xi32, #tpu.memory_space<vmem>>
      %dma_start3A_45 = arith.constant 0 : i32
      %dma_start3A_46 = arith.constant 0 : i32
      %dma_start3A_47 = tpu.memref_slice %arg6[%dma_start3A_45, %dma_start3A_46] : memref<10240x128xf32, #tpu.memory_space<vmem_shared>> -> memref<10240x128xf32, #tpu.memory_space<vmem_shared>>
      tpu.enqueue_indirect_dma source(%arg5 : memref<128x128xf32, #tpu.memory_space<vmem>>) target(%dma_start3A_47 : memref<10240x128xf32, #tpu.memory_space<vmem_shared>>) offsets(%dma_start3A_44 : memref<128xi32, #tpu.memory_space<vmem>>) semaphore(%arg7 : memref<!tpu.dma_semaphore, #tpu.memory_space<semaphore_mem>>) {add = true}
    }
    %scan3A_34 = arith.constant 40 : i32
    %scan3A_35 = arith.constant 0 : i32
    %scan3A_36 = arith.constant 0 : i32
    %scan3A_37 = arith.constant 40 : i32
    %scan3A_38 = arith.addi %scan3A_36, %scan3A_37 : i32
    %scan3A_39 = arith.constant 1 : i32
    scf.for %scan3A_42 = %scan3A_36 to %scan3A_38 step %scan3A_39  : i32 {
      %dma_wait3A = arith.constant 0 : i32
      %dma_wait3A_43 = arith.constant 0 : i32
      %dma_wait3A_44 = tpu.memref_slice %arg4[%dma_wait3A, %dma_wait3A_43] : memref<40x128xi32, #tpu.memory_space<vmem>> -> memref<1x128xi32, #tpu.memory_space<vmem>>
      %dma_wait3A_45 = tpu.memref_squeeze %dma_wait3A_44 : memref<1x128xi32, #tpu.memory_space<vmem>> -> memref<128xi32, #tpu.memory_space<vmem>>
      %dma_wait3A_46 = arith.constant 0 : i32
      %dma_wait3A_47 = arith.constant 0 : i32
      %dma_wait3A_48 = tpu.memref_slice %arg6[%dma_wait3A_46, %dma_wait3A_47] : memref<10240x128xf32, #tpu.memory_space<vmem_shared>> -> memref<10240x128xf32, #tpu.memory_space<vmem_shared>>
      tpu.wait_indirect_dma semaphore(%arg7 : memref<!tpu.dma_semaphore, #tpu.memory_space<semaphore_mem>>) src(%arg5 : memref<128x128xf32, #tpu.memory_space<vmem>>) dst(%dma_wait3A_48 : memref<10240x128xf32, #tpu.memory_space<vmem_shared>>)
    }
    %scan3A_40 = arith.constant 40 : i32
    %barrier3A_41 = arith.constant 0 : index
    tpu.barrier barrier_id(%barrier3A_41)
    "tpu.region"() ({
      %run_scoped3A = tpu.sem_alloc : memref<!tpu.dma_semaphore, #tpu.memory_space<semaphore_mem>>
      %dma_start3A = arith.constant 0 : i32
      %dma_start3A_42 = tpu.memref_slice %arg3[%arg0, %mul3A_2, %dma_start3A] : memref<2x10240x128xf32, #tpu.memory_space<hbm>> -> memref<1x640x128xf32, #tpu.memory_space<hbm>>
      %dma_start3A_43 = tpu.memref_squeeze %dma_start3A_42 : memref<1x640x128xf32, #tpu.memory_space<hbm>> -> memref<640x128xf32, #tpu.memory_space<hbm>>
      %dma_start3A_44 = arith.constant 0 : i32
      %dma_start3A_45 = tpu.memref_slice %arg6[%mul3A_2, %dma_start3A_44] : memref<10240x128xf32, #tpu.memory_space<vmem_shared>> -> memref<640x128xf32, #tpu.memory_space<vmem_shared>>
      tpu.enqueue_dma source(%dma_start3A_45 : memref<640x128xf32, #tpu.memory_space<vmem_shared>>) target(%dma_start3A_43 : memref<640x128xf32, #tpu.memory_space<hbm>>) target_semaphore(%run_scoped3A : memref<!tpu.dma_semaphore, #tpu.memory_space<semaphore_mem>>)
      %dma_wait3A = arith.constant 0 : i32
      %dma_wait3A_46 = tpu.memref_slice %arg3[%arg0, %mul3A_2, %dma_wait3A] : memref<2x10240x128xf32, #tpu.memory_space<hbm>> -> memref<1x640x128xf32, #tpu.memory_space<hbm>>
      %dma_wait3A_47 = tpu.memref_squeeze %dma_wait3A_46 : memref<1x640x128xf32, #tpu.memory_space<hbm>> -> memref<640x128xf32, #tpu.memory_space<hbm>>
      %dma_wait3A_48 = arith.constant 0 : i32
      %dma_wait3A_49 = tpu.memref_slice %arg6[%mul3A_2, %dma_wait3A_48] : memref<10240x128xf32, #tpu.memory_space<vmem_shared>> -> memref<640x128xf32, #tpu.memory_space<vmem_shared>>
      tpu.wait_dma2 semaphore(%run_scoped3A : memref<!tpu.dma_semaphore, #tpu.memory_space<semaphore_mem>>) src(%dma_wait3A_49 : memref<640x128xf32, #tpu.memory_space<vmem_shared>>) dst(%dma_wait3A_47 : memref<640x128xf32, #tpu.memory_space<hbm>>)
      tpu.yield
    }) : () -> ()
    return
  }
}

#map = affine_map<(d0, d1) -> (0, 0)>
#map1 = affine_map<(d0, d1) -> (0, 0, 0)>
module attributes {stable_mosaic.version = 14 : i64} {
  func.func @agg(%arg0: i32, %arg1: i32, %arg2: memref<10000x128xf32, #tpu.memory_space<hbm>>, %arg3: memref<1280x128xi32, #tpu.memory_space<hbm>>, %arg4: memref<1280x128xi32, #tpu.memory_space<hbm>>, %arg5: memref<2x10240x128xf32, #tpu.memory_space<hbm>>, %arg6: memref<40x128xi32, #tpu.memory_space<vmem>>, %arg7: memref<40x128xi32, #tpu.memory_space<vmem>>, %arg8: memref<2x128x128xf32, #tpu.memory_space<vmem>>, %arg9: memref<10240x128xf32, #tpu.memory_space<vmem_shared>>, %arg10: memref<!tpu.dma_semaphore, #tpu.memory_space<semaphore_mem>>, %arg11: memref<!tpu.dma_semaphore, #tpu.memory_space<semaphore_mem>>, %arg12: memref<!tpu.dma_semaphore, #tpu.memory_space<semaphore_mem>>, %arg13: memref<!tpu.dma_semaphore, #tpu.memory_space<semaphore_mem>>) attributes {dimension_semantics = [#tpu.dimension_semantics<core_parallel>, #tpu.dimension_semantics<subcore_parallel>], iteration_bounds = array<i64: 2, 16>, scalar_prefetch = 0 : i64, scratch_operands = 8 : i64, tpu.core_type = #tpu.core_type<sc_vector_subcore>, window_params = [{transform_indices = #map}, {transform_indices = #map}, {transform_indices = #map}, {transform_indices = #map1}]} {
    %mul3A = arith.constant 640 : i32
    %mul3A_0 = arith.muli %arg1, %mul3A : i32
    %broadcast_in_dim3A = arith.constant 0.000000e+00 : f32
    %broadcast_in_dim3A_1 = vector.broadcast %broadcast_in_dim3A : f32 to vector<16xf32>
    %scan3A = arith.constant 0 : i32
    %scan3A_2 = arith.constant 0 : i32
    %scan3A_3 = arith.constant 0 : i32
    %scan3A_4 = arith.constant 128 : i32
    %scan3A_5 = arith.addi %scan3A_3, %scan3A_4 : i32
    %scan3A_6 = arith.constant 1 : i32
    scf.for %scan3A_79 = %scan3A_3 to %scan3A_5 step %scan3A_6  : i32 {
      %swap3A = arith.constant 0 : i32
      %swap3A_80 = arith.constant 0 : i32
      %swap3A_81 = tpu.memref_slice %arg8[%scan3A_2, %swap3A, %swap3A_80] : memref<2x128x128xf32, #tpu.memory_space<vmem>> -> memref<1x128x128xf32, #tpu.memory_space<vmem>>
      %swap3A_82 = tpu.memref_squeeze %swap3A_81 : memref<1x128x128xf32, #tpu.memory_space<vmem>> -> memref<128x128xf32, #tpu.memory_space<vmem>>
      %swap3A_83 = arith.index_cast %scan3A_79 : i32 to index
      %swap3A_84 = arith.constant 0 : index
      %swap3A_85 = tpu.vector_load %swap3A_82[%swap3A_83, %swap3A_84] {strides = array<i32>} : memref<128x128xf32, #tpu.memory_space<vmem>>, vector<1x16xf32>,
      %swap3A_86 = vector.shape_cast %swap3A_85 : vector<1x16xf32> to vector<16xf32>
      %swap3A_87 = vector.shape_cast %broadcast_in_dim3A_1 : vector<16xf32> to vector<1x16xf32>
      tpu.vector_store %swap3A_82[%swap3A_83, %swap3A_84], %swap3A_87 {strides = array<i32>} : memref<128x128xf32, #tpu.memory_space<vmem>>, vector<1x16xf32>,
      %swap3A_88 = arith.constant 0 : i32
      %swap3A_89 = arith.constant 0 : i32
      %swap3A_90 = tpu.memref_slice %arg8[%scan3A_2, %swap3A_88, %swap3A_89] : memref<2x128x128xf32, #tpu.memory_space<vmem>> -> memref<1x128x128xf32, #tpu.memory_space<vmem>>
      %swap3A_91 = tpu.memref_squeeze %swap3A_90 : memref<1x128x128xf32, #tpu.memory_space<vmem>> -> memref<128x128xf32, #tpu.memory_space<vmem>>
      %swap3A_92 = arith.index_cast %scan3A_79 : i32 to index
      %swap3A_93 = arith.constant 16 : index
      %swap3A_94 = tpu.vector_load %swap3A_91[%swap3A_92, %swap3A_93] {strides = array<i32>} : memref<128x128xf32, #tpu.memory_space<vmem>>, vector<1x16xf32>,
      %swap3A_95 = vector.shape_cast %swap3A_94 : vector<1x16xf32> to vector<16xf32>
      %swap3A_96 = vector.shape_cast %broadcast_in_dim3A_1 : vector<16xf32> to vector<1x16xf32>
      tpu.vector_store %swap3A_91[%swap3A_92, %swap3A_93], %swap3A_96 {strides = array<i32>} : memref<128x128xf32, #tpu.memory_space<vmem>>, vector<1x16xf32>,
      %swap3A_97 = arith.constant 0 : i32
      %swap3A_98 = arith.constant 0 : i32
      %swap3A_99 = tpu.memref_slice %arg8[%scan3A_2, %swap3A_97, %swap3A_98] : memref<2x128x128xf32, #tpu.memory_space<vmem>> -> memref<1x128x128xf32, #tpu.memory_space<vmem>>
      %swap3A_100 = tpu.memref_squeeze %swap3A_99 : memref<1x128x128xf32, #tpu.memory_space<vmem>> -> memref<128x128xf32, #tpu.memory_space<vmem>>
      %swap3A_101 = arith.index_cast %scan3A_79 : i32 to index
      %swap3A_102 = arith.constant 32 : index
      %swap3A_103 = tpu.vector_load %swap3A_100[%swap3A_101, %swap3A_102] {strides = array<i32>} : memref<128x128xf32, #tpu.memory_space<vmem>>, vector<1x16xf32>,
      %swap3A_104 = vector.shape_cast %swap3A_103 : vector<1x16xf32> to vector<16xf32>
      %swap3A_105 = vector.shape_cast %broadcast_in_dim3A_1 : vector<16xf32> to vector<1x16xf32>
      tpu.vector_store %swap3A_100[%swap3A_101, %swap3A_102], %swap3A_105 {strides = array<i32>} : memref<128x128xf32, #tpu.memory_space<vmem>>, vector<1x16xf32>,
      %swap3A_106 = arith.constant 0 : i32
      %swap3A_107 = arith.constant 0 : i32
      %swap3A_108 = tpu.memref_slice %arg8[%scan3A_2, %swap3A_106, %swap3A_107] : memref<2x128x128xf32, #tpu.memory_space<vmem>> -> memref<1x128x128xf32, #tpu.memory_space<vmem>>
      %swap3A_109 = tpu.memref_squeeze %swap3A_108 : memref<1x128x128xf32, #tpu.memory_space<vmem>> -> memref<128x128xf32, #tpu.memory_space<vmem>>
      %swap3A_110 = arith.index_cast %scan3A_79 : i32 to index
      %swap3A_111 = arith.constant 48 : index
      %swap3A_112 = tpu.vector_load %swap3A_109[%swap3A_110, %swap3A_111] {strides = array<i32>} : memref<128x128xf32, #tpu.memory_space<vmem>>, vector<1x16xf32>,
      %swap3A_113 = vector.shape_cast %swap3A_112 : vector<1x16xf32> to vector<16xf32>
      %swap3A_114 = vector.shape_cast %broadcast_in_dim3A_1 : vector<16xf32> to vector<1x16xf32>
      tpu.vector_store %swap3A_109[%swap3A_110, %swap3A_111], %swap3A_114 {strides = array<i32>} : memref<128x128xf32, #tpu.memory_space<vmem>>, vector<1x16xf32>,
      %swap3A_115 = arith.constant 0 : i32
      %swap3A_116 = arith.constant 0 : i32
      %swap3A_117 = tpu.memref_slice %arg8[%scan3A_2, %swap3A_115, %swap3A_116] : memref<2x128x128xf32, #tpu.memory_space<vmem>> -> memref<1x128x128xf32, #tpu.memory_space<vmem>>
      %swap3A_118 = tpu.memref_squeeze %swap3A_117 : memref<1x128x128xf32, #tpu.memory_space<vmem>> -> memref<128x128xf32, #tpu.memory_space<vmem>>
      %swap3A_119 = arith.index_cast %scan3A_79 : i32 to index
      %swap3A_120 = arith.constant 64 : index
      %swap3A_121 = tpu.vector_load %swap3A_118[%swap3A_119, %swap3A_120] {strides = array<i32>} : memref<128x128xf32, #tpu.memory_space<vmem>>, vector<1x16xf32>,
      %swap3A_122 = vector.shape_cast %swap3A_121 : vector<1x16xf32> to vector<16xf32>
      %swap3A_123 = vector.shape_cast %broadcast_in_dim3A_1 : vector<16xf32> to vector<1x16xf32>
      tpu.vector_store %swap3A_118[%swap3A_119, %swap3A_120], %swap3A_123 {strides = array<i32>} : memref<128x128xf32, #tpu.memory_space<vmem>>, vector<1x16xf32>,
      %swap3A_124 = arith.constant 0 : i32
      %swap3A_125 = arith.constant 0 : i32
      %swap3A_126 = tpu.memref_slice %arg8[%scan3A_2, %swap3A_124, %swap3A_125] : memref<2x128x128xf32, #tpu.memory_space<vmem>> -> memref<1x128x128xf32, #tpu.memory_space<vmem>>
      %swap3A_127 = tpu.memref_squeeze %swap3A_126 : memref<1x128x128xf32, #tpu.memory_space<vmem>> -> memref<128x128xf32, #tpu.memory_space<vmem>>
      %swap3A_128 = arith.index_cast %scan3A_79 : i32 to index
      %swap3A_129 = arith.constant 80 : index
      %swap3A_130 = tpu.vector_load %swap3A_127[%swap3A_128, %swap3A_129] {strides = array<i32>} : memref<128x128xf32, #tpu.memory_space<vmem>>, vector<1x16xf32>,
      %swap3A_131 = vector.shape_cast %swap3A_130 : vector<1x16xf32> to vector<16xf32>
      %swap3A_132 = vector.shape_cast %broadcast_in_dim3A_1 : vector<16xf32> to vector<1x16xf32>
      tpu.vector_store %swap3A_127[%swap3A_128, %swap3A_129], %swap3A_132 {strides = array<i32>} : memref<128x128xf32, #tpu.memory_space<vmem>>, vector<1x16xf32>,
      %swap3A_133 = arith.constant 0 : i32
      %swap3A_134 = arith.constant 0 : i32
      %swap3A_135 = tpu.memref_slice %arg8[%scan3A_2, %swap3A_133, %swap3A_134] : memref<2x128x128xf32, #tpu.memory_space<vmem>> -> memref<1x128x128xf32, #tpu.memory_space<vmem>>
      %swap3A_136 = tpu.memref_squeeze %swap3A_135 : memref<1x128x128xf32, #tpu.memory_space<vmem>> -> memref<128x128xf32, #tpu.memory_space<vmem>>
      %swap3A_137 = arith.index_cast %scan3A_79 : i32 to index
      %swap3A_138 = arith.constant 96 : index
      %swap3A_139 = tpu.vector_load %swap3A_136[%swap3A_137, %swap3A_138] {strides = array<i32>} : memref<128x128xf32, #tpu.memory_space<vmem>>, vector<1x16xf32>,
      %swap3A_140 = vector.shape_cast %swap3A_139 : vector<1x16xf32> to vector<16xf32>
      %swap3A_141 = vector.shape_cast %broadcast_in_dim3A_1 : vector<16xf32> to vector<1x16xf32>
      tpu.vector_store %swap3A_136[%swap3A_137, %swap3A_138], %swap3A_141 {strides = array<i32>} : memref<128x128xf32, #tpu.memory_space<vmem>>, vector<1x16xf32>,
      %swap3A_142 = arith.constant 0 : i32
      %swap3A_143 = arith.constant 0 : i32
      %swap3A_144 = tpu.memref_slice %arg8[%scan3A_2, %swap3A_142, %swap3A_143] : memref<2x128x128xf32, #tpu.memory_space<vmem>> -> memref<1x128x128xf32, #tpu.memory_space<vmem>>
      %swap3A_145 = tpu.memref_squeeze %swap3A_144 : memref<1x128x128xf32, #tpu.memory_space<vmem>> -> memref<128x128xf32, #tpu.memory_space<vmem>>
      %swap3A_146 = arith.index_cast %scan3A_79 : i32 to index
      %swap3A_147 = arith.constant 112 : index
      %swap3A_148 = tpu.vector_load %swap3A_145[%swap3A_146, %swap3A_147] {strides = array<i32>} : memref<128x128xf32, #tpu.memory_space<vmem>>, vector<1x16xf32>,
      %swap3A_149 = vector.shape_cast %swap3A_148 : vector<1x16xf32> to vector<16xf32>
      %swap3A_150 = vector.shape_cast %broadcast_in_dim3A_1 : vector<16xf32> to vector<1x16xf32>
      tpu.vector_store %swap3A_145[%swap3A_146, %swap3A_147], %swap3A_150 {strides = array<i32>} : memref<128x128xf32, #tpu.memory_space<vmem>>, vector<1x16xf32>,
    }
    %scan3A_7 = arith.constant 128 : i32
    %add3A = arith.constant 0 : i32
    %add3A_8 = arith.addi %mul3A_0, %add3A : i32
    %run_scoped3A = arith.constant 0 : i32
    "tpu.region"() ({
      %run_scoped3A_79 = tpu.sem_alloc : memref<!tpu.dma_semaphore, #tpu.memory_space<semaphore_mem>>
      %dma_start3A_80 = arith.constant 0 : i32
      %dma_start3A_81 = arith.constant 0 : i32
      %dma_start3A_82 = tpu.memref_slice %arg8[%run_scoped3A, %dma_start3A_80, %dma_start3A_81] : memref<2x128x128xf32, #tpu.memory_space<vmem>> -> memref<1x128x128xf32, #tpu.memory_space<vmem>>
      %dma_start3A_83 = tpu.memref_squeeze %dma_start3A_82 : memref<1x128x128xf32, #tpu.memory_space<vmem>> -> memref<128x128xf32, #tpu.memory_space<vmem>>
      %dma_start3A_84 = arith.constant 0 : i32
      %dma_start3A_85 = tpu.memref_slice %arg9[%add3A_8, %dma_start3A_84] : memref<10240x128xf32, #tpu.memory_space<vmem_shared>> -> memref<128x128xf32, #tpu.memory_space<vmem_shared>>
      %dma_start3A_86 = arith.constant 0 : i32
      %dma_start3A_87 = tpu.memref_slice %arg9[%add3A_8, %dma_start3A_86] : memref<10240x128xf32, #tpu.memory_space<vmem_shared>> -> memref<128x128xf32, #tpu.memory_space<vmem_shared>>
      %dma_start3A_88 = arith.constant 0 : i32
      %dma_start3A_89 = arith.constant 0 : i32
      %dma_start3A_90 = tpu.memref_slice %arg8[%run_scoped3A, %dma_start3A_88, %dma_start3A_89] : memref<2x128x128xf32, #tpu.memory_space<vmem>> -> memref<1x128x128xf32, #tpu.memory_space<vmem>>
      %dma_start3A_91 = tpu.memref_squeeze %dma_start3A_90 : memref<1x128x128xf32, #tpu.memory_space<vmem>> -> memref<128x128xf32, #tpu.memory_space<vmem>>
      tpu.enqueue_dma source(%dma_start3A_91 : memref<128x128xf32, #tpu.memory_space<vmem>>) target(%dma_start3A_87 : memref<128x128xf32, #tpu.memory_space<vmem_shared>>) target_semaphore(%run_scoped3A_79 : memref<!tpu.dma_semaphore, #tpu.memory_space<semaphore_mem>>)
      %dma_wait3A_92 = arith.constant 0 : i32
      %dma_wait3A_93 = arith.constant 0 : i32
      %dma_wait3A_94 = tpu.memref_slice %arg8[%run_scoped3A, %dma_wait3A_92, %dma_wait3A_93] : memref<2x128x128xf32, #tpu.memory_space<vmem>> -> memref<1x128x128xf32, #tpu.memory_space<vmem>>
      %dma_wait3A_95 = tpu.memref_squeeze %dma_wait3A_94 : memref<1x128x128xf32, #tpu.memory_space<vmem>> -> memref<128x128xf32, #tpu.memory_space<vmem>>
      %dma_wait3A_96 = arith.constant 0 : i32
      %dma_wait3A_97 = tpu.memref_slice %arg9[%add3A_8, %dma_wait3A_96] : memref<10240x128xf32, #tpu.memory_space<vmem_shared>> -> memref<128x128xf32, #tpu.memory_space<vmem_shared>>
      %dma_wait3A_98 = arith.constant 0 : i32
      %dma_wait3A_99 = tpu.memref_slice %arg9[%add3A_8, %dma_wait3A_98] : memref<10240x128xf32, #tpu.memory_space<vmem_shared>> -> memref<128x128xf32, #tpu.memory_space<vmem_shared>>
      %dma_wait3A_100 = arith.constant 0 : i32
      %dma_wait3A_101 = arith.constant 0 : i32
      %dma_wait3A_102 = tpu.memref_slice %arg8[%run_scoped3A, %dma_wait3A_100, %dma_wait3A_101] : memref<2x128x128xf32, #tpu.memory_space<vmem>> -> memref<1x128x128xf32, #tpu.memory_space<vmem>>
      %dma_wait3A_103 = tpu.memref_squeeze %dma_wait3A_102 : memref<1x128x128xf32, #tpu.memory_space<vmem>> -> memref<128x128xf32, #tpu.memory_space<vmem>>
      tpu.wait_dma2 semaphore(%run_scoped3A_79 : memref<!tpu.dma_semaphore, #tpu.memory_space<semaphore_mem>>) src(%dma_wait3A_103 : memref<128x128xf32, #tpu.memory_space<vmem>>) dst(%dma_wait3A_99 : memref<128x128xf32, #tpu.memory_space<vmem_shared>>)
      tpu.yield
    }) : () -> ()
    %add3A_9 = arith.constant 128 : i32
    %add3A_10 = arith.addi %mul3A_0, %add3A_9 : i32
    %run_scoped3A_11 = arith.constant 0 : i32
    "tpu.region"() ({
      %run_scoped3A_79 = tpu.sem_alloc : memref<!tpu.dma_semaphore, #tpu.memory_space<semaphore_mem>>
      %dma_start3A_80 = arith.constant 0 : i32
      %dma_start3A_81 = arith.constant 0 : i32
      %dma_start3A_82 = tpu.memref_slice %arg8[%run_scoped3A_11, %dma_start3A_80, %dma_start3A_81] : memref<2x128x128xf32, #tpu.memory_space<vmem>> -> memref<1x128x128xf32, #tpu.memory_space<vmem>>
      %dma_start3A_83 = tpu.memref_squeeze %dma_start3A_82 : memref<1x128x128xf32, #tpu.memory_space<vmem>> -> memref<128x128xf32, #tpu.memory_space<vmem>>
      %dma_start3A_84 = arith.constant 0 : i32
      %dma_start3A_85 = tpu.memref_slice %arg9[%add3A_10, %dma_start3A_84] : memref<10240x128xf32, #tpu.memory_space<vmem_shared>> -> memref<128x128xf32, #tpu.memory_space<vmem_shared>>
      %dma_start3A_86 = arith.constant 0 : i32
      %dma_start3A_87 = tpu.memref_slice %arg9[%add3A_10, %dma_start3A_86] : memref<10240x128xf32, #tpu.memory_space<vmem_shared>> -> memref<128x128xf32, #tpu.memory_space<vmem_shared>>
      %dma_start3A_88 = arith.constant 0 : i32
      %dma_start3A_89 = arith.constant 0 : i32
      %dma_start3A_90 = tpu.memref_slice %arg8[%run_scoped3A_11, %dma_start3A_88, %dma_start3A_89] : memref<2x128x128xf32, #tpu.memory_space<vmem>> -> memref<1x128x128xf32, #tpu.memory_space<vmem>>
      %dma_start3A_91 = tpu.memref_squeeze %dma_start3A_90 : memref<1x128x128xf32, #tpu.memory_space<vmem>> -> memref<128x128xf32, #tpu.memory_space<vmem>>
      tpu.enqueue_dma source(%dma_start3A_91 : memref<128x128xf32, #tpu.memory_space<vmem>>) target(%dma_start3A_87 : memref<128x128xf32, #tpu.memory_space<vmem_shared>>) target_semaphore(%run_scoped3A_79 : memref<!tpu.dma_semaphore, #tpu.memory_space<semaphore_mem>>)
      %dma_wait3A_92 = arith.constant 0 : i32
      %dma_wait3A_93 = arith.constant 0 : i32
      %dma_wait3A_94 = tpu.memref_slice %arg8[%run_scoped3A_11, %dma_wait3A_92, %dma_wait3A_93] : memref<2x128x128xf32, #tpu.memory_space<vmem>> -> memref<1x128x128xf32, #tpu.memory_space<vmem>>
      %dma_wait3A_95 = tpu.memref_squeeze %dma_wait3A_94 : memref<1x128x128xf32, #tpu.memory_space<vmem>> -> memref<128x128xf32, #tpu.memory_space<vmem>>
      %dma_wait3A_96 = arith.constant 0 : i32
      %dma_wait3A_97 = tpu.memref_slice %arg9[%add3A_10, %dma_wait3A_96] : memref<10240x128xf32, #tpu.memory_space<vmem_shared>> -> memref<128x128xf32, #tpu.memory_space<vmem_shared>>
      %dma_wait3A_98 = arith.constant 0 : i32
      %dma_wait3A_99 = tpu.memref_slice %arg9[%add3A_10, %dma_wait3A_98] : memref<10240x128xf32, #tpu.memory_space<vmem_shared>> -> memref<128x128xf32, #tpu.memory_space<vmem_shared>>
      %dma_wait3A_100 = arith.constant 0 : i32
      %dma_wait3A_101 = arith.constant 0 : i32
      %dma_wait3A_102 = tpu.memref_slice %arg8[%run_scoped3A_11, %dma_wait3A_100, %dma_wait3A_101] : memref<2x128x128xf32, #tpu.memory_space<vmem>> -> memref<1x128x128xf32, #tpu.memory_space<vmem>>
      %dma_wait3A_103 = tpu.memref_squeeze %dma_wait3A_102 : memref<1x128x128xf32, #tpu.memory_space<vmem>> -> memref<128x128xf32, #tpu.memory_space<vmem>>
      tpu.wait_dma2 semaphore(%run_scoped3A_79 : memref<!tpu.dma_semaphore, #tpu.memory_space<semaphore_mem>>) src(%dma_wait3A_103 : memref<128x128xf32, #tpu.memory_space<vmem>>) dst(%dma_wait3A_99 : memref<128x128xf32, #tpu.memory_space<vmem_shared>>)
      tpu.yield
    }) : () -> ()
    %add3A_12 = arith.constant 256 : i32
    %add3A_13 = arith.addi %mul3A_0, %add3A_12 : i32
    %run_scoped3A_14 = arith.constant 0 : i32
    "tpu.region"() ({
      %run_scoped3A_79 = tpu.sem_alloc : memref<!tpu.dma_semaphore, #tpu.memory_space<semaphore_mem>>
      %dma_start3A_80 = arith.constant 0 : i32
      %dma_start3A_81 = arith.constant 0 : i32
      %dma_start3A_82 = tpu.memref_slice %arg8[%run_scoped3A_14, %dma_start3A_80, %dma_start3A_81] : memref<2x128x128xf32, #tpu.memory_space<vmem>> -> memref<1x128x128xf32, #tpu.memory_space<vmem>>
      %dma_start3A_83 = tpu.memref_squeeze %dma_start3A_82 : memref<1x128x128xf32, #tpu.memory_space<vmem>> -> memref<128x128xf32, #tpu.memory_space<vmem>>
      %dma_start3A_84 = arith.constant 0 : i32
      %dma_start3A_85 = tpu.memref_slice %arg9[%add3A_13, %dma_start3A_84] : memref<10240x128xf32, #tpu.memory_space<vmem_shared>> -> memref<128x128xf32, #tpu.memory_space<vmem_shared>>
      %dma_start3A_86 = arith.constant 0 : i32
      %dma_start3A_87 = tpu.memref_slice %arg9[%add3A_13, %dma_start3A_86] : memref<10240x128xf32, #tpu.memory_space<vmem_shared>> -> memref<128x128xf32, #tpu.memory_space<vmem_shared>>
      %dma_start3A_88 = arith.constant 0 : i32
      %dma_start3A_89 = arith.constant 0 : i32
      %dma_start3A_90 = tpu.memref_slice %arg8[%run_scoped3A_14, %dma_start3A_88, %dma_start3A_89] : memref<2x128x128xf32, #tpu.memory_space<vmem>> -> memref<1x128x128xf32, #tpu.memory_space<vmem>>
      %dma_start3A_91 = tpu.memref_squeeze %dma_start3A_90 : memref<1x128x128xf32, #tpu.memory_space<vmem>> -> memref<128x128xf32, #tpu.memory_space<vmem>>
      tpu.enqueue_dma source(%dma_start3A_91 : memref<128x128xf32, #tpu.memory_space<vmem>>) target(%dma_start3A_87 : memref<128x128xf32, #tpu.memory_space<vmem_shared>>) target_semaphore(%run_scoped3A_79 : memref<!tpu.dma_semaphore, #tpu.memory_space<semaphore_mem>>)
      %dma_wait3A_92 = arith.constant 0 : i32
      %dma_wait3A_93 = arith.constant 0 : i32
      %dma_wait3A_94 = tpu.memref_slice %arg8[%run_scoped3A_14, %dma_wait3A_92, %dma_wait3A_93] : memref<2x128x128xf32, #tpu.memory_space<vmem>> -> memref<1x128x128xf32, #tpu.memory_space<vmem>>
      %dma_wait3A_95 = tpu.memref_squeeze %dma_wait3A_94 : memref<1x128x128xf32, #tpu.memory_space<vmem>> -> memref<128x128xf32, #tpu.memory_space<vmem>>
      %dma_wait3A_96 = arith.constant 0 : i32
      %dma_wait3A_97 = tpu.memref_slice %arg9[%add3A_13, %dma_wait3A_96] : memref<10240x128xf32, #tpu.memory_space<vmem_shared>> -> memref<128x128xf32, #tpu.memory_space<vmem_shared>>
      %dma_wait3A_98 = arith.constant 0 : i32
      %dma_wait3A_99 = tpu.memref_slice %arg9[%add3A_13, %dma_wait3A_98] : memref<10240x128xf32, #tpu.memory_space<vmem_shared>> -> memref<128x128xf32, #tpu.memory_space<vmem_shared>>
      %dma_wait3A_100 = arith.constant 0 : i32
      %dma_wait3A_101 = arith.constant 0 : i32
      %dma_wait3A_102 = tpu.memref_slice %arg8[%run_scoped3A_14, %dma_wait3A_100, %dma_wait3A_101] : memref<2x128x128xf32, #tpu.memory_space<vmem>> -> memref<1x128x128xf32, #tpu.memory_space<vmem>>
      %dma_wait3A_103 = tpu.memref_squeeze %dma_wait3A_102 : memref<1x128x128xf32, #tpu.memory_space<vmem>> -> memref<128x128xf32, #tpu.memory_space<vmem>>
      tpu.wait_dma2 semaphore(%run_scoped3A_79 : memref<!tpu.dma_semaphore, #tpu.memory_space<semaphore_mem>>) src(%dma_wait3A_103 : memref<128x128xf32, #tpu.memory_space<vmem>>) dst(%dma_wait3A_99 : memref<128x128xf32, #tpu.memory_space<vmem_shared>>)
      tpu.yield
    }) : () -> ()
    %add3A_15 = arith.constant 384 : i32
    %add3A_16 = arith.addi %mul3A_0, %add3A_15 : i32
    %run_scoped3A_17 = arith.constant 0 : i32
    "tpu.region"() ({
      %run_scoped3A_79 = tpu.sem_alloc : memref<!tpu.dma_semaphore, #tpu.memory_space<semaphore_mem>>
      %dma_start3A_80 = arith.constant 0 : i32
      %dma_start3A_81 = arith.constant 0 : i32
      %dma_start3A_82 = tpu.memref_slice %arg8[%run_scoped3A_17, %dma_start3A_80, %dma_start3A_81] : memref<2x128x128xf32, #tpu.memory_space<vmem>> -> memref<1x128x128xf32, #tpu.memory_space<vmem>>
      %dma_start3A_83 = tpu.memref_squeeze %dma_start3A_82 : memref<1x128x128xf32, #tpu.memory_space<vmem>> -> memref<128x128xf32, #tpu.memory_space<vmem>>
      %dma_start3A_84 = arith.constant 0 : i32
      %dma_start3A_85 = tpu.memref_slice %arg9[%add3A_16, %dma_start3A_84] : memref<10240x128xf32, #tpu.memory_space<vmem_shared>> -> memref<128x128xf32, #tpu.memory_space<vmem_shared>>
      %dma_start3A_86 = arith.constant 0 : i32
      %dma_start3A_87 = tpu.memref_slice %arg9[%add3A_16, %dma_start3A_86] : memref<10240x128xf32, #tpu.memory_space<vmem_shared>> -> memref<128x128xf32, #tpu.memory_space<vmem_shared>>
      %dma_start3A_88 = arith.constant 0 : i32
      %dma_start3A_89 = arith.constant 0 : i32
      %dma_start3A_90 = tpu.memref_slice %arg8[%run_scoped3A_17, %dma_start3A_88, %dma_start3A_89] : memref<2x128x128xf32, #tpu.memory_space<vmem>> -> memref<1x128x128xf32, #tpu.memory_space<vmem>>
      %dma_start3A_91 = tpu.memref_squeeze %dma_start3A_90 : memref<1x128x128xf32, #tpu.memory_space<vmem>> -> memref<128x128xf32, #tpu.memory_space<vmem>>
      tpu.enqueue_dma source(%dma_start3A_91 : memref<128x128xf32, #tpu.memory_space<vmem>>) target(%dma_start3A_87 : memref<128x128xf32, #tpu.memory_space<vmem_shared>>) target_semaphore(%run_scoped3A_79 : memref<!tpu.dma_semaphore, #tpu.memory_space<semaphore_mem>>)
      %dma_wait3A_92 = arith.constant 0 : i32
      %dma_wait3A_93 = arith.constant 0 : i32
      %dma_wait3A_94 = tpu.memref_slice %arg8[%run_scoped3A_17, %dma_wait3A_92, %dma_wait3A_93] : memref<2x128x128xf32, #tpu.memory_space<vmem>> -> memref<1x128x128xf32, #tpu.memory_space<vmem>>
      %dma_wait3A_95 = tpu.memref_squeeze %dma_wait3A_94 : memref<1x128x128xf32, #tpu.memory_space<vmem>> -> memref<128x128xf32, #tpu.memory_space<vmem>>
      %dma_wait3A_96 = arith.constant 0 : i32
      %dma_wait3A_97 = tpu.memref_slice %arg9[%add3A_16, %dma_wait3A_96] : memref<10240x128xf32, #tpu.memory_space<vmem_shared>> -> memref<128x128xf32, #tpu.memory_space<vmem_shared>>
      %dma_wait3A_98 = arith.constant 0 : i32
      %dma_wait3A_99 = tpu.memref_slice %arg9[%add3A_16, %dma_wait3A_98] : memref<10240x128xf32, #tpu.memory_space<vmem_shared>> -> memref<128x128xf32, #tpu.memory_space<vmem_shared>>
      %dma_wait3A_100 = arith.constant 0 : i32
      %dma_wait3A_101 = arith.constant 0 : i32
      %dma_wait3A_102 = tpu.memref_slice %arg8[%run_scoped3A_17, %dma_wait3A_100, %dma_wait3A_101] : memref<2x128x128xf32, #tpu.memory_space<vmem>> -> memref<1x128x128xf32, #tpu.memory_space<vmem>>
      %dma_wait3A_103 = tpu.memref_squeeze %dma_wait3A_102 : memref<1x128x128xf32, #tpu.memory_space<vmem>> -> memref<128x128xf32, #tpu.memory_space<vmem>>
      tpu.wait_dma2 semaphore(%run_scoped3A_79 : memref<!tpu.dma_semaphore, #tpu.memory_space<semaphore_mem>>) src(%dma_wait3A_103 : memref<128x128xf32, #tpu.memory_space<vmem>>) dst(%dma_wait3A_99 : memref<128x128xf32, #tpu.memory_space<vmem_shared>>)
      tpu.yield
    }) : () -> ()
    %add3A_18 = arith.constant 512 : i32
    %add3A_19 = arith.addi %mul3A_0, %add3A_18 : i32
    %run_scoped3A_20 = arith.constant 0 : i32
    "tpu.region"() ({
      %run_scoped3A_79 = tpu.sem_alloc : memref<!tpu.dma_semaphore, #tpu.memory_space<semaphore_mem>>
      %dma_start3A_80 = arith.constant 0 : i32
      %dma_start3A_81 = arith.constant 0 : i32
      %dma_start3A_82 = tpu.memref_slice %arg8[%run_scoped3A_20, %dma_start3A_80, %dma_start3A_81] : memref<2x128x128xf32, #tpu.memory_space<vmem>> -> memref<1x128x128xf32, #tpu.memory_space<vmem>>
      %dma_start3A_83 = tpu.memref_squeeze %dma_start3A_82 : memref<1x128x128xf32, #tpu.memory_space<vmem>> -> memref<128x128xf32, #tpu.memory_space<vmem>>
      %dma_start3A_84 = arith.constant 0 : i32
      %dma_start3A_85 = tpu.memref_slice %arg9[%add3A_19, %dma_start3A_84] : memref<10240x128xf32, #tpu.memory_space<vmem_shared>> -> memref<128x128xf32, #tpu.memory_space<vmem_shared>>
      %dma_start3A_86 = arith.constant 0 : i32
      %dma_start3A_87 = tpu.memref_slice %arg9[%add3A_19, %dma_start3A_86] : memref<10240x128xf32, #tpu.memory_space<vmem_shared>> -> memref<128x128xf32, #tpu.memory_space<vmem_shared>>
      %dma_start3A_88 = arith.constant 0 : i32
      %dma_start3A_89 = arith.constant 0 : i32
      %dma_start3A_90 = tpu.memref_slice %arg8[%run_scoped3A_20, %dma_start3A_88, %dma_start3A_89] : memref<2x128x128xf32, #tpu.memory_space<vmem>> -> memref<1x128x128xf32, #tpu.memory_space<vmem>>
      %dma_start3A_91 = tpu.memref_squeeze %dma_start3A_90 : memref<1x128x128xf32, #tpu.memory_space<vmem>> -> memref<128x128xf32, #tpu.memory_space<vmem>>
      tpu.enqueue_dma source(%dma_start3A_91 : memref<128x128xf32, #tpu.memory_space<vmem>>) target(%dma_start3A_87 : memref<128x128xf32, #tpu.memory_space<vmem_shared>>) target_semaphore(%run_scoped3A_79 : memref<!tpu.dma_semaphore, #tpu.memory_space<semaphore_mem>>)
      %dma_wait3A_92 = arith.constant 0 : i32
      %dma_wait3A_93 = arith.constant 0 : i32
      %dma_wait3A_94 = tpu.memref_slice %arg8[%run_scoped3A_20, %dma_wait3A_92, %dma_wait3A_93] : memref<2x128x128xf32, #tpu.memory_space<vmem>> -> memref<1x128x128xf32, #tpu.memory_space<vmem>>
      %dma_wait3A_95 = tpu.memref_squeeze %dma_wait3A_94 : memref<1x128x128xf32, #tpu.memory_space<vmem>> -> memref<128x128xf32, #tpu.memory_space<vmem>>
      %dma_wait3A_96 = arith.constant 0 : i32
      %dma_wait3A_97 = tpu.memref_slice %arg9[%add3A_19, %dma_wait3A_96] : memref<10240x128xf32, #tpu.memory_space<vmem_shared>> -> memref<128x128xf32, #tpu.memory_space<vmem_shared>>
      %dma_wait3A_98 = arith.constant 0 : i32
      %dma_wait3A_99 = tpu.memref_slice %arg9[%add3A_19, %dma_wait3A_98] : memref<10240x128xf32, #tpu.memory_space<vmem_shared>> -> memref<128x128xf32, #tpu.memory_space<vmem_shared>>
      %dma_wait3A_100 = arith.constant 0 : i32
      %dma_wait3A_101 = arith.constant 0 : i32
      %dma_wait3A_102 = tpu.memref_slice %arg8[%run_scoped3A_20, %dma_wait3A_100, %dma_wait3A_101] : memref<2x128x128xf32, #tpu.memory_space<vmem>> -> memref<1x128x128xf32, #tpu.memory_space<vmem>>
      %dma_wait3A_103 = tpu.memref_squeeze %dma_wait3A_102 : memref<1x128x128xf32, #tpu.memory_space<vmem>> -> memref<128x128xf32, #tpu.memory_space<vmem>>
      tpu.wait_dma2 semaphore(%run_scoped3A_79 : memref<!tpu.dma_semaphore, #tpu.memory_space<semaphore_mem>>) src(%dma_wait3A_103 : memref<128x128xf32, #tpu.memory_space<vmem>>) dst(%dma_wait3A_99 : memref<128x128xf32, #tpu.memory_space<vmem_shared>>)
      tpu.yield
    }) : () -> ()
    %barrier3A = arith.constant 0 : index
    tpu.barrier barrier_id(%barrier3A)
    %mul3A_21 = arith.constant 16 : i32
    %mul3A_22 = arith.muli %arg0, %mul3A_21 : i32
    %add3A_23 = arith.addi %mul3A_22, %arg1 : i32
    %mul3A_24 = arith.constant 40 : i32
    %mul3A_25 = arith.muli %add3A_23, %mul3A_24 : i32
    "tpu.region"() ({
      %run_scoped3A_79 = tpu.sem_alloc : memref<!tpu.dma_semaphore, #tpu.memory_space<semaphore_mem>>
      %dma_start3A_80 = arith.constant 0 : i32
      %dma_start3A_81 = tpu.memref_slice %arg3[%mul3A_25, %dma_start3A_80] : memref<1280x128xi32, #tpu.memory_space<hbm>> -> memref<40x128xi32, #tpu.memory_space<hbm>>
      %dma_start3A_82 = arith.constant 0 : i32
      %dma_start3A_83 = tpu.memref_slice %arg3[%mul3A_25, %dma_start3A_82] : memref<1280x128xi32, #tpu.memory_space<hbm>> -> memref<40x128xi32, #tpu.memory_space<hbm>>
      tpu.enqueue_dma source(%dma_start3A_83 : memref<40x128xi32, #tpu.memory_space<hbm>>) target(%arg6 : memref<40x128xi32, #tpu.memory_space<vmem>>) target_semaphore(%run_scoped3A_79 : memref<!tpu.dma_semaphore, #tpu.memory_space<semaphore_mem>>)
      %dma_wait3A_84 = arith.constant 0 : i32
      %dma_wait3A_85 = tpu.memref_slice %arg3[%mul3A_25, %dma_wait3A_84] : memref<1280x128xi32, #tpu.memory_space<hbm>> -> memref<40x128xi32, #tpu.memory_space<hbm>>
      %dma_wait3A_86 = arith.constant 0 : i32
      %dma_wait3A_87 = tpu.memref_slice %arg3[%mul3A_25, %dma_wait3A_86] : memref<1280x128xi32, #tpu.memory_space<hbm>> -> memref<40x128xi32, #tpu.memory_space<hbm>>
      tpu.wait_dma2 semaphore(%run_scoped3A_79 : memref<!tpu.dma_semaphore, #tpu.memory_space<semaphore_mem>>) src(%dma_wait3A_87 : memref<40x128xi32, #tpu.memory_space<hbm>>) dst(%arg6 : memref<40x128xi32, #tpu.memory_space<vmem>>)
      tpu.yield
    }) : () -> ()
    "tpu.region"() ({
      %run_scoped3A_79 = tpu.sem_alloc : memref<!tpu.dma_semaphore, #tpu.memory_space<semaphore_mem>>
      %dma_start3A_80 = arith.constant 0 : i32
      %dma_start3A_81 = tpu.memref_slice %arg4[%mul3A_25, %dma_start3A_80] : memref<1280x128xi32, #tpu.memory_space<hbm>> -> memref<40x128xi32, #tpu.memory_space<hbm>>
      %dma_start3A_82 = arith.constant 0 : i32
      %dma_start3A_83 = tpu.memref_slice %arg4[%mul3A_25, %dma_start3A_82] : memref<1280x128xi32, #tpu.memory_space<hbm>> -> memref<40x128xi32, #tpu.memory_space<hbm>>
      tpu.enqueue_dma source(%dma_start3A_83 : memref<40x128xi32, #tpu.memory_space<hbm>>) target(%arg7 : memref<40x128xi32, #tpu.memory_space<vmem>>) target_semaphore(%run_scoped3A_79 : memref<!tpu.dma_semaphore, #tpu.memory_space<semaphore_mem>>)
      %dma_wait3A_84 = arith.constant 0 : i32
      %dma_wait3A_85 = tpu.memref_slice %arg4[%mul3A_25, %dma_wait3A_84] : memref<1280x128xi32, #tpu.memory_space<hbm>> -> memref<40x128xi32, #tpu.memory_space<hbm>>
      %dma_wait3A_86 = arith.constant 0 : i32
      %dma_wait3A_87 = tpu.memref_slice %arg4[%mul3A_25, %dma_wait3A_86] : memref<1280x128xi32, #tpu.memory_space<hbm>> -> memref<40x128xi32, #tpu.memory_space<hbm>>
      tpu.wait_dma2 semaphore(%run_scoped3A_79 : memref<!tpu.dma_semaphore, #tpu.memory_space<semaphore_mem>>) src(%dma_wait3A_87 : memref<40x128xi32, #tpu.memory_space<hbm>>) dst(%arg7 : memref<40x128xi32, #tpu.memory_space<vmem>>)
      tpu.yield
    }) : () -> ()
    %dma_start3A = arith.constant 0 : i32
    %dma_start3A_26 = arith.constant 0 : i32
    %dma_start3A_27 = arith.constant 0 : i32
    %dma_start3A_28 = arith.constant 0 : i32
    %dma_start3A_29 = tpu.memref_slice %arg8[%dma_start3A_26, %dma_start3A_27, %dma_start3A_28] : memref<2x128x128xf32, #tpu.memory_space<vmem>> -> memref<1x128x128xf32, #tpu.memory_space<vmem>>
    %dma_start3A_30 = tpu.memref_squeeze %dma_start3A_29 : memref<1x128x128xf32, #tpu.memory_space<vmem>> -> memref<128x128xf32, #tpu.memory_space<vmem>>
    %dma_start3A_31 = arith.constant 0 : i32
    %dma_start3A_32 = tpu.memref_slice %arg6[%dma_start3A, %dma_start3A_31] : memref<40x128xi32, #tpu.memory_space<vmem>> -> memref<1x128xi32, #tpu.memory_space<vmem>>
    %dma_start3A_33 = tpu.memref_squeeze %dma_start3A_32 : memref<1x128xi32, #tpu.memory_space<vmem>> -> memref<128xi32, #tpu.memory_space<vmem>>
    %dma_start3A_34 = arith.constant 0 : i32
    %dma_start3A_35 = arith.constant 0 : i32
    %dma_start3A_36 = tpu.memref_slice %arg2[%dma_start3A_34, %dma_start3A_35] : memref<10000x128xf32, #tpu.memory_space<hbm>> -> memref<10000x128xf32, #tpu.memory_space<hbm>>
    tpu.enqueue_indirect_dma source(%dma_start3A_36 : memref<10000x128xf32, #tpu.memory_space<hbm>>) target(%dma_start3A_30 : memref<128x128xf32, #tpu.memory_space<vmem>>) offsets(%dma_start3A_33 : memref<128xi32, #tpu.memory_space<vmem>>) semaphore(%arg10 : memref<!tpu.dma_semaphore, #tpu.memory_space<semaphore_mem>>)
    %dma_start3A_37 = arith.constant 1 : i32
    %dma_start3A_38 = arith.constant 1 : i32
    %dma_start3A_39 = arith.constant 0 : i32
    %dma_start3A_40 = arith.constant 0 : i32
    %dma_start3A_41 = tpu.memref_slice %arg8[%dma_start3A_38, %dma_start3A_39, %dma_start3A_40] : memref<2x128x128xf32, #tpu.memory_space<vmem>> -> memref<1x128x128xf32, #tpu.memory_space<vmem>>
    %dma_start3A_42 = tpu.memref_squeeze %dma_start3A_41 : memref<1x128x128xf32, #tpu.memory_space<vmem>> -> memref<128x128xf32, #tpu.memory_space<vmem>>
    %dma_start3A_43 = arith.constant 0 : i32
    %dma_start3A_44 = tpu.memref_slice %arg6[%dma_start3A_37, %dma_start3A_43] : memref<40x128xi32, #tpu.memory_space<vmem>> -> memref<1x128xi32, #tpu.memory_space<vmem>>
    %dma_start3A_45 = tpu.memref_squeeze %dma_start3A_44 : memref<1x128xi32, #tpu.memory_space<vmem>> -> memref<128xi32, #tpu.memory_space<vmem>>
    %dma_start3A_46 = arith.constant 0 : i32
    %dma_start3A_47 = arith.constant 0 : i32
    %dma_start3A_48 = tpu.memref_slice %arg2[%dma_start3A_46, %dma_start3A_47] : memref<10000x128xf32, #tpu.memory_space<hbm>> -> memref<10000x128xf32, #tpu.memory_space<hbm>>
    tpu.enqueue_indirect_dma source(%dma_start3A_48 : memref<10000x128xf32, #tpu.memory_space<hbm>>) target(%dma_start3A_42 : memref<128x128xf32, #tpu.memory_space<vmem>>) offsets(%dma_start3A_45 : memref<128xi32, #tpu.memory_space<vmem>>) semaphore(%arg11 : memref<!tpu.dma_semaphore, #tpu.memory_space<semaphore_mem>>)
    %scan3A_49 = arith.constant 0 : i32
    %scan3A_50 = arith.constant 0 : i32
    %scan3A_51 = arith.constant 20 : i32
    %scan3A_52 = arith.addi %scan3A_50, %scan3A_51 : i32
    %scan3A_53 = arith.constant 1 : i32
    scf.for %scan3A_79 = %scan3A_50 to %scan3A_52 step %scan3A_53  : i32 {
      %mul3A_80 = arith.constant 2 : i32
      %mul3A_81 = arith.muli %scan3A_79, %mul3A_80 : i32
      %add3A_82 = arith.constant 0 : i32
      %add3A_83 = arith.addi %mul3A_81, %add3A_82 : i32
      %dma_wait3A_84 = arith.constant 0 : i32
      %dma_wait3A_85 = arith.constant 0 : i32
      %dma_wait3A_86 = arith.constant 0 : i32
      %dma_wait3A_87 = tpu.memref_slice %arg8[%dma_wait3A_84, %dma_wait3A_85, %dma_wait3A_86] : memref<2x128x128xf32, #tpu.memory_space<vmem>> -> memref<1x128x128xf32, #tpu.memory_space<vmem>>
      %dma_wait3A_88 = tpu.memref_squeeze %dma_wait3A_87 : memref<1x128x128xf32, #tpu.memory_space<vmem>> -> memref<128x128xf32, #tpu.memory_space<vmem>>
      %dma_wait3A_89 = arith.constant 0 : i32
      %dma_wait3A_90 = tpu.memref_slice %arg6[%add3A_83, %dma_wait3A_89] : memref<40x128xi32, #tpu.memory_space<vmem>> -> memref<1x128xi32, #tpu.memory_space<vmem>>
      %dma_wait3A_91 = tpu.memref_squeeze %dma_wait3A_90 : memref<1x128xi32, #tpu.memory_space<vmem>> -> memref<128xi32, #tpu.memory_space<vmem>>
      %dma_wait3A_92 = arith.constant 0 : i32
      %dma_wait3A_93 = arith.constant 0 : i32
      %dma_wait3A_94 = tpu.memref_slice %arg2[%dma_wait3A_92, %dma_wait3A_93] : memref<10000x128xf32, #tpu.memory_space<hbm>> -> memref<10000x128xf32, #tpu.memory_space<hbm>>
      tpu.wait_indirect_dma semaphore(%arg10 : memref<!tpu.dma_semaphore, #tpu.memory_space<semaphore_mem>>) src(%dma_wait3A_94 : memref<10000x128xf32, #tpu.memory_space<hbm>>) dst(%dma_wait3A_88 : memref<128x128xf32, #tpu.memory_space<vmem>>)
      %dma_start3A_95 = arith.constant 0 : i32
      %dma_start3A_96 = arith.constant 0 : i32
      %dma_start3A_97 = arith.constant 0 : i32
      %dma_start3A_98 = tpu.memref_slice %arg8[%dma_start3A_95, %dma_start3A_96, %dma_start3A_97] : memref<2x128x128xf32, #tpu.memory_space<vmem>> -> memref<1x128x128xf32, #tpu.memory_space<vmem>>
      %dma_start3A_99 = tpu.memref_squeeze %dma_start3A_98 : memref<1x128x128xf32, #tpu.memory_space<vmem>> -> memref<128x128xf32, #tpu.memory_space<vmem>>
      %dma_start3A_100 = arith.constant 0 : i32
      %dma_start3A_101 = tpu.memref_slice %arg7[%add3A_83, %dma_start3A_100] : memref<40x128xi32, #tpu.memory_space<vmem>> -> memref<1x128xi32, #tpu.memory_space<vmem>>
      %dma_start3A_102 = tpu.memref_squeeze %dma_start3A_101 : memref<1x128xi32, #tpu.memory_space<vmem>> -> memref<128xi32, #tpu.memory_space<vmem>>
      %dma_start3A_103 = arith.constant 0 : i32
      %dma_start3A_104 = arith.constant 0 : i32
      %dma_start3A_105 = tpu.memref_slice %arg9[%dma_start3A_103, %dma_start3A_104] : memref<10240x128xf32, #tpu.memory_space<vmem_shared>> -> memref<10240x128xf32, #tpu.memory_space<vmem_shared>>
      tpu.enqueue_indirect_dma source(%dma_start3A_99 : memref<128x128xf32, #tpu.memory_space<vmem>>) target(%dma_start3A_105 : memref<10240x128xf32, #tpu.memory_space<vmem_shared>>) offsets(%dma_start3A_102 : memref<128xi32, #tpu.memory_space<vmem>>) semaphore(%arg12 : memref<!tpu.dma_semaphore, #tpu.memory_space<semaphore_mem>>) {add = true}
      %add3A_106 = arith.constant 2 : i32
      %add3A_107 = arith.addi %add3A_83, %add3A_106 : i32
      %lt3A = arith.constant 40 : i32
      %lt3A_108 = arith.cmpi slt, %add3A_107, %lt3A : i32
      %convert_element_type3A = arith.extui %lt3A_108 : i1 to i32
      %cond3A = arith.constant 0 : i32
      %cond3A_109 = arith.cmpi ne, %convert_element_type3A, %cond3A : i32
      scf.if %cond3A_109 {
        %dma_wait3A_141 = arith.constant 0 : i32
        %dma_wait3A_142 = arith.constant 0 : i32
        %dma_wait3A_143 = arith.constant 0 : i32
        %dma_wait3A_144 = tpu.memref_slice %arg8[%dma_wait3A_141, %dma_wait3A_142, %dma_wait3A_143] : memref<2x128x128xf32, #tpu.memory_space<vmem>> -> memref<1x128x128xf32, #tpu.memory_space<vmem>>
        %dma_wait3A_145 = tpu.memref_squeeze %dma_wait3A_144 : memref<1x128x128xf32, #tpu.memory_space<vmem>> -> memref<128x128xf32, #tpu.memory_space<vmem>>
        %dma_wait3A_146 = arith.constant 0 : i32
        %dma_wait3A_147 = tpu.memref_slice %arg7[%add3A_83, %dma_wait3A_146] : memref<40x128xi32, #tpu.memory_space<vmem>> -> memref<1x128xi32, #tpu.memory_space<vmem>>
        %dma_wait3A_148 = tpu.memref_squeeze %dma_wait3A_147 : memref<1x128xi32, #tpu.memory_space<vmem>> -> memref<128xi32, #tpu.memory_space<vmem>>
        %dma_wait3A_149 = arith.constant 0 : i32
        %dma_wait3A_150 = arith.constant 0 : i32
        %dma_wait3A_151 = tpu.memref_slice %arg9[%dma_wait3A_149, %dma_wait3A_150] : memref<10240x128xf32, #tpu.memory_space<vmem_shared>> -> memref<10240x128xf32, #tpu.memory_space<vmem_shared>>
        tpu.wait_indirect_dma semaphore(%arg12 : memref<!tpu.dma_semaphore, #tpu.memory_space<semaphore_mem>>) src(%dma_wait3A_145 : memref<128x128xf32, #tpu.memory_space<vmem>>) dst(%dma_wait3A_151 : memref<10240x128xf32, #tpu.memory_space<vmem_shared>>)
        %add3A_152 = arith.constant 2 : i32
        %add3A_153 = arith.addi %add3A_83, %add3A_152 : i32
        %dma_start3A_154 = arith.constant 0 : i32
        %dma_start3A_155 = arith.constant 0 : i32
        %dma_start3A_156 = arith.constant 0 : i32
        %dma_start3A_157 = tpu.memref_slice %arg8[%dma_start3A_154, %dma_start3A_155, %dma_start3A_156] : memref<2x128x128xf32, #tpu.memory_space<vmem>> -> memref<1x128x128xf32, #tpu.memory_space<vmem>>
        %dma_start3A_158 = tpu.memref_squeeze %dma_start3A_157 : memref<1x128x128xf32, #tpu.memory_space<vmem>> -> memref<128x128xf32, #tpu.memory_space<vmem>>
        %dma_start3A_159 = arith.constant 0 : i32
        %dma_start3A_160 = tpu.memref_slice %arg6[%add3A_153, %dma_start3A_159] : memref<40x128xi32, #tpu.memory_space<vmem>> -> memref<1x128xi32, #tpu.memory_space<vmem>>
        %dma_start3A_161 = tpu.memref_squeeze %dma_start3A_160 : memref<1x128xi32, #tpu.memory_space<vmem>> -> memref<128xi32, #tpu.memory_space<vmem>>
        %dma_start3A_162 = arith.constant 0 : i32
        %dma_start3A_163 = arith.constant 0 : i32
        %dma_start3A_164 = tpu.memref_slice %arg2[%dma_start3A_162, %dma_start3A_163] : memref<10000x128xf32, #tpu.memory_space<hbm>> -> memref<10000x128xf32, #tpu.memory_space<hbm>>
        tpu.enqueue_indirect_dma source(%dma_start3A_164 : memref<10000x128xf32, #tpu.memory_space<hbm>>) target(%dma_start3A_158 : memref<128x128xf32, #tpu.memory_space<vmem>>) offsets(%dma_start3A_161 : memref<128xi32, #tpu.memory_space<vmem>>) semaphore(%arg10 : memref<!tpu.dma_semaphore, #tpu.memory_space<semaphore_mem>>)
      } else {
      }
      %add3A_110 = arith.constant 1 : i32
      %add3A_111 = arith.addi %mul3A_81, %add3A_110 : i32
      %dma_wait3A_112 = arith.constant 1 : i32
      %dma_wait3A_113 = arith.constant 0 : i32
      %dma_wait3A_114 = arith.constant 0 : i32
      %dma_wait3A_115 = tpu.memref_slice %arg8[%dma_wait3A_112, %dma_wait3A_113, %dma_wait3A_114] : memref<2x128x128xf32, #tpu.memory_space<vmem>> -> memref<1x128x128xf32, #tpu.memory_space<vmem>>
      %dma_wait3A_116 = tpu.memref_squeeze %dma_wait3A_115 : memref<1x128x128xf32, #tpu.memory_space<vmem>> -> memref<128x128xf32, #tpu.memory_space<vmem>>
      %dma_wait3A_117 = arith.constant 0 : i32
      %dma_wait3A_118 = tpu.memref_slice %arg6[%add3A_111, %dma_wait3A_117] : memref<40x128xi32, #tpu.memory_space<vmem>> -> memref<1x128xi32, #tpu.memory_space<vmem>>
      %dma_wait3A_119 = tpu.memref_squeeze %dma_wait3A_118 : memref<1x128xi32, #tpu.memory_space<vmem>> -> memref<128xi32, #tpu.memory_space<vmem>>
      %dma_wait3A_120 = arith.constant 0 : i32
      %dma_wait3A_121 = arith.constant 0 : i32
      %dma_wait3A_122 = tpu.memref_slice %arg2[%dma_wait3A_120, %dma_wait3A_121] : memref<10000x128xf32, #tpu.memory_space<hbm>> -> memref<10000x128xf32, #tpu.memory_space<hbm>>
      tpu.wait_indirect_dma semaphore(%arg11 : memref<!tpu.dma_semaphore, #tpu.memory_space<semaphore_mem>>) src(%dma_wait3A_122 : memref<10000x128xf32, #tpu.memory_space<hbm>>) dst(%dma_wait3A_116 : memref<128x128xf32, #tpu.memory_space<vmem>>)
      %dma_start3A_123 = arith.constant 1 : i32
      %dma_start3A_124 = arith.constant 0 : i32
      %dma_start3A_125 = arith.constant 0 : i32
      %dma_start3A_126 = tpu.memref_slice %arg8[%dma_start3A_123, %dma_start3A_124, %dma_start3A_125] : memref<2x128x128xf32, #tpu.memory_space<vmem>> -> memref<1x128x128xf32, #tpu.memory_space<vmem>>
      %dma_start3A_127 = tpu.memref_squeeze %dma_start3A_126 : memref<1x128x128xf32, #tpu.memory_space<vmem>> -> memref<128x128xf32, #tpu.memory_space<vmem>>
      %dma_start3A_128 = arith.constant 0 : i32
      %dma_start3A_129 = tpu.memref_slice %arg7[%add3A_111, %dma_start3A_128] : memref<40x128xi32, #tpu.memory_space<vmem>> -> memref<1x128xi32, #tpu.memory_space<vmem>>
      %dma_start3A_130 = tpu.memref_squeeze %dma_start3A_129 : memref<1x128xi32, #tpu.memory_space<vmem>> -> memref<128xi32, #tpu.memory_space<vmem>>
      %dma_start3A_131 = arith.constant 0 : i32
      %dma_start3A_132 = arith.constant 0 : i32
      %dma_start3A_133 = tpu.memref_slice %arg9[%dma_start3A_131, %dma_start3A_132] : memref<10240x128xf32, #tpu.memory_space<vmem_shared>> -> memref<10240x128xf32, #tpu.memory_space<vmem_shared>>
      tpu.enqueue_indirect_dma source(%dma_start3A_127 : memref<128x128xf32, #tpu.memory_space<vmem>>) target(%dma_start3A_133 : memref<10240x128xf32, #tpu.memory_space<vmem_shared>>) offsets(%dma_start3A_130 : memref<128xi32, #tpu.memory_space<vmem>>) semaphore(%arg13 : memref<!tpu.dma_semaphore, #tpu.memory_space<semaphore_mem>>) {add = true}
      %add3A_134 = arith.constant 2 : i32
      %add3A_135 = arith.addi %add3A_111, %add3A_134 : i32
      %lt3A_136 = arith.constant 40 : i32
      %lt3A_137 = arith.cmpi slt, %add3A_135, %lt3A_136 : i32
      %convert_element_type3A_138 = arith.extui %lt3A_137 : i1 to i32
      %cond3A_139 = arith.constant 0 : i32
      %cond3A_140 = arith.cmpi ne, %convert_element_type3A_138, %cond3A_139 : i32
      scf.if %cond3A_140 {
        %dma_wait3A_141 = arith.constant 1 : i32
        %dma_wait3A_142 = arith.constant 0 : i32
        %dma_wait3A_143 = arith.constant 0 : i32
        %dma_wait3A_144 = tpu.memref_slice %arg8[%dma_wait3A_141, %dma_wait3A_142, %dma_wait3A_143] : memref<2x128x128xf32, #tpu.memory_space<vmem>> -> memref<1x128x128xf32, #tpu.memory_space<vmem>>
        %dma_wait3A_145 = tpu.memref_squeeze %dma_wait3A_144 : memref<1x128x128xf32, #tpu.memory_space<vmem>> -> memref<128x128xf32, #tpu.memory_space<vmem>>
        %dma_wait3A_146 = arith.constant 0 : i32
        %dma_wait3A_147 = tpu.memref_slice %arg7[%add3A_111, %dma_wait3A_146] : memref<40x128xi32, #tpu.memory_space<vmem>> -> memref<1x128xi32, #tpu.memory_space<vmem>>
        %dma_wait3A_148 = tpu.memref_squeeze %dma_wait3A_147 : memref<1x128xi32, #tpu.memory_space<vmem>> -> memref<128xi32, #tpu.memory_space<vmem>>
        %dma_wait3A_149 = arith.constant 0 : i32
        %dma_wait3A_150 = arith.constant 0 : i32
        %dma_wait3A_151 = tpu.memref_slice %arg9[%dma_wait3A_149, %dma_wait3A_150] : memref<10240x128xf32, #tpu.memory_space<vmem_shared>> -> memref<10240x128xf32, #tpu.memory_space<vmem_shared>>
        tpu.wait_indirect_dma semaphore(%arg13 : memref<!tpu.dma_semaphore, #tpu.memory_space<semaphore_mem>>) src(%dma_wait3A_145 : memref<128x128xf32, #tpu.memory_space<vmem>>) dst(%dma_wait3A_151 : memref<10240x128xf32, #tpu.memory_space<vmem_shared>>)
        %add3A_152 = arith.constant 2 : i32
        %add3A_153 = arith.addi %add3A_111, %add3A_152 : i32
        %dma_start3A_154 = arith.constant 1 : i32
        %dma_start3A_155 = arith.constant 0 : i32
        %dma_start3A_156 = arith.constant 0 : i32
        %dma_start3A_157 = tpu.memref_slice %arg8[%dma_start3A_154, %dma_start3A_155, %dma_start3A_156] : memref<2x128x128xf32, #tpu.memory_space<vmem>> -> memref<1x128x128xf32, #tpu.memory_space<vmem>>
        %dma_start3A_158 = tpu.memref_squeeze %dma_start3A_157 : memref<1x128x128xf32, #tpu.memory_space<vmem>> -> memref<128x128xf32, #tpu.memory_space<vmem>>
        %dma_start3A_159 = arith.constant 0 : i32
        %dma_start3A_160 = tpu.memref_slice %arg6[%add3A_153, %dma_start3A_159] : memref<40x128xi32, #tpu.memory_space<vmem>> -> memref<1x128xi32, #tpu.memory_space<vmem>>
        %dma_start3A_161 = tpu.memref_squeeze %dma_start3A_160 : memref<1x128xi32, #tpu.memory_space<vmem>> -> memref<128xi32, #tpu.memory_space<vmem>>
        %dma_start3A_162 = arith.constant 0 : i32
        %dma_start3A_163 = arith.constant 0 : i32
        %dma_start3A_164 = tpu.memref_slice %arg2[%dma_start3A_162, %dma_start3A_163] : memref<10000x128xf32, #tpu.memory_space<hbm>> -> memref<10000x128xf32, #tpu.memory_space<hbm>>
        tpu.enqueue_indirect_dma source(%dma_start3A_164 : memref<10000x128xf32, #tpu.memory_space<hbm>>) target(%dma_start3A_158 : memref<128x128xf32, #tpu.memory_space<vmem>>) offsets(%dma_start3A_161 : memref<128xi32, #tpu.memory_space<vmem>>) semaphore(%arg11 : memref<!tpu.dma_semaphore, #tpu.memory_space<semaphore_mem>>)
      } else {
      }
    }
    %scan3A_54 = arith.constant 20 : i32
    %dma_wait3A = arith.constant 0 : i32
    %dma_wait3A_55 = arith.constant 0 : i32
    %dma_wait3A_56 = arith.constant 0 : i32
    %dma_wait3A_57 = arith.constant 0 : i32
    %dma_wait3A_58 = tpu.memref_slice %arg8[%dma_wait3A, %dma_wait3A_56, %dma_wait3A_57] : memref<2x128x128xf32, #tpu.memory_space<vmem>> -> memref<1x128x128xf32, #tpu.memory_space<vmem>>
    %dma_wait3A_59 = tpu.memref_squeeze %dma_wait3A_58 : memref<1x128x128xf32, #tpu.memory_space<vmem>> -> memref<128x128xf32, #tpu.memory_space<vmem>>
    %dma_wait3A_60 = arith.constant 0 : i32
    %dma_wait3A_61 = tpu.memref_slice %arg7[%dma_wait3A_55, %dma_wait3A_60] : memref<40x128xi32, #tpu.memory_space<vmem>> -> memref<1x128xi32, #tpu.memory_space<vmem>>
    %dma_wait3A_62 = tpu.memref_squeeze %dma_wait3A_61 : memref<1x128xi32, #tpu.memory_space<vmem>> -> memref<128xi32, #tpu.memory_space<vmem>>
    %dma_wait3A_63 = arith.constant 0 : i32
    %dma_wait3A_64 = arith.constant 0 : i32
    %dma_wait3A_65 = tpu.memref_slice %arg9[%dma_wait3A_63, %dma_wait3A_64] : memref<10240x128xf32, #tpu.memory_space<vmem_shared>> -> memref<10240x128xf32, #tpu.memory_space<vmem_shared>>
    tpu.wait_indirect_dma semaphore(%arg12 : memref<!tpu.dma_semaphore, #tpu.memory_space<semaphore_mem>>) src(%dma_wait3A_59 : memref<128x128xf32, #tpu.memory_space<vmem>>) dst(%dma_wait3A_65 : memref<10240x128xf32, #tpu.memory_space<vmem_shared>>)
    %dma_wait3A_66 = arith.constant 1 : i32
    %dma_wait3A_67 = arith.constant 0 : i32
    %dma_wait3A_68 = arith.constant 0 : i32
    %dma_wait3A_69 = arith.constant 0 : i32
    %dma_wait3A_70 = tpu.memref_slice %arg8[%dma_wait3A_66, %dma_wait3A_68, %dma_wait3A_69] : memref<2x128x128xf32, #tpu.memory_space<vmem>> -> memref<1x128x128xf32, #tpu.memory_space<vmem>>
    %dma_wait3A_71 = tpu.memref_squeeze %dma_wait3A_70 : memref<1x128x128xf32, #tpu.memory_space<vmem>> -> memref<128x128xf32, #tpu.memory_space<vmem>>
    %dma_wait3A_72 = arith.constant 0 : i32
    %dma_wait3A_73 = tpu.memref_slice %arg7[%dma_wait3A_67, %dma_wait3A_72] : memref<40x128xi32, #tpu.memory_space<vmem>> -> memref<1x128xi32, #tpu.memory_space<vmem>>
    %dma_wait3A_74 = tpu.memref_squeeze %dma_wait3A_73 : memref<1x128xi32, #tpu.memory_space<vmem>> -> memref<128xi32, #tpu.memory_space<vmem>>
    %dma_wait3A_75 = arith.constant 0 : i32
    %dma_wait3A_76 = arith.constant 0 : i32
    %dma_wait3A_77 = tpu.memref_slice %arg9[%dma_wait3A_75, %dma_wait3A_76] : memref<10240x128xf32, #tpu.memory_space<vmem_shared>> -> memref<10240x128xf32, #tpu.memory_space<vmem_shared>>
    tpu.wait_indirect_dma semaphore(%arg13 : memref<!tpu.dma_semaphore, #tpu.memory_space<semaphore_mem>>) src(%dma_wait3A_71 : memref<128x128xf32, #tpu.memory_space<vmem>>) dst(%dma_wait3A_77 : memref<10240x128xf32, #tpu.memory_space<vmem_shared>>)
    %barrier3A_78 = arith.constant 0 : index
    tpu.barrier barrier_id(%barrier3A_78)
    "tpu.region"() ({
      %run_scoped3A_79 = tpu.sem_alloc : memref<!tpu.dma_semaphore, #tpu.memory_space<semaphore_mem>>
      %dma_start3A_80 = arith.constant 0 : i32
      %dma_start3A_81 = tpu.memref_slice %arg5[%arg0, %mul3A_0, %dma_start3A_80] : memref<2x10240x128xf32, #tpu.memory_space<hbm>> -> memref<1x640x128xf32, #tpu.memory_space<hbm>>
      %dma_start3A_82 = tpu.memref_squeeze %dma_start3A_81 : memref<1x640x128xf32, #tpu.memory_space<hbm>> -> memref<640x128xf32, #tpu.memory_space<hbm>>
      %dma_start3A_83 = arith.constant 0 : i32
      %dma_start3A_84 = tpu.memref_slice %arg9[%mul3A_0, %dma_start3A_83] : memref<10240x128xf32, #tpu.memory_space<vmem_shared>> -> memref<640x128xf32, #tpu.memory_space<vmem_shared>>
      tpu.enqueue_dma source(%dma_start3A_84 : memref<640x128xf32, #tpu.memory_space<vmem_shared>>) target(%dma_start3A_82 : memref<640x128xf32, #tpu.memory_space<hbm>>) target_semaphore(%run_scoped3A_79 : memref<!tpu.dma_semaphore, #tpu.memory_space<semaphore_mem>>)
      %dma_wait3A_85 = arith.constant 0 : i32
      %dma_wait3A_86 = tpu.memref_slice %arg5[%arg0, %mul3A_0, %dma_wait3A_85] : memref<2x10240x128xf32, #tpu.memory_space<hbm>> -> memref<1x640x128xf32, #tpu.memory_space<hbm>>
      %dma_wait3A_87 = tpu.memref_squeeze %dma_wait3A_86 : memref<1x640x128xf32, #tpu.memory_space<hbm>> -> memref<640x128xf32, #tpu.memory_space<hbm>>
      %dma_wait3A_88 = arith.constant 0 : i32
      %dma_wait3A_89 = tpu.memref_slice %arg9[%mul3A_0, %dma_wait3A_88] : memref<10240x128xf32, #tpu.memory_space<vmem_shared>> -> memref<640x128xf32, #tpu.memory_space<vmem_shared>>
      tpu.wait_dma2 semaphore(%run_scoped3A_79 : memref<!tpu.dma_semaphore, #tpu.memory_space<semaphore_mem>>) src(%dma_wait3A_89 : memref<640x128xf32, #tpu.memory_space<vmem_shared>>) dst(%dma_wait3A_87 : memref<640x128xf32, #tpu.memory_space<hbm>>)
      tpu.yield
    }) : () -> ()
    return
  }
}

#map = affine_map<(d0, d1) -> (0, 0)>
#map1 = affine_map<(d0, d1) -> (0, 0, 0)>
module attributes {stable_mosaic.version = 14 : i64} {
  func.func @agg(%arg0: i32, %arg1: i32, %arg2: memref<10000x128xf32, #tpu.memory_space<hbm>>, %arg3: memref<1280x128xi32, #tpu.memory_space<hbm>>, %arg4: memref<1280x128xi32, #tpu.memory_space<hbm>>, %arg5: memref<2x10240x128xf32, #tpu.memory_space<hbm>>, %arg6: memref<40x128xi32, #tpu.memory_space<vmem>>, %arg7: memref<40x128xi32, #tpu.memory_space<vmem>>, %arg8: memref<2x128x128xf32, #tpu.memory_space<vmem>>, %arg9: memref<10240x128xf32, #tpu.memory_space<vmem_shared>>, %arg10: memref<!tpu.dma_semaphore, #tpu.memory_space<semaphore_mem>>, %arg11: memref<!tpu.dma_semaphore, #tpu.memory_space<semaphore_mem>>, %arg12: memref<!tpu.dma_semaphore, #tpu.memory_space<semaphore_mem>>, %arg13: memref<!tpu.dma_semaphore, #tpu.memory_space<semaphore_mem>>) attributes {dimension_semantics = [#tpu.dimension_semantics<core_parallel>, #tpu.dimension_semantics<subcore_parallel>], iteration_bounds = array<i64: 2, 16>, scalar_prefetch = 0 : i64, scratch_operands = 8 : i64, tpu.core_type = #tpu.core_type<sc_vector_subcore>, window_params = [{transform_indices = #map}, {transform_indices = #map}, {transform_indices = #map}, {transform_indices = #map1}]} {
    %mul3A = arith.constant 640 : i32
    %mul3A_0 = arith.muli %arg1, %mul3A : i32
    %broadcast_in_dim3A = arith.constant 0.000000e+00 : f32
    %broadcast_in_dim3A_1 = vector.broadcast %broadcast_in_dim3A : f32 to vector<16xf32>
    %scan3A = arith.constant 0 : i32
    %scan3A_2 = arith.constant 0 : i32
    %scan3A_3 = arith.constant 0 : i32
    %scan3A_4 = arith.constant 128 : i32
    %scan3A_5 = arith.addi %scan3A_3, %scan3A_4 : i32
    %scan3A_6 = arith.constant 1 : i32
    scf.for %scan3A_79 = %scan3A_3 to %scan3A_5 step %scan3A_6  : i32 {
      %swap3A = arith.constant 0 : i32
      %swap3A_80 = arith.constant 0 : i32
      %swap3A_81 = tpu.memref_slice %arg8[%scan3A_2, %swap3A, %swap3A_80] : memref<2x128x128xf32, #tpu.memory_space<vmem>> -> memref<1x128x128xf32, #tpu.memory_space<vmem>>
      %swap3A_82 = tpu.memref_squeeze %swap3A_81 : memref<1x128x128xf32, #tpu.memory_space<vmem>> -> memref<128x128xf32, #tpu.memory_space<vmem>>
      %swap3A_83 = arith.index_cast %scan3A_79 : i32 to index
      %swap3A_84 = arith.constant 0 : index
      %swap3A_85 = tpu.vector_load %swap3A_82[%swap3A_83, %swap3A_84] {strides = array<i32>} : memref<128x128xf32, #tpu.memory_space<vmem>>, vector<1x16xf32>,
      %swap3A_86 = vector.shape_cast %swap3A_85 : vector<1x16xf32> to vector<16xf32>
      %swap3A_87 = vector.shape_cast %broadcast_in_dim3A_1 : vector<16xf32> to vector<1x16xf32>
      tpu.vector_store %swap3A_82[%swap3A_83, %swap3A_84], %swap3A_87 {strides = array<i32>} : memref<128x128xf32, #tpu.memory_space<vmem>>, vector<1x16xf32>,
      %swap3A_88 = arith.constant 0 : i32
      %swap3A_89 = arith.constant 0 : i32
      %swap3A_90 = tpu.memref_slice %arg8[%scan3A_2, %swap3A_88, %swap3A_89] : memref<2x128x128xf32, #tpu.memory_space<vmem>> -> memref<1x128x128xf32, #tpu.memory_space<vmem>>
      %swap3A_91 = tpu.memref_squeeze %swap3A_90 : memref<1x128x128xf32, #tpu.memory_space<vmem>> -> memref<128x128xf32, #tpu.memory_space<vmem>>
      %swap3A_92 = arith.index_cast %scan3A_79 : i32 to index
      %swap3A_93 = arith.constant 16 : index
      %swap3A_94 = tpu.vector_load %swap3A_91[%swap3A_92, %swap3A_93] {strides = array<i32>} : memref<128x128xf32, #tpu.memory_space<vmem>>, vector<1x16xf32>,
      %swap3A_95 = vector.shape_cast %swap3A_94 : vector<1x16xf32> to vector<16xf32>
      %swap3A_96 = vector.shape_cast %broadcast_in_dim3A_1 : vector<16xf32> to vector<1x16xf32>
      tpu.vector_store %swap3A_91[%swap3A_92, %swap3A_93], %swap3A_96 {strides = array<i32>} : memref<128x128xf32, #tpu.memory_space<vmem>>, vector<1x16xf32>,
      %swap3A_97 = arith.constant 0 : i32
      %swap3A_98 = arith.constant 0 : i32
      %swap3A_99 = tpu.memref_slice %arg8[%scan3A_2, %swap3A_97, %swap3A_98] : memref<2x128x128xf32, #tpu.memory_space<vmem>> -> memref<1x128x128xf32, #tpu.memory_space<vmem>>
      %swap3A_100 = tpu.memref_squeeze %swap3A_99 : memref<1x128x128xf32, #tpu.memory_space<vmem>> -> memref<128x128xf32, #tpu.memory_space<vmem>>
      %swap3A_101 = arith.index_cast %scan3A_79 : i32 to index
      %swap3A_102 = arith.constant 32 : index
      %swap3A_103 = tpu.vector_load %swap3A_100[%swap3A_101, %swap3A_102] {strides = array<i32>} : memref<128x128xf32, #tpu.memory_space<vmem>>, vector<1x16xf32>,
      %swap3A_104 = vector.shape_cast %swap3A_103 : vector<1x16xf32> to vector<16xf32>
      %swap3A_105 = vector.shape_cast %broadcast_in_dim3A_1 : vector<16xf32> to vector<1x16xf32>
      tpu.vector_store %swap3A_100[%swap3A_101, %swap3A_102], %swap3A_105 {strides = array<i32>} : memref<128x128xf32, #tpu.memory_space<vmem>>, vector<1x16xf32>,
      %swap3A_106 = arith.constant 0 : i32
      %swap3A_107 = arith.constant 0 : i32
      %swap3A_108 = tpu.memref_slice %arg8[%scan3A_2, %swap3A_106, %swap3A_107] : memref<2x128x128xf32, #tpu.memory_space<vmem>> -> memref<1x128x128xf32, #tpu.memory_space<vmem>>
      %swap3A_109 = tpu.memref_squeeze %swap3A_108 : memref<1x128x128xf32, #tpu.memory_space<vmem>> -> memref<128x128xf32, #tpu.memory_space<vmem>>
      %swap3A_110 = arith.index_cast %scan3A_79 : i32 to index
      %swap3A_111 = arith.constant 48 : index
      %swap3A_112 = tpu.vector_load %swap3A_109[%swap3A_110, %swap3A_111] {strides = array<i32>} : memref<128x128xf32, #tpu.memory_space<vmem>>, vector<1x16xf32>,
      %swap3A_113 = vector.shape_cast %swap3A_112 : vector<1x16xf32> to vector<16xf32>
      %swap3A_114 = vector.shape_cast %broadcast_in_dim3A_1 : vector<16xf32> to vector<1x16xf32>
      tpu.vector_store %swap3A_109[%swap3A_110, %swap3A_111], %swap3A_114 {strides = array<i32>} : memref<128x128xf32, #tpu.memory_space<vmem>>, vector<1x16xf32>,
      %swap3A_115 = arith.constant 0 : i32
      %swap3A_116 = arith.constant 0 : i32
      %swap3A_117 = tpu.memref_slice %arg8[%scan3A_2, %swap3A_115, %swap3A_116] : memref<2x128x128xf32, #tpu.memory_space<vmem>> -> memref<1x128x128xf32, #tpu.memory_space<vmem>>
      %swap3A_118 = tpu.memref_squeeze %swap3A_117 : memref<1x128x128xf32, #tpu.memory_space<vmem>> -> memref<128x128xf32, #tpu.memory_space<vmem>>
      %swap3A_119 = arith.index_cast %scan3A_79 : i32 to index
      %swap3A_120 = arith.constant 64 : index
      %swap3A_121 = tpu.vector_load %swap3A_118[%swap3A_119, %swap3A_120] {strides = array<i32>} : memref<128x128xf32, #tpu.memory_space<vmem>>, vector<1x16xf32>,
      %swap3A_122 = vector.shape_cast %swap3A_121 : vector<1x16xf32> to vector<16xf32>
      %swap3A_123 = vector.shape_cast %broadcast_in_dim3A_1 : vector<16xf32> to vector<1x16xf32>
      tpu.vector_store %swap3A_118[%swap3A_119, %swap3A_120], %swap3A_123 {strides = array<i32>} : memref<128x128xf32, #tpu.memory_space<vmem>>, vector<1x16xf32>,
      %swap3A_124 = arith.constant 0 : i32
      %swap3A_125 = arith.constant 0 : i32
      %swap3A_126 = tpu.memref_slice %arg8[%scan3A_2, %swap3A_124, %swap3A_125] : memref<2x128x128xf32, #tpu.memory_space<vmem>> -> memref<1x128x128xf32, #tpu.memory_space<vmem>>
      %swap3A_127 = tpu.memref_squeeze %swap3A_126 : memref<1x128x128xf32, #tpu.memory_space<vmem>> -> memref<128x128xf32, #tpu.memory_space<vmem>>
      %swap3A_128 = arith.index_cast %scan3A_79 : i32 to index
      %swap3A_129 = arith.constant 80 : index
      %swap3A_130 = tpu.vector_load %swap3A_127[%swap3A_128, %swap3A_129] {strides = array<i32>} : memref<128x128xf32, #tpu.memory_space<vmem>>, vector<1x16xf32>,
      %swap3A_131 = vector.shape_cast %swap3A_130 : vector<1x16xf32> to vector<16xf32>
      %swap3A_132 = vector.shape_cast %broadcast_in_dim3A_1 : vector<16xf32> to vector<1x16xf32>
      tpu.vector_store %swap3A_127[%swap3A_128, %swap3A_129], %swap3A_132 {strides = array<i32>} : memref<128x128xf32, #tpu.memory_space<vmem>>, vector<1x16xf32>,
      %swap3A_133 = arith.constant 0 : i32
      %swap3A_134 = arith.constant 0 : i32
      %swap3A_135 = tpu.memref_slice %arg8[%scan3A_2, %swap3A_133, %swap3A_134] : memref<2x128x128xf32, #tpu.memory_space<vmem>> -> memref<1x128x128xf32, #tpu.memory_space<vmem>>
      %swap3A_136 = tpu.memref_squeeze %swap3A_135 : memref<1x128x128xf32, #tpu.memory_space<vmem>> -> memref<128x128xf32, #tpu.memory_space<vmem>>
      %swap3A_137 = arith.index_cast %scan3A_79 : i32 to index
      %swap3A_138 = arith.constant 96 : index
      %swap3A_139 = tpu.vector_load %swap3A_136[%swap3A_137, %swap3A_138] {strides = array<i32>} : memref<128x128xf32, #tpu.memory_space<vmem>>, vector<1x16xf32>,
      %swap3A_140 = vector.shape_cast %swap3A_139 : vector<1x16xf32> to vector<16xf32>
      %swap3A_141 = vector.shape_cast %broadcast_in_dim3A_1 : vector<16xf32> to vector<1x16xf32>
      tpu.vector_store %swap3A_136[%swap3A_137, %swap3A_138], %swap3A_141 {strides = array<i32>} : memref<128x128xf32, #tpu.memory_space<vmem>>, vector<1x16xf32>,
      %swap3A_142 = arith.constant 0 : i32
      %swap3A_143 = arith.constant 0 : i32
      %swap3A_144 = tpu.memref_slice %arg8[%scan3A_2, %swap3A_142, %swap3A_143] : memref<2x128x128xf32, #tpu.memory_space<vmem>> -> memref<1x128x128xf32, #tpu.memory_space<vmem>>
      %swap3A_145 = tpu.memref_squeeze %swap3A_144 : memref<1x128x128xf32, #tpu.memory_space<vmem>> -> memref<128x128xf32, #tpu.memory_space<vmem>>
      %swap3A_146 = arith.index_cast %scan3A_79 : i32 to index
      %swap3A_147 = arith.constant 112 : index
      %swap3A_148 = tpu.vector_load %swap3A_145[%swap3A_146, %swap3A_147] {strides = array<i32>} : memref<128x128xf32, #tpu.memory_space<vmem>>, vector<1x16xf32>,
      %swap3A_149 = vector.shape_cast %swap3A_148 : vector<1x16xf32> to vector<16xf32>
      %swap3A_150 = vector.shape_cast %broadcast_in_dim3A_1 : vector<16xf32> to vector<1x16xf32>
      tpu.vector_store %swap3A_145[%swap3A_146, %swap3A_147], %swap3A_150 {strides = array<i32>} : memref<128x128xf32, #tpu.memory_space<vmem>>, vector<1x16xf32>,
    }
    %scan3A_7 = arith.constant 128 : i32
    %add3A = arith.constant 0 : i32
    %add3A_8 = arith.addi %mul3A_0, %add3A : i32
    %run_scoped3A = arith.constant 0 : i32
    "tpu.region"() ({
      %run_scoped3A_79 = tpu.sem_alloc : memref<!tpu.dma_semaphore, #tpu.memory_space<semaphore_mem>>
      %dma_start3A_80 = arith.constant 0 : i32
      %dma_start3A_81 = arith.constant 0 : i32
      %dma_start3A_82 = tpu.memref_slice %arg8[%run_scoped3A, %dma_start3A_80, %dma_start3A_81] : memref<2x128x128xf32, #tpu.memory_space<vmem>> -> memref<1x128x128xf32, #tpu.memory_space<vmem>>
      %dma_start3A_83 = tpu.memref_squeeze %dma_start3A_82 : memref<1x128x128xf32, #tpu.memory_space<vmem>> -> memref<128x128xf32, #tpu.memory_space<vmem>>
      %dma_start3A_84 = arith.constant 0 : i32
      %dma_start3A_85 = tpu.memref_slice %arg9[%add3A_8, %dma_start3A_84] : memref<10240x128xf32, #tpu.memory_space<vmem_shared>> -> memref<128x128xf32, #tpu.memory_space<vmem_shared>>
      %dma_start3A_86 = arith.constant 0 : i32
      %dma_start3A_87 = tpu.memref_slice %arg9[%add3A_8, %dma_start3A_86] : memref<10240x128xf32, #tpu.memory_space<vmem_shared>> -> memref<128x128xf32, #tpu.memory_space<vmem_shared>>
      %dma_start3A_88 = arith.constant 0 : i32
      %dma_start3A_89 = arith.constant 0 : i32
      %dma_start3A_90 = tpu.memref_slice %arg8[%run_scoped3A, %dma_start3A_88, %dma_start3A_89] : memref<2x128x128xf32, #tpu.memory_space<vmem>> -> memref<1x128x128xf32, #tpu.memory_space<vmem>>
      %dma_start3A_91 = tpu.memref_squeeze %dma_start3A_90 : memref<1x128x128xf32, #tpu.memory_space<vmem>> -> memref<128x128xf32, #tpu.memory_space<vmem>>
      tpu.enqueue_dma source(%dma_start3A_91 : memref<128x128xf32, #tpu.memory_space<vmem>>) target(%dma_start3A_87 : memref<128x128xf32, #tpu.memory_space<vmem_shared>>) target_semaphore(%run_scoped3A_79 : memref<!tpu.dma_semaphore, #tpu.memory_space<semaphore_mem>>)
      %dma_wait3A_92 = arith.constant 0 : i32
      %dma_wait3A_93 = arith.constant 0 : i32
      %dma_wait3A_94 = tpu.memref_slice %arg8[%run_scoped3A, %dma_wait3A_92, %dma_wait3A_93] : memref<2x128x128xf32, #tpu.memory_space<vmem>> -> memref<1x128x128xf32, #tpu.memory_space<vmem>>
      %dma_wait3A_95 = tpu.memref_squeeze %dma_wait3A_94 : memref<1x128x128xf32, #tpu.memory_space<vmem>> -> memref<128x128xf32, #tpu.memory_space<vmem>>
      %dma_wait3A_96 = arith.constant 0 : i32
      %dma_wait3A_97 = tpu.memref_slice %arg9[%add3A_8, %dma_wait3A_96] : memref<10240x128xf32, #tpu.memory_space<vmem_shared>> -> memref<128x128xf32, #tpu.memory_space<vmem_shared>>
      %dma_wait3A_98 = arith.constant 0 : i32
      %dma_wait3A_99 = tpu.memref_slice %arg9[%add3A_8, %dma_wait3A_98] : memref<10240x128xf32, #tpu.memory_space<vmem_shared>> -> memref<128x128xf32, #tpu.memory_space<vmem_shared>>
      %dma_wait3A_100 = arith.constant 0 : i32
      %dma_wait3A_101 = arith.constant 0 : i32
      %dma_wait3A_102 = tpu.memref_slice %arg8[%run_scoped3A, %dma_wait3A_100, %dma_wait3A_101] : memref<2x128x128xf32, #tpu.memory_space<vmem>> -> memref<1x128x128xf32, #tpu.memory_space<vmem>>
      %dma_wait3A_103 = tpu.memref_squeeze %dma_wait3A_102 : memref<1x128x128xf32, #tpu.memory_space<vmem>> -> memref<128x128xf32, #tpu.memory_space<vmem>>
      tpu.wait_dma2 semaphore(%run_scoped3A_79 : memref<!tpu.dma_semaphore, #tpu.memory_space<semaphore_mem>>) src(%dma_wait3A_103 : memref<128x128xf32, #tpu.memory_space<vmem>>) dst(%dma_wait3A_99 : memref<128x128xf32, #tpu.memory_space<vmem_shared>>)
      tpu.yield
    }) : () -> ()
    %add3A_9 = arith.constant 128 : i32
    %add3A_10 = arith.addi %mul3A_0, %add3A_9 : i32
    %run_scoped3A_11 = arith.constant 0 : i32
    "tpu.region"() ({
      %run_scoped3A_79 = tpu.sem_alloc : memref<!tpu.dma_semaphore, #tpu.memory_space<semaphore_mem>>
      %dma_start3A_80 = arith.constant 0 : i32
      %dma_start3A_81 = arith.constant 0 : i32
      %dma_start3A_82 = tpu.memref_slice %arg8[%run_scoped3A_11, %dma_start3A_80, %dma_start3A_81] : memref<2x128x128xf32, #tpu.memory_space<vmem>> -> memref<1x128x128xf32, #tpu.memory_space<vmem>>
      %dma_start3A_83 = tpu.memref_squeeze %dma_start3A_82 : memref<1x128x128xf32, #tpu.memory_space<vmem>> -> memref<128x128xf32, #tpu.memory_space<vmem>>
      %dma_start3A_84 = arith.constant 0 : i32
      %dma_start3A_85 = tpu.memref_slice %arg9[%add3A_10, %dma_start3A_84] : memref<10240x128xf32, #tpu.memory_space<vmem_shared>> -> memref<128x128xf32, #tpu.memory_space<vmem_shared>>
      %dma_start3A_86 = arith.constant 0 : i32
      %dma_start3A_87 = tpu.memref_slice %arg9[%add3A_10, %dma_start3A_86] : memref<10240x128xf32, #tpu.memory_space<vmem_shared>> -> memref<128x128xf32, #tpu.memory_space<vmem_shared>>
      %dma_start3A_88 = arith.constant 0 : i32
      %dma_start3A_89 = arith.constant 0 : i32
      %dma_start3A_90 = tpu.memref_slice %arg8[%run_scoped3A_11, %dma_start3A_88, %dma_start3A_89] : memref<2x128x128xf32, #tpu.memory_space<vmem>> -> memref<1x128x128xf32, #tpu.memory_space<vmem>>
      %dma_start3A_91 = tpu.memref_squeeze %dma_start3A_90 : memref<1x128x128xf32, #tpu.memory_space<vmem>> -> memref<128x128xf32, #tpu.memory_space<vmem>>
      tpu.enqueue_dma source(%dma_start3A_91 : memref<128x128xf32, #tpu.memory_space<vmem>>) target(%dma_start3A_87 : memref<128x128xf32, #tpu.memory_space<vmem_shared>>) target_semaphore(%run_scoped3A_79 : memref<!tpu.dma_semaphore, #tpu.memory_space<semaphore_mem>>)
      %dma_wait3A_92 = arith.constant 0 : i32
      %dma_wait3A_93 = arith.constant 0 : i32
      %dma_wait3A_94 = tpu.memref_slice %arg8[%run_scoped3A_11, %dma_wait3A_92, %dma_wait3A_93] : memref<2x128x128xf32, #tpu.memory_space<vmem>> -> memref<1x128x128xf32, #tpu.memory_space<vmem>>
      %dma_wait3A_95 = tpu.memref_squeeze %dma_wait3A_94 : memref<1x128x128xf32, #tpu.memory_space<vmem>> -> memref<128x128xf32, #tpu.memory_space<vmem>>
      %dma_wait3A_96 = arith.constant 0 : i32
      %dma_wait3A_97 = tpu.memref_slice %arg9[%add3A_10, %dma_wait3A_96] : memref<10240x128xf32, #tpu.memory_space<vmem_shared>> -> memref<128x128xf32, #tpu.memory_space<vmem_shared>>
      %dma_wait3A_98 = arith.constant 0 : i32
      %dma_wait3A_99 = tpu.memref_slice %arg9[%add3A_10, %dma_wait3A_98] : memref<10240x128xf32, #tpu.memory_space<vmem_shared>> -> memref<128x128xf32, #tpu.memory_space<vmem_shared>>
      %dma_wait3A_100 = arith.constant 0 : i32
      %dma_wait3A_101 = arith.constant 0 : i32
      %dma_wait3A_102 = tpu.memref_slice %arg8[%run_scoped3A_11, %dma_wait3A_100, %dma_wait3A_101] : memref<2x128x128xf32, #tpu.memory_space<vmem>> -> memref<1x128x128xf32, #tpu.memory_space<vmem>>
      %dma_wait3A_103 = tpu.memref_squeeze %dma_wait3A_102 : memref<1x128x128xf32, #tpu.memory_space<vmem>> -> memref<128x128xf32, #tpu.memory_space<vmem>>
      tpu.wait_dma2 semaphore(%run_scoped3A_79 : memref<!tpu.dma_semaphore, #tpu.memory_space<semaphore_mem>>) src(%dma_wait3A_103 : memref<128x128xf32, #tpu.memory_space<vmem>>) dst(%dma_wait3A_99 : memref<128x128xf32, #tpu.memory_space<vmem_shared>>)
      tpu.yield
    }) : () -> ()
    %add3A_12 = arith.constant 256 : i32
    %add3A_13 = arith.addi %mul3A_0, %add3A_12 : i32
    %run_scoped3A_14 = arith.constant 0 : i32
    "tpu.region"() ({
      %run_scoped3A_79 = tpu.sem_alloc : memref<!tpu.dma_semaphore, #tpu.memory_space<semaphore_mem>>
      %dma_start3A_80 = arith.constant 0 : i32
      %dma_start3A_81 = arith.constant 0 : i32
      %dma_start3A_82 = tpu.memref_slice %arg8[%run_scoped3A_14, %dma_start3A_80, %dma_start3A_81] : memref<2x128x128xf32, #tpu.memory_space<vmem>> -> memref<1x128x128xf32, #tpu.memory_space<vmem>>
      %dma_start3A_83 = tpu.memref_squeeze %dma_start3A_82 : memref<1x128x128xf32, #tpu.memory_space<vmem>> -> memref<128x128xf32, #tpu.memory_space<vmem>>
      %dma_start3A_84 = arith.constant 0 : i32
      %dma_start3A_85 = tpu.memref_slice %arg9[%add3A_13, %dma_start3A_84] : memref<10240x128xf32, #tpu.memory_space<vmem_shared>> -> memref<128x128xf32, #tpu.memory_space<vmem_shared>>
      %dma_start3A_86 = arith.constant 0 : i32
      %dma_start3A_87 = tpu.memref_slice %arg9[%add3A_13, %dma_start3A_86] : memref<10240x128xf32, #tpu.memory_space<vmem_shared>> -> memref<128x128xf32, #tpu.memory_space<vmem_shared>>
      %dma_start3A_88 = arith.constant 0 : i32
      %dma_start3A_89 = arith.constant 0 : i32
      %dma_start3A_90 = tpu.memref_slice %arg8[%run_scoped3A_14, %dma_start3A_88, %dma_start3A_89] : memref<2x128x128xf32, #tpu.memory_space<vmem>> -> memref<1x128x128xf32, #tpu.memory_space<vmem>>
      %dma_start3A_91 = tpu.memref_squeeze %dma_start3A_90 : memref<1x128x128xf32, #tpu.memory_space<vmem>> -> memref<128x128xf32, #tpu.memory_space<vmem>>
      tpu.enqueue_dma source(%dma_start3A_91 : memref<128x128xf32, #tpu.memory_space<vmem>>) target(%dma_start3A_87 : memref<128x128xf32, #tpu.memory_space<vmem_shared>>) target_semaphore(%run_scoped3A_79 : memref<!tpu.dma_semaphore, #tpu.memory_space<semaphore_mem>>)
      %dma_wait3A_92 = arith.constant 0 : i32
      %dma_wait3A_93 = arith.constant 0 : i32
      %dma_wait3A_94 = tpu.memref_slice %arg8[%run_scoped3A_14, %dma_wait3A_92, %dma_wait3A_93] : memref<2x128x128xf32, #tpu.memory_space<vmem>> -> memref<1x128x128xf32, #tpu.memory_space<vmem>>
      %dma_wait3A_95 = tpu.memref_squeeze %dma_wait3A_94 : memref<1x128x128xf32, #tpu.memory_space<vmem>> -> memref<128x128xf32, #tpu.memory_space<vmem>>
      %dma_wait3A_96 = arith.constant 0 : i32
      %dma_wait3A_97 = tpu.memref_slice %arg9[%add3A_13, %dma_wait3A_96] : memref<10240x128xf32, #tpu.memory_space<vmem_shared>> -> memref<128x128xf32, #tpu.memory_space<vmem_shared>>
      %dma_wait3A_98 = arith.constant 0 : i32
      %dma_wait3A_99 = tpu.memref_slice %arg9[%add3A_13, %dma_wait3A_98] : memref<10240x128xf32, #tpu.memory_space<vmem_shared>> -> memref<128x128xf32, #tpu.memory_space<vmem_shared>>
      %dma_wait3A_100 = arith.constant 0 : i32
      %dma_wait3A_101 = arith.constant 0 : i32
      %dma_wait3A_102 = tpu.memref_slice %arg8[%run_scoped3A_14, %dma_wait3A_100, %dma_wait3A_101] : memref<2x128x128xf32, #tpu.memory_space<vmem>> -> memref<1x128x128xf32, #tpu.memory_space<vmem>>
      %dma_wait3A_103 = tpu.memref_squeeze %dma_wait3A_102 : memref<1x128x128xf32, #tpu.memory_space<vmem>> -> memref<128x128xf32, #tpu.memory_space<vmem>>
      tpu.wait_dma2 semaphore(%run_scoped3A_79 : memref<!tpu.dma_semaphore, #tpu.memory_space<semaphore_mem>>) src(%dma_wait3A_103 : memref<128x128xf32, #tpu.memory_space<vmem>>) dst(%dma_wait3A_99 : memref<128x128xf32, #tpu.memory_space<vmem_shared>>)
      tpu.yield
    }) : () -> ()
    %add3A_15 = arith.constant 384 : i32
    %add3A_16 = arith.addi %mul3A_0, %add3A_15 : i32
    %run_scoped3A_17 = arith.constant 0 : i32
    "tpu.region"() ({
      %run_scoped3A_79 = tpu.sem_alloc : memref<!tpu.dma_semaphore, #tpu.memory_space<semaphore_mem>>
      %dma_start3A_80 = arith.constant 0 : i32
      %dma_start3A_81 = arith.constant 0 : i32
      %dma_start3A_82 = tpu.memref_slice %arg8[%run_scoped3A_17, %dma_start3A_80, %dma_start3A_81] : memref<2x128x128xf32, #tpu.memory_space<vmem>> -> memref<1x128x128xf32, #tpu.memory_space<vmem>>
      %dma_start3A_83 = tpu.memref_squeeze %dma_start3A_82 : memref<1x128x128xf32, #tpu.memory_space<vmem>> -> memref<128x128xf32, #tpu.memory_space<vmem>>
      %dma_start3A_84 = arith.constant 0 : i32
      %dma_start3A_85 = tpu.memref_slice %arg9[%add3A_16, %dma_start3A_84] : memref<10240x128xf32, #tpu.memory_space<vmem_shared>> -> memref<128x128xf32, #tpu.memory_space<vmem_shared>>
      %dma_start3A_86 = arith.constant 0 : i32
      %dma_start3A_87 = tpu.memref_slice %arg9[%add3A_16, %dma_start3A_86] : memref<10240x128xf32, #tpu.memory_space<vmem_shared>> -> memref<128x128xf32, #tpu.memory_space<vmem_shared>>
      %dma_start3A_88 = arith.constant 0 : i32
      %dma_start3A_89 = arith.constant 0 : i32
      %dma_start3A_90 = tpu.memref_slice %arg8[%run_scoped3A_17, %dma_start3A_88, %dma_start3A_89] : memref<2x128x128xf32, #tpu.memory_space<vmem>> -> memref<1x128x128xf32, #tpu.memory_space<vmem>>
      %dma_start3A_91 = tpu.memref_squeeze %dma_start3A_90 : memref<1x128x128xf32, #tpu.memory_space<vmem>> -> memref<128x128xf32, #tpu.memory_space<vmem>>
      tpu.enqueue_dma source(%dma_start3A_91 : memref<128x128xf32, #tpu.memory_space<vmem>>) target(%dma_start3A_87 : memref<128x128xf32, #tpu.memory_space<vmem_shared>>) target_semaphore(%run_scoped3A_79 : memref<!tpu.dma_semaphore, #tpu.memory_space<semaphore_mem>>)
      %dma_wait3A_92 = arith.constant 0 : i32
      %dma_wait3A_93 = arith.constant 0 : i32
      %dma_wait3A_94 = tpu.memref_slice %arg8[%run_scoped3A_17, %dma_wait3A_92, %dma_wait3A_93] : memref<2x128x128xf32, #tpu.memory_space<vmem>> -> memref<1x128x128xf32, #tpu.memory_space<vmem>>
      %dma_wait3A_95 = tpu.memref_squeeze %dma_wait3A_94 : memref<1x128x128xf32, #tpu.memory_space<vmem>> -> memref<128x128xf32, #tpu.memory_space<vmem>>
      %dma_wait3A_96 = arith.constant 0 : i32
      %dma_wait3A_97 = tpu.memref_slice %arg9[%add3A_16, %dma_wait3A_96] : memref<10240x128xf32, #tpu.memory_space<vmem_shared>> -> memref<128x128xf32, #tpu.memory_space<vmem_shared>>
      %dma_wait3A_98 = arith.constant 0 : i32
      %dma_wait3A_99 = tpu.memref_slice %arg9[%add3A_16, %dma_wait3A_98] : memref<10240x128xf32, #tpu.memory_space<vmem_shared>> -> memref<128x128xf32, #tpu.memory_space<vmem_shared>>
      %dma_wait3A_100 = arith.constant 0 : i32
      %dma_wait3A_101 = arith.constant 0 : i32
      %dma_wait3A_102 = tpu.memref_slice %arg8[%run_scoped3A_17, %dma_wait3A_100, %dma_wait3A_101] : memref<2x128x128xf32, #tpu.memory_space<vmem>> -> memref<1x128x128xf32, #tpu.memory_space<vmem>>
      %dma_wait3A_103 = tpu.memref_squeeze %dma_wait3A_102 : memref<1x128x128xf32, #tpu.memory_space<vmem>> -> memref<128x128xf32, #tpu.memory_space<vmem>>
      tpu.wait_dma2 semaphore(%run_scoped3A_79 : memref<!tpu.dma_semaphore, #tpu.memory_space<semaphore_mem>>) src(%dma_wait3A_103 : memref<128x128xf32, #tpu.memory_space<vmem>>) dst(%dma_wait3A_99 : memref<128x128xf32, #tpu.memory_space<vmem_shared>>)
      tpu.yield
    }) : () -> ()
    %add3A_18 = arith.constant 512 : i32
    %add3A_19 = arith.addi %mul3A_0, %add3A_18 : i32
    %run_scoped3A_20 = arith.constant 0 : i32
    "tpu.region"() ({
      %run_scoped3A_79 = tpu.sem_alloc : memref<!tpu.dma_semaphore, #tpu.memory_space<semaphore_mem>>
      %dma_start3A_80 = arith.constant 0 : i32
      %dma_start3A_81 = arith.constant 0 : i32
      %dma_start3A_82 = tpu.memref_slice %arg8[%run_scoped3A_20, %dma_start3A_80, %dma_start3A_81] : memref<2x128x128xf32, #tpu.memory_space<vmem>> -> memref<1x128x128xf32, #tpu.memory_space<vmem>>
      %dma_start3A_83 = tpu.memref_squeeze %dma_start3A_82 : memref<1x128x128xf32, #tpu.memory_space<vmem>> -> memref<128x128xf32, #tpu.memory_space<vmem>>
      %dma_start3A_84 = arith.constant 0 : i32
      %dma_start3A_85 = tpu.memref_slice %arg9[%add3A_19, %dma_start3A_84] : memref<10240x128xf32, #tpu.memory_space<vmem_shared>> -> memref<128x128xf32, #tpu.memory_space<vmem_shared>>
      %dma_start3A_86 = arith.constant 0 : i32
      %dma_start3A_87 = tpu.memref_slice %arg9[%add3A_19, %dma_start3A_86] : memref<10240x128xf32, #tpu.memory_space<vmem_shared>> -> memref<128x128xf32, #tpu.memory_space<vmem_shared>>
      %dma_start3A_88 = arith.constant 0 : i32
      %dma_start3A_89 = arith.constant 0 : i32
      %dma_start3A_90 = tpu.memref_slice %arg8[%run_scoped3A_20, %dma_start3A_88, %dma_start3A_89] : memref<2x128x128xf32, #tpu.memory_space<vmem>> -> memref<1x128x128xf32, #tpu.memory_space<vmem>>
      %dma_start3A_91 = tpu.memref_squeeze %dma_start3A_90 : memref<1x128x128xf32, #tpu.memory_space<vmem>> -> memref<128x128xf32, #tpu.memory_space<vmem>>
      tpu.enqueue_dma source(%dma_start3A_91 : memref<128x128xf32, #tpu.memory_space<vmem>>) target(%dma_start3A_87 : memref<128x128xf32, #tpu.memory_space<vmem_shared>>) target_semaphore(%run_scoped3A_79 : memref<!tpu.dma_semaphore, #tpu.memory_space<semaphore_mem>>)
      %dma_wait3A_92 = arith.constant 0 : i32
      %dma_wait3A_93 = arith.constant 0 : i32
      %dma_wait3A_94 = tpu.memref_slice %arg8[%run_scoped3A_20, %dma_wait3A_92, %dma_wait3A_93] : memref<2x128x128xf32, #tpu.memory_space<vmem>> -> memref<1x128x128xf32, #tpu.memory_space<vmem>>
      %dma_wait3A_95 = tpu.memref_squeeze %dma_wait3A_94 : memref<1x128x128xf32, #tpu.memory_space<vmem>> -> memref<128x128xf32, #tpu.memory_space<vmem>>
      %dma_wait3A_96 = arith.constant 0 : i32
      %dma_wait3A_97 = tpu.memref_slice %arg9[%add3A_19, %dma_wait3A_96] : memref<10240x128xf32, #tpu.memory_space<vmem_shared>> -> memref<128x128xf32, #tpu.memory_space<vmem_shared>>
      %dma_wait3A_98 = arith.constant 0 : i32
      %dma_wait3A_99 = tpu.memref_slice %arg9[%add3A_19, %dma_wait3A_98] : memref<10240x128xf32, #tpu.memory_space<vmem_shared>> -> memref<128x128xf32, #tpu.memory_space<vmem_shared>>
      %dma_wait3A_100 = arith.constant 0 : i32
      %dma_wait3A_101 = arith.constant 0 : i32
      %dma_wait3A_102 = tpu.memref_slice %arg8[%run_scoped3A_20, %dma_wait3A_100, %dma_wait3A_101] : memref<2x128x128xf32, #tpu.memory_space<vmem>> -> memref<1x128x128xf32, #tpu.memory_space<vmem>>
      %dma_wait3A_103 = tpu.memref_squeeze %dma_wait3A_102 : memref<1x128x128xf32, #tpu.memory_space<vmem>> -> memref<128x128xf32, #tpu.memory_space<vmem>>
      tpu.wait_dma2 semaphore(%run_scoped3A_79 : memref<!tpu.dma_semaphore, #tpu.memory_space<semaphore_mem>>) src(%dma_wait3A_103 : memref<128x128xf32, #tpu.memory_space<vmem>>) dst(%dma_wait3A_99 : memref<128x128xf32, #tpu.memory_space<vmem_shared>>)
      tpu.yield
    }) : () -> ()
    %barrier3A = arith.constant 0 : index
    tpu.barrier barrier_id(%barrier3A)
    %mul3A_21 = arith.constant 16 : i32
    %mul3A_22 = arith.muli %arg0, %mul3A_21 : i32
    %add3A_23 = arith.addi %mul3A_22, %arg1 : i32
    %mul3A_24 = arith.constant 40 : i32
    %mul3A_25 = arith.muli %add3A_23, %mul3A_24 : i32
    "tpu.region"() ({
      %run_scoped3A_79 = tpu.sem_alloc : memref<!tpu.dma_semaphore, #tpu.memory_space<semaphore_mem>>
      %dma_start3A_80 = arith.constant 0 : i32
      %dma_start3A_81 = tpu.memref_slice %arg3[%mul3A_25, %dma_start3A_80] : memref<1280x128xi32, #tpu.memory_space<hbm>> -> memref<40x128xi32, #tpu.memory_space<hbm>>
      %dma_start3A_82 = arith.constant 0 : i32
      %dma_start3A_83 = tpu.memref_slice %arg3[%mul3A_25, %dma_start3A_82] : memref<1280x128xi32, #tpu.memory_space<hbm>> -> memref<40x128xi32, #tpu.memory_space<hbm>>
      tpu.enqueue_dma source(%dma_start3A_83 : memref<40x128xi32, #tpu.memory_space<hbm>>) target(%arg6 : memref<40x128xi32, #tpu.memory_space<vmem>>) target_semaphore(%run_scoped3A_79 : memref<!tpu.dma_semaphore, #tpu.memory_space<semaphore_mem>>)
      %dma_wait3A_84 = arith.constant 0 : i32
      %dma_wait3A_85 = tpu.memref_slice %arg3[%mul3A_25, %dma_wait3A_84] : memref<1280x128xi32, #tpu.memory_space<hbm>> -> memref<40x128xi32, #tpu.memory_space<hbm>>
      %dma_wait3A_86 = arith.constant 0 : i32
      %dma_wait3A_87 = tpu.memref_slice %arg3[%mul3A_25, %dma_wait3A_86] : memref<1280x128xi32, #tpu.memory_space<hbm>> -> memref<40x128xi32, #tpu.memory_space<hbm>>
      tpu.wait_dma2 semaphore(%run_scoped3A_79 : memref<!tpu.dma_semaphore, #tpu.memory_space<semaphore_mem>>) src(%dma_wait3A_87 : memref<40x128xi32, #tpu.memory_space<hbm>>) dst(%arg6 : memref<40x128xi32, #tpu.memory_space<vmem>>)
      tpu.yield
    }) : () -> ()
    "tpu.region"() ({
      %run_scoped3A_79 = tpu.sem_alloc : memref<!tpu.dma_semaphore, #tpu.memory_space<semaphore_mem>>
      %dma_start3A_80 = arith.constant 0 : i32
      %dma_start3A_81 = tpu.memref_slice %arg4[%mul3A_25, %dma_start3A_80] : memref<1280x128xi32, #tpu.memory_space<hbm>> -> memref<40x128xi32, #tpu.memory_space<hbm>>
      %dma_start3A_82 = arith.constant 0 : i32
      %dma_start3A_83 = tpu.memref_slice %arg4[%mul3A_25, %dma_start3A_82] : memref<1280x128xi32, #tpu.memory_space<hbm>> -> memref<40x128xi32, #tpu.memory_space<hbm>>
      tpu.enqueue_dma source(%dma_start3A_83 : memref<40x128xi32, #tpu.memory_space<hbm>>) target(%arg7 : memref<40x128xi32, #tpu.memory_space<vmem>>) target_semaphore(%run_scoped3A_79 : memref<!tpu.dma_semaphore, #tpu.memory_space<semaphore_mem>>)
      %dma_wait3A_84 = arith.constant 0 : i32
      %dma_wait3A_85 = tpu.memref_slice %arg4[%mul3A_25, %dma_wait3A_84] : memref<1280x128xi32, #tpu.memory_space<hbm>> -> memref<40x128xi32, #tpu.memory_space<hbm>>
      %dma_wait3A_86 = arith.constant 0 : i32
      %dma_wait3A_87 = tpu.memref_slice %arg4[%mul3A_25, %dma_wait3A_86] : memref<1280x128xi32, #tpu.memory_space<hbm>> -> memref<40x128xi32, #tpu.memory_space<hbm>>
      tpu.wait_dma2 semaphore(%run_scoped3A_79 : memref<!tpu.dma_semaphore, #tpu.memory_space<semaphore_mem>>) src(%dma_wait3A_87 : memref<40x128xi32, #tpu.memory_space<hbm>>) dst(%arg7 : memref<40x128xi32, #tpu.memory_space<vmem>>)
      tpu.yield
    }) : () -> ()
    %dma_start3A = arith.constant 0 : i32
    %dma_start3A_26 = arith.constant 0 : i32
    %dma_start3A_27 = arith.constant 0 : i32
    %dma_start3A_28 = arith.constant 0 : i32
    %dma_start3A_29 = tpu.memref_slice %arg8[%dma_start3A_26, %dma_start3A_27, %dma_start3A_28] : memref<2x128x128xf32, #tpu.memory_space<vmem>> -> memref<1x128x128xf32, #tpu.memory_space<vmem>>
    %dma_start3A_30 = tpu.memref_squeeze %dma_start3A_29 : memref<1x128x128xf32, #tpu.memory_space<vmem>> -> memref<128x128xf32, #tpu.memory_space<vmem>>
    %dma_start3A_31 = arith.constant 0 : i32
    %dma_start3A_32 = tpu.memref_slice %arg6[%dma_start3A, %dma_start3A_31] : memref<40x128xi32, #tpu.memory_space<vmem>> -> memref<1x128xi32, #tpu.memory_space<vmem>>
    %dma_start3A_33 = tpu.memref_squeeze %dma_start3A_32 : memref<1x128xi32, #tpu.memory_space<vmem>> -> memref<128xi32, #tpu.memory_space<vmem>>
    %dma_start3A_34 = arith.constant 0 : i32
    %dma_start3A_35 = arith.constant 0 : i32
    %dma_start3A_36 = tpu.memref_slice %arg2[%dma_start3A_34, %dma_start3A_35] : memref<10000x128xf32, #tpu.memory_space<hbm>> -> memref<10000x128xf32, #tpu.memory_space<hbm>>
    tpu.enqueue_indirect_dma source(%dma_start3A_36 : memref<10000x128xf32, #tpu.memory_space<hbm>>) target(%dma_start3A_30 : memref<128x128xf32, #tpu.memory_space<vmem>>) offsets(%dma_start3A_33 : memref<128xi32, #tpu.memory_space<vmem>>) semaphore(%arg10 : memref<!tpu.dma_semaphore, #tpu.memory_space<semaphore_mem>>)
    %dma_start3A_37 = arith.constant 1 : i32
    %dma_start3A_38 = arith.constant 1 : i32
    %dma_start3A_39 = arith.constant 0 : i32
    %dma_start3A_40 = arith.constant 0 : i32
    %dma_start3A_41 = tpu.memref_slice %arg8[%dma_start3A_38, %dma_start3A_39, %dma_start3A_40] : memref<2x128x128xf32, #tpu.memory_space<vmem>> -> memref<1x128x128xf32, #tpu.memory_space<vmem>>
    %dma_start3A_42 = tpu.memref_squeeze %dma_start3A_41 : memref<1x128x128xf32, #tpu.memory_space<vmem>> -> memref<128x128xf32, #tpu.memory_space<vmem>>
    %dma_start3A_43 = arith.constant 0 : i32
    %dma_start3A_44 = tpu.memref_slice %arg6[%dma_start3A_37, %dma_start3A_43] : memref<40x128xi32, #tpu.memory_space<vmem>> -> memref<1x128xi32, #tpu.memory_space<vmem>>
    %dma_start3A_45 = tpu.memref_squeeze %dma_start3A_44 : memref<1x128xi32, #tpu.memory_space<vmem>> -> memref<128xi32, #tpu.memory_space<vmem>>
    %dma_start3A_46 = arith.constant 0 : i32
    %dma_start3A_47 = arith.constant 0 : i32
    %dma_start3A_48 = tpu.memref_slice %arg2[%dma_start3A_46, %dma_start3A_47] : memref<10000x128xf32, #tpu.memory_space<hbm>> -> memref<10000x128xf32, #tpu.memory_space<hbm>>
    tpu.enqueue_indirect_dma source(%dma_start3A_48 : memref<10000x128xf32, #tpu.memory_space<hbm>>) target(%dma_start3A_42 : memref<128x128xf32, #tpu.memory_space<vmem>>) offsets(%dma_start3A_45 : memref<128xi32, #tpu.memory_space<vmem>>) semaphore(%arg11 : memref<!tpu.dma_semaphore, #tpu.memory_space<semaphore_mem>>)
    %scan3A_49 = arith.constant 0 : i32
    %scan3A_50 = arith.constant 0 : i32
    %scan3A_51 = arith.constant 20 : i32
    %scan3A_52 = arith.addi %scan3A_50, %scan3A_51 : i32
    %scan3A_53 = arith.constant 1 : i32
    scf.for %scan3A_79 = %scan3A_50 to %scan3A_52 step %scan3A_53  : i32 {
      %mul3A_80 = arith.constant 2 : i32
      %mul3A_81 = arith.muli %scan3A_79, %mul3A_80 : i32
      %add3A_82 = arith.constant 0 : i32
      %add3A_83 = arith.addi %mul3A_81, %add3A_82 : i32
      %dma_wait3A_84 = arith.constant 0 : i32
      %dma_wait3A_85 = arith.constant 0 : i32
      %dma_wait3A_86 = arith.constant 0 : i32
      %dma_wait3A_87 = tpu.memref_slice %arg8[%dma_wait3A_84, %dma_wait3A_85, %dma_wait3A_86] : memref<2x128x128xf32, #tpu.memory_space<vmem>> -> memref<1x128x128xf32, #tpu.memory_space<vmem>>
      %dma_wait3A_88 = tpu.memref_squeeze %dma_wait3A_87 : memref<1x128x128xf32, #tpu.memory_space<vmem>> -> memref<128x128xf32, #tpu.memory_space<vmem>>
      %dma_wait3A_89 = arith.constant 0 : i32
      %dma_wait3A_90 = tpu.memref_slice %arg6[%add3A_83, %dma_wait3A_89] : memref<40x128xi32, #tpu.memory_space<vmem>> -> memref<1x128xi32, #tpu.memory_space<vmem>>
      %dma_wait3A_91 = tpu.memref_squeeze %dma_wait3A_90 : memref<1x128xi32, #tpu.memory_space<vmem>> -> memref<128xi32, #tpu.memory_space<vmem>>
      %dma_wait3A_92 = arith.constant 0 : i32
      %dma_wait3A_93 = arith.constant 0 : i32
      %dma_wait3A_94 = tpu.memref_slice %arg2[%dma_wait3A_92, %dma_wait3A_93] : memref<10000x128xf32, #tpu.memory_space<hbm>> -> memref<10000x128xf32, #tpu.memory_space<hbm>>
      tpu.wait_indirect_dma semaphore(%arg10 : memref<!tpu.dma_semaphore, #tpu.memory_space<semaphore_mem>>) src(%dma_wait3A_94 : memref<10000x128xf32, #tpu.memory_space<hbm>>) dst(%dma_wait3A_88 : memref<128x128xf32, #tpu.memory_space<vmem>>)
      %dma_start3A_95 = arith.constant 0 : i32
      %dma_start3A_96 = arith.constant 0 : i32
      %dma_start3A_97 = arith.constant 0 : i32
      %dma_start3A_98 = tpu.memref_slice %arg8[%dma_start3A_95, %dma_start3A_96, %dma_start3A_97] : memref<2x128x128xf32, #tpu.memory_space<vmem>> -> memref<1x128x128xf32, #tpu.memory_space<vmem>>
      %dma_start3A_99 = tpu.memref_squeeze %dma_start3A_98 : memref<1x128x128xf32, #tpu.memory_space<vmem>> -> memref<128x128xf32, #tpu.memory_space<vmem>>
      %dma_start3A_100 = arith.constant 0 : i32
      %dma_start3A_101 = tpu.memref_slice %arg7[%add3A_83, %dma_start3A_100] : memref<40x128xi32, #tpu.memory_space<vmem>> -> memref<1x128xi32, #tpu.memory_space<vmem>>
      %dma_start3A_102 = tpu.memref_squeeze %dma_start3A_101 : memref<1x128xi32, #tpu.memory_space<vmem>> -> memref<128xi32, #tpu.memory_space<vmem>>
      %dma_start3A_103 = arith.constant 0 : i32
      %dma_start3A_104 = arith.constant 0 : i32
      %dma_start3A_105 = tpu.memref_slice %arg9[%dma_start3A_103, %dma_start3A_104] : memref<10240x128xf32, #tpu.memory_space<vmem_shared>> -> memref<10240x128xf32, #tpu.memory_space<vmem_shared>>
      tpu.enqueue_indirect_dma source(%dma_start3A_99 : memref<128x128xf32, #tpu.memory_space<vmem>>) target(%dma_start3A_105 : memref<10240x128xf32, #tpu.memory_space<vmem_shared>>) offsets(%dma_start3A_102 : memref<128xi32, #tpu.memory_space<vmem>>) semaphore(%arg12 : memref<!tpu.dma_semaphore, #tpu.memory_space<semaphore_mem>>) {add = true}
      %add3A_106 = arith.constant 2 : i32
      %add3A_107 = arith.addi %add3A_83, %add3A_106 : i32
      %lt3A = arith.constant 40 : i32
      %lt3A_108 = arith.cmpi slt, %add3A_107, %lt3A : i32
      %convert_element_type3A = arith.extui %lt3A_108 : i1 to i32
      %cond3A = arith.constant 0 : i32
      %cond3A_109 = arith.cmpi ne, %convert_element_type3A, %cond3A : i32
      scf.if %cond3A_109 {
        %dma_wait3A_141 = arith.constant 0 : i32
        %dma_wait3A_142 = arith.constant 0 : i32
        %dma_wait3A_143 = arith.constant 0 : i32
        %dma_wait3A_144 = tpu.memref_slice %arg8[%dma_wait3A_141, %dma_wait3A_142, %dma_wait3A_143] : memref<2x128x128xf32, #tpu.memory_space<vmem>> -> memref<1x128x128xf32, #tpu.memory_space<vmem>>
        %dma_wait3A_145 = tpu.memref_squeeze %dma_wait3A_144 : memref<1x128x128xf32, #tpu.memory_space<vmem>> -> memref<128x128xf32, #tpu.memory_space<vmem>>
        %dma_wait3A_146 = arith.constant 0 : i32
        %dma_wait3A_147 = tpu.memref_slice %arg7[%add3A_83, %dma_wait3A_146] : memref<40x128xi32, #tpu.memory_space<vmem>> -> memref<1x128xi32, #tpu.memory_space<vmem>>
        %dma_wait3A_148 = tpu.memref_squeeze %dma_wait3A_147 : memref<1x128xi32, #tpu.memory_space<vmem>> -> memref<128xi32, #tpu.memory_space<vmem>>
        %dma_wait3A_149 = arith.constant 0 : i32
        %dma_wait3A_150 = arith.constant 0 : i32
        %dma_wait3A_151 = tpu.memref_slice %arg9[%dma_wait3A_149, %dma_wait3A_150] : memref<10240x128xf32, #tpu.memory_space<vmem_shared>> -> memref<10240x128xf32, #tpu.memory_space<vmem_shared>>
        tpu.wait_indirect_dma semaphore(%arg12 : memref<!tpu.dma_semaphore, #tpu.memory_space<semaphore_mem>>) src(%dma_wait3A_145 : memref<128x128xf32, #tpu.memory_space<vmem>>) dst(%dma_wait3A_151 : memref<10240x128xf32, #tpu.memory_space<vmem_shared>>)
        %add3A_152 = arith.constant 2 : i32
        %add3A_153 = arith.addi %add3A_83, %add3A_152 : i32
        %dma_start3A_154 = arith.constant 0 : i32
        %dma_start3A_155 = arith.constant 0 : i32
        %dma_start3A_156 = arith.constant 0 : i32
        %dma_start3A_157 = tpu.memref_slice %arg8[%dma_start3A_154, %dma_start3A_155, %dma_start3A_156] : memref<2x128x128xf32, #tpu.memory_space<vmem>> -> memref<1x128x128xf32, #tpu.memory_space<vmem>>
        %dma_start3A_158 = tpu.memref_squeeze %dma_start3A_157 : memref<1x128x128xf32, #tpu.memory_space<vmem>> -> memref<128x128xf32, #tpu.memory_space<vmem>>
        %dma_start3A_159 = arith.constant 0 : i32
        %dma_start3A_160 = tpu.memref_slice %arg6[%add3A_153, %dma_start3A_159] : memref<40x128xi32, #tpu.memory_space<vmem>> -> memref<1x128xi32, #tpu.memory_space<vmem>>
        %dma_start3A_161 = tpu.memref_squeeze %dma_start3A_160 : memref<1x128xi32, #tpu.memory_space<vmem>> -> memref<128xi32, #tpu.memory_space<vmem>>
        %dma_start3A_162 = arith.constant 0 : i32
        %dma_start3A_163 = arith.constant 0 : i32
        %dma_start3A_164 = tpu.memref_slice %arg2[%dma_start3A_162, %dma_start3A_163] : memref<10000x128xf32, #tpu.memory_space<hbm>> -> memref<10000x128xf32, #tpu.memory_space<hbm>>
        tpu.enqueue_indirect_dma source(%dma_start3A_164 : memref<10000x128xf32, #tpu.memory_space<hbm>>) target(%dma_start3A_158 : memref<128x128xf32, #tpu.memory_space<vmem>>) offsets(%dma_start3A_161 : memref<128xi32, #tpu.memory_space<vmem>>) semaphore(%arg10 : memref<!tpu.dma_semaphore, #tpu.memory_space<semaphore_mem>>)
      } else {
      }
      %add3A_110 = arith.constant 1 : i32
      %add3A_111 = arith.addi %mul3A_81, %add3A_110 : i32
      %dma_wait3A_112 = arith.constant 1 : i32
      %dma_wait3A_113 = arith.constant 0 : i32
      %dma_wait3A_114 = arith.constant 0 : i32
      %dma_wait3A_115 = tpu.memref_slice %arg8[%dma_wait3A_112, %dma_wait3A_113, %dma_wait3A_114] : memref<2x128x128xf32, #tpu.memory_space<vmem>> -> memref<1x128x128xf32, #tpu.memory_space<vmem>>
      %dma_wait3A_116 = tpu.memref_squeeze %dma_wait3A_115 : memref<1x128x128xf32, #tpu.memory_space<vmem>> -> memref<128x128xf32, #tpu.memory_space<vmem>>
      %dma_wait3A_117 = arith.constant 0 : i32
      %dma_wait3A_118 = tpu.memref_slice %arg6[%add3A_111, %dma_wait3A_117] : memref<40x128xi32, #tpu.memory_space<vmem>> -> memref<1x128xi32, #tpu.memory_space<vmem>>
      %dma_wait3A_119 = tpu.memref_squeeze %dma_wait3A_118 : memref<1x128xi32, #tpu.memory_space<vmem>> -> memref<128xi32, #tpu.memory_space<vmem>>
      %dma_wait3A_120 = arith.constant 0 : i32
      %dma_wait3A_121 = arith.constant 0 : i32
      %dma_wait3A_122 = tpu.memref_slice %arg2[%dma_wait3A_120, %dma_wait3A_121] : memref<10000x128xf32, #tpu.memory_space<hbm>> -> memref<10000x128xf32, #tpu.memory_space<hbm>>
      tpu.wait_indirect_dma semaphore(%arg11 : memref<!tpu.dma_semaphore, #tpu.memory_space<semaphore_mem>>) src(%dma_wait3A_122 : memref<10000x128xf32, #tpu.memory_space<hbm>>) dst(%dma_wait3A_116 : memref<128x128xf32, #tpu.memory_space<vmem>>)
      %dma_start3A_123 = arith.constant 1 : i32
      %dma_start3A_124 = arith.constant 0 : i32
      %dma_start3A_125 = arith.constant 0 : i32
      %dma_start3A_126 = tpu.memref_slice %arg8[%dma_start3A_123, %dma_start3A_124, %dma_start3A_125] : memref<2x128x128xf32, #tpu.memory_space<vmem>> -> memref<1x128x128xf32, #tpu.memory_space<vmem>>
      %dma_start3A_127 = tpu.memref_squeeze %dma_start3A_126 : memref<1x128x128xf32, #tpu.memory_space<vmem>> -> memref<128x128xf32, #tpu.memory_space<vmem>>
      %dma_start3A_128 = arith.constant 0 : i32
      %dma_start3A_129 = tpu.memref_slice %arg7[%add3A_111, %dma_start3A_128] : memref<40x128xi32, #tpu.memory_space<vmem>> -> memref<1x128xi32, #tpu.memory_space<vmem>>
      %dma_start3A_130 = tpu.memref_squeeze %dma_start3A_129 : memref<1x128xi32, #tpu.memory_space<vmem>> -> memref<128xi32, #tpu.memory_space<vmem>>
      %dma_start3A_131 = arith.constant 0 : i32
      %dma_start3A_132 = arith.constant 0 : i32
      %dma_start3A_133 = tpu.memref_slice %arg9[%dma_start3A_131, %dma_start3A_132] : memref<10240x128xf32, #tpu.memory_space<vmem_shared>> -> memref<10240x128xf32, #tpu.memory_space<vmem_shared>>
      tpu.enqueue_indirect_dma source(%dma_start3A_127 : memref<128x128xf32, #tpu.memory_space<vmem>>) target(%dma_start3A_133 : memref<10240x128xf32, #tpu.memory_space<vmem_shared>>) offsets(%dma_start3A_130 : memref<128xi32, #tpu.memory_space<vmem>>) semaphore(%arg13 : memref<!tpu.dma_semaphore, #tpu.memory_space<semaphore_mem>>) {add = true}
      %add3A_134 = arith.constant 2 : i32
      %add3A_135 = arith.addi %add3A_111, %add3A_134 : i32
      %lt3A_136 = arith.constant 40 : i32
      %lt3A_137 = arith.cmpi slt, %add3A_135, %lt3A_136 : i32
      %convert_element_type3A_138 = arith.extui %lt3A_137 : i1 to i32
      %cond3A_139 = arith.constant 0 : i32
      %cond3A_140 = arith.cmpi ne, %convert_element_type3A_138, %cond3A_139 : i32
      scf.if %cond3A_140 {
        %dma_wait3A_141 = arith.constant 1 : i32
        %dma_wait3A_142 = arith.constant 0 : i32
        %dma_wait3A_143 = arith.constant 0 : i32
        %dma_wait3A_144 = tpu.memref_slice %arg8[%dma_wait3A_141, %dma_wait3A_142, %dma_wait3A_143] : memref<2x128x128xf32, #tpu.memory_space<vmem>> -> memref<1x128x128xf32, #tpu.memory_space<vmem>>
        %dma_wait3A_145 = tpu.memref_squeeze %dma_wait3A_144 : memref<1x128x128xf32, #tpu.memory_space<vmem>> -> memref<128x128xf32, #tpu.memory_space<vmem>>
        %dma_wait3A_146 = arith.constant 0 : i32
        %dma_wait3A_147 = tpu.memref_slice %arg7[%add3A_111, %dma_wait3A_146] : memref<40x128xi32, #tpu.memory_space<vmem>> -> memref<1x128xi32, #tpu.memory_space<vmem>>
        %dma_wait3A_148 = tpu.memref_squeeze %dma_wait3A_147 : memref<1x128xi32, #tpu.memory_space<vmem>> -> memref<128xi32, #tpu.memory_space<vmem>>
        %dma_wait3A_149 = arith.constant 0 : i32
        %dma_wait3A_150 = arith.constant 0 : i32
        %dma_wait3A_151 = tpu.memref_slice %arg9[%dma_wait3A_149, %dma_wait3A_150] : memref<10240x128xf32, #tpu.memory_space<vmem_shared>> -> memref<10240x128xf32, #tpu.memory_space<vmem_shared>>
        tpu.wait_indirect_dma semaphore(%arg13 : memref<!tpu.dma_semaphore, #tpu.memory_space<semaphore_mem>>) src(%dma_wait3A_145 : memref<128x128xf32, #tpu.memory_space<vmem>>) dst(%dma_wait3A_151 : memref<10240x128xf32, #tpu.memory_space<vmem_shared>>)
        %add3A_152 = arith.constant 2 : i32
        %add3A_153 = arith.addi %add3A_111, %add3A_152 : i32
        %dma_start3A_154 = arith.constant 1 : i32
        %dma_start3A_155 = arith.constant 0 : i32
        %dma_start3A_156 = arith.constant 0 : i32
        %dma_start3A_157 = tpu.memref_slice %arg8[%dma_start3A_154, %dma_start3A_155, %dma_start3A_156] : memref<2x128x128xf32, #tpu.memory_space<vmem>> -> memref<1x128x128xf32, #tpu.memory_space<vmem>>
        %dma_start3A_158 = tpu.memref_squeeze %dma_start3A_157 : memref<1x128x128xf32, #tpu.memory_space<vmem>> -> memref<128x128xf32, #tpu.memory_space<vmem>>
        %dma_start3A_159 = arith.constant 0 : i32
        %dma_start3A_160 = tpu.memref_slice %arg6[%add3A_153, %dma_start3A_159] : memref<40x128xi32, #tpu.memory_space<vmem>> -> memref<1x128xi32, #tpu.memory_space<vmem>>
        %dma_start3A_161 = tpu.memref_squeeze %dma_start3A_160 : memref<1x128xi32, #tpu.memory_space<vmem>> -> memref<128xi32, #tpu.memory_space<vmem>>
        %dma_start3A_162 = arith.constant 0 : i32
        %dma_start3A_163 = arith.constant 0 : i32
        %dma_start3A_164 = tpu.memref_slice %arg2[%dma_start3A_162, %dma_start3A_163] : memref<10000x128xf32, #tpu.memory_space<hbm>> -> memref<10000x128xf32, #tpu.memory_space<hbm>>
        tpu.enqueue_indirect_dma source(%dma_start3A_164 : memref<10000x128xf32, #tpu.memory_space<hbm>>) target(%dma_start3A_158 : memref<128x128xf32, #tpu.memory_space<vmem>>) offsets(%dma_start3A_161 : memref<128xi32, #tpu.memory_space<vmem>>) semaphore(%arg11 : memref<!tpu.dma_semaphore, #tpu.memory_space<semaphore_mem>>)
      } else {
      }
    }
    %scan3A_54 = arith.constant 20 : i32
    %dma_wait3A = arith.constant 0 : i32
    %dma_wait3A_55 = arith.constant 0 : i32
    %dma_wait3A_56 = arith.constant 0 : i32
    %dma_wait3A_57 = arith.constant 0 : i32
    %dma_wait3A_58 = tpu.memref_slice %arg8[%dma_wait3A, %dma_wait3A_56, %dma_wait3A_57] : memref<2x128x128xf32, #tpu.memory_space<vmem>> -> memref<1x128x128xf32, #tpu.memory_space<vmem>>
    %dma_wait3A_59 = tpu.memref_squeeze %dma_wait3A_58 : memref<1x128x128xf32, #tpu.memory_space<vmem>> -> memref<128x128xf32, #tpu.memory_space<vmem>>
    %dma_wait3A_60 = arith.constant 0 : i32
    %dma_wait3A_61 = tpu.memref_slice %arg7[%dma_wait3A_55, %dma_wait3A_60] : memref<40x128xi32, #tpu.memory_space<vmem>> -> memref<1x128xi32, #tpu.memory_space<vmem>>
    %dma_wait3A_62 = tpu.memref_squeeze %dma_wait3A_61 : memref<1x128xi32, #tpu.memory_space<vmem>> -> memref<128xi32, #tpu.memory_space<vmem>>
    %dma_wait3A_63 = arith.constant 0 : i32
    %dma_wait3A_64 = arith.constant 0 : i32
    %dma_wait3A_65 = tpu.memref_slice %arg9[%dma_wait3A_63, %dma_wait3A_64] : memref<10240x128xf32, #tpu.memory_space<vmem_shared>> -> memref<10240x128xf32, #tpu.memory_space<vmem_shared>>
    tpu.wait_indirect_dma semaphore(%arg12 : memref<!tpu.dma_semaphore, #tpu.memory_space<semaphore_mem>>) src(%dma_wait3A_59 : memref<128x128xf32, #tpu.memory_space<vmem>>) dst(%dma_wait3A_65 : memref<10240x128xf32, #tpu.memory_space<vmem_shared>>)
    %dma_wait3A_66 = arith.constant 1 : i32
    %dma_wait3A_67 = arith.constant 0 : i32
    %dma_wait3A_68 = arith.constant 0 : i32
    %dma_wait3A_69 = arith.constant 0 : i32
    %dma_wait3A_70 = tpu.memref_slice %arg8[%dma_wait3A_66, %dma_wait3A_68, %dma_wait3A_69] : memref<2x128x128xf32, #tpu.memory_space<vmem>> -> memref<1x128x128xf32, #tpu.memory_space<vmem>>
    %dma_wait3A_71 = tpu.memref_squeeze %dma_wait3A_70 : memref<1x128x128xf32, #tpu.memory_space<vmem>> -> memref<128x128xf32, #tpu.memory_space<vmem>>
    %dma_wait3A_72 = arith.constant 0 : i32
    %dma_wait3A_73 = tpu.memref_slice %arg7[%dma_wait3A_67, %dma_wait3A_72] : memref<40x128xi32, #tpu.memory_space<vmem>> -> memref<1x128xi32, #tpu.memory_space<vmem>>
    %dma_wait3A_74 = tpu.memref_squeeze %dma_wait3A_73 : memref<1x128xi32, #tpu.memory_space<vmem>> -> memref<128xi32, #tpu.memory_space<vmem>>
    %dma_wait3A_75 = arith.constant 0 : i32
    %dma_wait3A_76 = arith.constant 0 : i32
    %dma_wait3A_77 = tpu.memref_slice %arg9[%dma_wait3A_75, %dma_wait3A_76] : memref<10240x128xf32, #tpu.memory_space<vmem_shared>> -> memref<10240x128xf32, #tpu.memory_space<vmem_shared>>
    tpu.wait_indirect_dma semaphore(%arg13 : memref<!tpu.dma_semaphore, #tpu.memory_space<semaphore_mem>>) src(%dma_wait3A_71 : memref<128x128xf32, #tpu.memory_space<vmem>>) dst(%dma_wait3A_77 : memref<10240x128xf32, #tpu.memory_space<vmem_shared>>)
    %barrier3A_78 = arith.constant 0 : index
    tpu.barrier barrier_id(%barrier3A_78)
    "tpu.region"() ({
      %run_scoped3A_79 = tpu.sem_alloc : memref<!tpu.dma_semaphore, #tpu.memory_space<semaphore_mem>>
      %dma_start3A_80 = arith.constant 0 : i32
      %dma_start3A_81 = tpu.memref_slice %arg5[%arg0, %mul3A_0, %dma_start3A_80] : memref<2x10240x128xf32, #tpu.memory_space<hbm>> -> memref<1x640x128xf32, #tpu.memory_space<hbm>>
      %dma_start3A_82 = tpu.memref_squeeze %dma_start3A_81 : memref<1x640x128xf32, #tpu.memory_space<hbm>> -> memref<640x128xf32, #tpu.memory_space<hbm>>
      %dma_start3A_83 = arith.constant 0 : i32
      %dma_start3A_84 = tpu.memref_slice %arg9[%mul3A_0, %dma_start3A_83] : memref<10240x128xf32, #tpu.memory_space<vmem_shared>> -> memref<640x128xf32, #tpu.memory_space<vmem_shared>>
      tpu.enqueue_dma source(%dma_start3A_84 : memref<640x128xf32, #tpu.memory_space<vmem_shared>>) target(%dma_start3A_82 : memref<640x128xf32, #tpu.memory_space<hbm>>) target_semaphore(%run_scoped3A_79 : memref<!tpu.dma_semaphore, #tpu.memory_space<semaphore_mem>>)
      %dma_wait3A_85 = arith.constant 0 : i32
      %dma_wait3A_86 = tpu.memref_slice %arg5[%arg0, %mul3A_0, %dma_wait3A_85] : memref<2x10240x128xf32, #tpu.memory_space<hbm>> -> memref<1x640x128xf32, #tpu.memory_space<hbm>>
      %dma_wait3A_87 = tpu.memref_squeeze %dma_wait3A_86 : memref<1x640x128xf32, #tpu.memory_space<hbm>> -> memref<640x128xf32, #tpu.memory_space<hbm>>
      %dma_wait3A_88 = arith.constant 0 : i32
      %dma_wait3A_89 = tpu.memref_slice %arg9[%mul3A_0, %dma_wait3A_88] : memref<10240x128xf32, #tpu.memory_space<vmem_shared>> -> memref<640x128xf32, #tpu.memory_space<vmem_shared>>
      tpu.wait_dma2 semaphore(%run_scoped3A_79 : memref<!tpu.dma_semaphore, #tpu.memory_space<semaphore_mem>>) src(%dma_wait3A_89 : memref<640x128xf32, #tpu.memory_space<vmem_shared>>) dst(%dma_wait3A_87 : memref<640x128xf32, #tpu.memory_space<hbm>>)
      tpu.yield
    }) : () -> ()
    return
  }
}

module attributes {stable_mosaic.version = 14 : i64} {
  func.func @_k1_body(%arg0: i32, %arg1: memref<1000x256xf32, #tpu.memory_space<vmem>>, %arg2: memref<256x128xf32, #tpu.memory_space<vmem>>, %arg3: memref<1000x128xf32, #tpu.memory_space<vmem>>) attributes {dimension_semantics = [#tpu.dimension_semantics<arbitrary>], iteration_bounds = array<i64: 10>, scalar_prefetch = 0 : i64, scratch_operands = 0 : i64, tpu.core_type = #tpu.core_type<tc>, window_params = [{transform_indices = @transform_0, window_bounds = array<i64: 1000, 256>}, {pipeline_mode = #tpu.pipeline_mode<synchronous>, transform_indices = @transform_1, window_bounds = array<i64: 256, 128>}, {transform_indices = @transform_2, window_bounds = array<i64: 1000, 128>}]} {
    %get3A = arith.constant 0 : index
    %get3A_0 = arith.constant 0 : index
    %get3A_1 = vector.load %arg1[%get3A, %get3A_0] : memref<1000x256xf32, #tpu.memory_space<vmem>>, vector<1000x256xf32>
    %get3A_2 = arith.constant 0 : index
    %get3A_3 = arith.constant 0 : index
    %get3A_4 = vector.load %arg2[%get3A_2, %get3A_3] : memref<256x128xf32, #tpu.memory_space<vmem>>, vector<256x128xf32>
    %dot_general3A = arith.constant dense<0.000000e+00> : vector<1000x128xf32>
    %dot_general3A_5 = tpu.matmul %get3A_1, %get3A_4, %dot_general3A {dimension_numbers = #tpu.dot_dimension_numbers<[1], [0], [0], [1], [0, 0, 1, 1], [], []>, transpose_lhs_hint = false} : vector<1000x256xf32>, vector<256x128xf32>, vector<1000x128xf32> -> vector<1000x128xf32>
    %swap3A = arith.constant 0 : index
    %swap3A_6 = arith.constant 0 : index
    %swap3A_7 = vector.load %arg3[%swap3A, %swap3A_6] : memref<1000x128xf32, #tpu.memory_space<vmem>>, vector<1000x128xf32>
    tpu.vector_store %arg3[%swap3A, %swap3A_6], %dot_general3A_5 {strides = array<i32>} : memref<1000x128xf32, #tpu.memory_space<vmem>>, vector<1000x128xf32>,
    return
  }
  func.func @transform_0(%arg0: i32) -> (i32, i32) {
    %c0_i32 = arith.constant 0 : i32
    %c0_i32_0 = arith.constant 0 : i32
    return %arg0, %c0_i32 : i32, i32
  }
  func.func @transform_1(%arg0: i32) -> (i32, i32) {
    %c0_i32 = arith.constant 0 : i32
    %c0_i32_0 = arith.constant 0 : i32
    %c0_i32_1 = arith.constant 0 : i32
    return %c0_i32, %c0_i32_0 : i32, i32
  }
  func.func @transform_2(%arg0: i32) -> (i32, i32) {
    %c0_i32 = arith.constant 0 : i32
    %c0_i32_0 = arith.constant 0 : i32
    return %arg0, %c0_i32 : i32, i32
  }
}

module attributes {stable_mosaic.version = 14 : i64} {
  func.func @_k1b_body(%arg0: i32, %arg1: memref<1000x128xf32, #tpu.memory_space<vmem>>, %arg2: memref<1000x1xf32, #tpu.memory_space<vmem>>, %arg3: memref<1000x128xf32, #tpu.memory_space<vmem>>) attributes {dimension_semantics = [#tpu.dimension_semantics<arbitrary>], iteration_bounds = array<i64: 10>, scalar_prefetch = 0 : i64, scratch_operands = 0 : i64, tpu.core_type = #tpu.core_type<tc>, window_params = [{transform_indices = @transform_0, window_bounds = array<i64: 1000, 128>}, {transform_indices = @transform_1, window_bounds = array<i64: 1000, 1>}, {transform_indices = @transform_2, window_bounds = array<i64: 1000, 128>}]} {
    %get3A = arith.constant 0 : index
    %get3A_0 = arith.constant 0 : index
    %get3A_1 = vector.load %arg2[%get3A, %get3A_0] : memref<1000x1xf32, #tpu.memory_space<vmem>>, vector<1000x1xf32>
    %get3A_2 = arith.constant 0 : index
    %get3A_3 = arith.constant 0 : index
    %get3A_4 = vector.load %arg1[%get3A_2, %get3A_3] : memref<1000x128xf32, #tpu.memory_space<vmem>>, vector<1000x128xf32>
    %mul3A = vector.broadcast %get3A_1 : vector<1000x1xf32> to vector<1000x128xf32>
    %mul3A_5 = arith.mulf %mul3A, %get3A_4 : vector<1000x128xf32>
    %swap3A = arith.constant 0 : index
    %swap3A_6 = arith.constant 0 : index
    %swap3A_7 = vector.load %arg3[%swap3A, %swap3A_6] : memref<1000x128xf32, #tpu.memory_space<vmem>>, vector<1000x128xf32>
    tpu.vector_store %arg3[%swap3A, %swap3A_6], %mul3A_5 {strides = array<i32>} : memref<1000x128xf32, #tpu.memory_space<vmem>>, vector<1000x128xf32>,
    return
  }
  func.func @transform_0(%arg0: i32) -> (i32, i32) {
    %c0_i32 = arith.constant 0 : i32
    %c0_i32_0 = arith.constant 0 : i32
    return %arg0, %c0_i32 : i32, i32
  }
  func.func @transform_1(%arg0: i32) -> (i32, i32) {
    %c0_i32 = arith.constant 0 : i32
    %c0_i32_0 = arith.constant 0 : i32
    return %arg0, %c0_i32 : i32, i32
  }
  func.func @transform_2(%arg0: i32) -> (i32, i32) {
    %c0_i32 = arith.constant 0 : i32
    %c0_i32_0 = arith.constant 0 : i32
    return %arg0, %c0_i32 : i32, i32
  }
}

module attributes {stable_mosaic.version = 14 : i64} {
  func.func @body(%arg0: i32, %arg1: memref<2x1000x128xf32, #tpu.memory_space<vmem>>, %arg2: memref<1000x128xf32, #tpu.memory_space<vmem>>, %arg3: memref<1000x1xf32, #tpu.memory_space<vmem>>, %arg4: memref<1x128xf32, #tpu.memory_space<vmem>>, %arg5: memref<1000x128xf32, #tpu.memory_space<vmem>>, %arg6: memref<1x128xf32, #tpu.memory_space<vmem>>, %arg7: memref<1x128xf32, #tpu.memory_space<vmem>>) attributes {dimension_semantics = [#tpu.dimension_semantics<arbitrary>], iteration_bounds = array<i64: 10>, scalar_prefetch = 0 : i64, scratch_operands = 0 : i64, tpu.core_type = #tpu.core_type<tc>, window_params = [{transform_indices = @transform_0, window_bounds = array<i64: 2, 1000, 128>}, {transform_indices = @transform_1, window_bounds = array<i64: 1000, 128>}, {transform_indices = @transform_2, window_bounds = array<i64: 1000, 1>}, {pipeline_mode = #tpu.pipeline_mode<synchronous>, transform_indices = @transform_3, window_bounds = array<i64: 1, 128>}, {transform_indices = @transform_4, window_bounds = array<i64: 1000, 128>}, {pipeline_mode = #tpu.pipeline_mode<synchronous>, transform_indices = @transform_5, window_bounds = array<i64: 1, 128>}, {pipeline_mode = #tpu.pipeline_mode<synchronous>, transform_indices = @transform_6, window_bounds = array<i64: 1, 128>}]} {
    %get3A = arith.constant 0 : index
    %get3A_0 = arith.constant 0 : index
    %get3A_1 = vector.load %arg3[%get3A, %get3A_0] : memref<1000x1xf32, #tpu.memory_space<vmem>>, vector<1000x1xf32>
    %get3A_2 = arith.constant 0 : index
    %get3A_3 = arith.constant 0 : index
    %get3A_4 = arith.constant 0 : index
    %get3A_5 = vector.load %arg1[%get3A_2, %get3A_3, %get3A_4] : memref<2x1000x128xf32, #tpu.memory_space<vmem>>, vector<1x1000x128xf32>
    %get3A_6 = vector.shape_cast %get3A_5 : vector<1x1000x128xf32> to vector<1000x128xf32>
    %get3A_7 = arith.constant 1 : index
    %get3A_8 = arith.constant 0 : index
    %get3A_9 = arith.constant 0 : index
    %get3A_10 = vector.load %arg1[%get3A_7, %get3A_8, %get3A_9] : memref<2x1000x128xf32, #tpu.memory_space<vmem>>, vector<1x1000x128xf32>
    %get3A_11 = vector.shape_cast %get3A_10 : vector<1x1000x128xf32> to vector<1000x128xf32>
    %add3A = arith.addf %get3A_6, %get3A_11 : vector<1000x128xf32>
    %get3A_12 = arith.constant 0 : index
    %get3A_13 = arith.constant 0 : index
    %get3A_14 = vector.load %arg2[%get3A_12, %get3A_13] : memref<1000x128xf32, #tpu.memory_space<vmem>>, vector<1000x128xf32>
    %add3A_15 = arith.addf %add3A, %get3A_14 : vector<1000x128xf32>
    %mul3A = vector.broadcast %get3A_1 : vector<1000x1xf32> to vector<1000x128xf32>
    %mul3A_16 = arith.mulf %mul3A, %add3A_15 : vector<1000x128xf32>
    %get3A_17 = arith.constant 0 : index
    %get3A_18 = arith.constant 0 : index
    %get3A_19 = vector.load %arg4[%get3A_17, %get3A_18] : memref<1x128xf32, #tpu.memory_space<vmem>>, vector<1x128xf32>
    %add3A_20 = vector.broadcast %get3A_19 : vector<1x128xf32> to vector<1000x128xf32>
    %add3A_21 = arith.addf %mul3A_16, %add3A_20 : vector<1000x128xf32>
    %swap3A = arith.constant 0 : index
    %swap3A_22 = arith.constant 0 : index
    %swap3A_23 = vector.load %arg5[%swap3A, %swap3A_22] : memref<1000x128xf32, #tpu.memory_space<vmem>>, vector<1000x128xf32>
    tpu.vector_store %arg5[%swap3A, %swap3A_22], %add3A_21 {strides = array<i32>} : memref<1000x128xf32, #tpu.memory_space<vmem>>, vector<1000x128xf32>,
    %reduce_sum3A = arith.constant dense<0.000000e+00> : vector<128xf32>
    %reduce_sum3A_24 = vector.multi_reduction <add>, %add3A_21, %reduce_sum3A [0] : vector<1000x128xf32> to vector<128xf32>
    %broadcast_in_dim3A = vector.shape_cast %reduce_sum3A_24 : vector<128xf32> to vector<1x128xf32>
    %mul3A_25 = arith.mulf %add3A_21, %add3A_21 : vector<1000x128xf32>
    %reduce_sum3A_26 = arith.constant dense<0.000000e+00> : vector<128xf32>
    %reduce_sum3A_27 = vector.multi_reduction <add>, %mul3A_25, %reduce_sum3A_26 [0] : vector<1000x128xf32> to vector<128xf32>
    %broadcast_in_dim3A_28 = vector.shape_cast %reduce_sum3A_27 : vector<128xf32> to vector<1x128xf32>
    %eq3A = arith.constant 0 : i32
    %eq3A_29 = arith.cmpi eq, %arg0, %eq3A : i32
    %convert_element_type3A = arith.extui %eq3A_29 : i1 to i32
    %cond3A = arith.constant 0 : i32
    %cond3A_30 = arith.cmpi ne, %convert_element_type3A, %cond3A : i32
    scf.if %cond3A_30 {
      %swap3A_35 = arith.constant 0 : index
      %swap3A_36 = arith.constant 0 : index
      %swap3A_37 = vector.load %arg6[%swap3A_35, %swap3A_36] : memref<1x128xf32, #tpu.memory_space<vmem>>, vector<1x128xf32>
      tpu.vector_store %arg6[%swap3A_35, %swap3A_36], %broadcast_in_dim3A {strides = array<i32>} : memref<1x128xf32, #tpu.memory_space<vmem>>, vector<1x128xf32>,
      %swap3A_38 = arith.constant 0 : index
      %swap3A_39 = arith.constant 0 : index
      %swap3A_40 = vector.load %arg7[%swap3A_38, %swap3A_39] : memref<1x128xf32, #tpu.memory_space<vmem>>, vector<1x128xf32>
      tpu.vector_store %arg7[%swap3A_38, %swap3A_39], %broadcast_in_dim3A_28 {strides = array<i32>} : memref<1x128xf32, #tpu.memory_space<vmem>>, vector<1x128xf32>,
    } else {
    }
    %ne3A = arith.constant 0 : i32
    %ne3A_31 = arith.cmpi ne, %arg0, %ne3A : i32
    %convert_element_type3A_32 = arith.extui %ne3A_31 : i1 to i32
    %cond3A_33 = arith.constant 0 : i32
    %cond3A_34 = arith.cmpi ne, %convert_element_type3A_32, %cond3A_33 : i32
    scf.if %cond3A_34 {
      %get3A_35 = arith.constant 0 : index
      %get3A_36 = arith.constant 0 : index
      %get3A_37 = vector.load %arg6[%get3A_35, %get3A_36] : memref<1x128xf32, #tpu.memory_space<vmem>>, vector<1x128xf32>
      %add3A_38 = arith.addf %get3A_37, %broadcast_in_dim3A : vector<1x128xf32>
      %swap3A_39 = arith.constant 0 : index
      %swap3A_40 = arith.constant 0 : index
      %swap3A_41 = vector.load %arg6[%swap3A_39, %swap3A_40] : memref<1x128xf32, #tpu.memory_space<vmem>>, vector<1x128xf32>
      tpu.vector_store %arg6[%swap3A_39, %swap3A_40], %add3A_38 {strides = array<i32>} : memref<1x128xf32, #tpu.memory_space<vmem>>, vector<1x128xf32>,
      %get3A_42 = arith.constant 0 : index
      %get3A_43 = arith.constant 0 : index
      %get3A_44 = vector.load %arg7[%get3A_42, %get3A_43] : memref<1x128xf32, #tpu.memory_space<vmem>>, vector<1x128xf32>
      %add3A_45 = arith.addf %get3A_44, %broadcast_in_dim3A_28 : vector<1x128xf32>
      %swap3A_46 = arith.constant 0 : index
      %swap3A_47 = arith.constant 0 : index
      %swap3A_48 = vector.load %arg7[%swap3A_46, %swap3A_47] : memref<1x128xf32, #tpu.memory_space<vmem>>, vector<1x128xf32>
      tpu.vector_store %arg7[%swap3A_46, %swap3A_47], %add3A_45 {strides = array<i32>} : memref<1x128xf32, #tpu.memory_space<vmem>>, vector<1x128xf32>,
    } else {
    }
    return
  }
  func.func @transform_0(%arg0: i32) -> (i32, i32, i32) {
    %c0_i32 = arith.constant 0 : i32
    %c0_i32_0 = arith.constant 0 : i32
    %c0_i32_1 = arith.constant 0 : i32
    return %c0_i32, %arg0, %c0_i32_0 : i32, i32, i32
  }
  func.func @transform_1(%arg0: i32) -> (i32, i32) {
    %c0_i32 = arith.constant 0 : i32
    %c0_i32_0 = arith.constant 0 : i32
    return %arg0, %c0_i32 : i32, i32
  }
  func.func @transform_2(%arg0: i32) -> (i32, i32) {
    %c0_i32 = arith.constant 0 : i32
    %c0_i32_0 = arith.constant 0 : i32
    return %arg0, %c0_i32 : i32, i32
  }
  func.func @transform_3(%arg0: i32) -> (i32, i32) {
    %c0_i32 = arith.constant 0 : i32
    %c0_i32_0 = arith.constant 0 : i32
    %c0_i32_1 = arith.constant 0 : i32
    return %c0_i32, %c0_i32_0 : i32, i32
  }
  func.func @transform_4(%arg0: i32) -> (i32, i32) {
    %c0_i32 = arith.constant 0 : i32
    %c0_i32_0 = arith.constant 0 : i32
    return %arg0, %c0_i32 : i32, i32
  }
  func.func @transform_5(%arg0: i32) -> (i32, i32) {
    %c0_i32 = arith.constant 0 : i32
    %c0_i32_0 = arith.constant 0 : i32
    %c0_i32_1 = arith.constant 0 : i32
    return %c0_i32, %c0_i32_0 : i32, i32
  }
  func.func @transform_6(%arg0: i32) -> (i32, i32) {
    %c0_i32 = arith.constant 0 : i32
    %c0_i32_0 = arith.constant 0 : i32
    %c0_i32_1 = arith.constant 0 : i32
    return %c0_i32, %c0_i32_0 : i32, i32
  }
}

module attributes {stable_mosaic.version = 14 : i64} {
  func.func @_k2b_body(%arg0: i32, %arg1: memref<1000x128xf32, #tpu.memory_space<vmem>>, %arg2: memref<1x128xf32, #tpu.memory_space<vmem>>, %arg3: memref<1x128xf32, #tpu.memory_space<vmem>>, %arg4: memref<128x128xf32, #tpu.memory_space<vmem>>, %arg5: memref<1000x1xf32, #tpu.memory_space<vmem>>, %arg6: memref<1000x128xf32, #tpu.memory_space<vmem>>, %arg7: memref<1000x128xf32, #tpu.memory_space<vmem>>) attributes {dimension_semantics = [#tpu.dimension_semantics<arbitrary>], iteration_bounds = array<i64: 10>, scalar_prefetch = 0 : i64, scratch_operands = 0 : i64, tpu.core_type = #tpu.core_type<tc>, window_params = [{transform_indices = @transform_0, window_bounds = array<i64: 1000, 128>}, {pipeline_mode = #tpu.pipeline_mode<synchronous>, transform_indices = @transform_1, window_bounds = array<i64: 1, 128>}, {pipeline_mode = #tpu.pipeline_mode<synchronous>, transform_indices = @transform_2, window_bounds = array<i64: 1, 128>}, {pipeline_mode = #tpu.pipeline_mode<synchronous>, transform_indices = @transform_3, window_bounds = array<i64: 128, 128>}, {transform_indices = @transform_4, window_bounds = array<i64: 1000, 1>}, {transform_indices = @transform_5, window_bounds = array<i64: 1000, 128>}, {transform_indices = @transform_6, window_bounds = array<i64: 1000, 128>}]} {
    %get3A = arith.constant 0 : index
    %get3A_0 = arith.constant 0 : index
    %get3A_1 = vector.load %arg1[%get3A, %get3A_0] : memref<1000x128xf32, #tpu.memory_space<vmem>>, vector<1000x128xf32>
    %get3A_2 = arith.constant 0 : index
    %get3A_3 = arith.constant 0 : index
    %get3A_4 = vector.load %arg2[%get3A_2, %get3A_3] : memref<1x128xf32, #tpu.memory_space<vmem>>, vector<1x128xf32>
    %mul3A = vector.broadcast %get3A_4 : vector<1x128xf32> to vector<1000x128xf32>
    %mul3A_5 = arith.mulf %get3A_1, %mul3A : vector<1000x128xf32>
    %get3A_6 = arith.constant 0 : index
    %get3A_7 = arith.constant 0 : index
    %get3A_8 = vector.load %arg3[%get3A_6, %get3A_7] : memref<1x128xf32, #tpu.memory_space<vmem>>, vector<1x128xf32>
    %add3A = vector.broadcast %get3A_8 : vector<1x128xf32> to vector<1000x128xf32>
    %add3A_9 = arith.addf %mul3A_5, %add3A : vector<1000x128xf32>
    %max3A = arith.constant 0.000000e+00 : f32
    %max3A_10 = vector.broadcast %max3A : f32 to vector<1000x128xf32>
    %max3A_11 = arith.maximumf %add3A_9, %max3A_10 : vector<1000x128xf32>
    %swap3A = arith.constant 0 : index
    %swap3A_12 = arith.constant 0 : index
    %swap3A_13 = vector.load %arg6[%swap3A, %swap3A_12] : memref<1000x128xf32, #tpu.memory_space<vmem>>, vector<1000x128xf32>
    tpu.vector_store %arg6[%swap3A, %swap3A_12], %max3A_11 {strides = array<i32>} : memref<1000x128xf32, #tpu.memory_space<vmem>>, vector<1000x128xf32>,
    %get3A_14 = arith.constant 0 : index
    %get3A_15 = arith.constant 0 : index
    %get3A_16 = vector.load %arg5[%get3A_14, %get3A_15] : memref<1000x1xf32, #tpu.memory_space<vmem>>, vector<1000x1xf32>
    %get3A_17 = arith.constant 0 : index
    %get3A_18 = arith.constant 0 : index
    %get3A_19 = vector.load %arg4[%get3A_17, %get3A_18] : memref<128x128xf32, #tpu.memory_space<vmem>>, vector<128x128xf32>
    %dot_general3A = arith.constant dense<0.000000e+00> : vector<1000x128xf32>
    %dot_general3A_20 = tpu.matmul %max3A_11, %get3A_19, %dot_general3A {dimension_numbers = #tpu.dot_dimension_numbers<[1], [0], [0], [1], [0, 0, 1, 1], [], []>, transpose_lhs_hint = false} : vector<1000x128xf32>, vector<128x128xf32>, vector<1000x128xf32> -> vector<1000x128xf32>
    %mul3A_21 = vector.broadcast %get3A_16 : vector<1000x1xf32> to vector<1000x128xf32>
    %mul3A_22 = arith.mulf %mul3A_21, %dot_general3A_20 : vector<1000x128xf32>
    %swap3A_23 = arith.constant 0 : index
    %swap3A_24 = arith.constant 0 : index
    %swap3A_25 = vector.load %arg7[%swap3A_23, %swap3A_24] : memref<1000x128xf32, #tpu.memory_space<vmem>>, vector<1000x128xf32>
    tpu.vector_store %arg7[%swap3A_23, %swap3A_24], %mul3A_22 {strides = array<i32>} : memref<1000x128xf32, #tpu.memory_space<vmem>>, vector<1000x128xf32>,
    return
  }
  func.func @transform_0(%arg0: i32) -> (i32, i32) {
    %c0_i32 = arith.constant 0 : i32
    %c0_i32_0 = arith.constant 0 : i32
    return %arg0, %c0_i32 : i32, i32
  }
  func.func @transform_1(%arg0: i32) -> (i32, i32) {
    %c0_i32 = arith.constant 0 : i32
    %c0_i32_0 = arith.constant 0 : i32
    %c0_i32_1 = arith.constant 0 : i32
    return %c0_i32, %c0_i32_0 : i32, i32
  }
  func.func @transform_2(%arg0: i32) -> (i32, i32) {
    %c0_i32 = arith.constant 0 : i32
    %c0_i32_0 = arith.constant 0 : i32
    %c0_i32_1 = arith.constant 0 : i32
    return %c0_i32, %c0_i32_0 : i32, i32
  }
  func.func @transform_3(%arg0: i32) -> (i32, i32) {
    %c0_i32 = arith.constant 0 : i32
    %c0_i32_0 = arith.constant 0 : i32
    %c0_i32_1 = arith.constant 0 : i32
    return %c0_i32, %c0_i32_0 : i32, i32
  }
  func.func @transform_4(%arg0: i32) -> (i32, i32) {
    %c0_i32 = arith.constant 0 : i32
    %c0_i32_0 = arith.constant 0 : i32
    return %arg0, %c0_i32 : i32, i32
  }
  func.func @transform_5(%arg0: i32) -> (i32, i32) {
    %c0_i32 = arith.constant 0 : i32
    %c0_i32_0 = arith.constant 0 : i32
    return %arg0, %c0_i32 : i32, i32
  }
  func.func @transform_6(%arg0: i32) -> (i32, i32) {
    %c0_i32 = arith.constant 0 : i32
    %c0_i32_0 = arith.constant 0 : i32
    return %arg0, %c0_i32 : i32, i32
  }
}

module attributes {stable_mosaic.version = 14 : i64} {
  func.func @body(%arg0: i32, %arg1: memref<2x1000x128xf32, #tpu.memory_space<vmem>>, %arg2: memref<1000x128xf32, #tpu.memory_space<vmem>>, %arg3: memref<1000x1xf32, #tpu.memory_space<vmem>>, %arg4: memref<1x64xf32, #tpu.memory_space<vmem>>, %arg5: memref<1000x64xf32, #tpu.memory_space<vmem>>, %arg6: memref<1x64xf32, #tpu.memory_space<vmem>>, %arg7: memref<1x64xf32, #tpu.memory_space<vmem>>) attributes {dimension_semantics = [#tpu.dimension_semantics<arbitrary>], iteration_bounds = array<i64: 10>, scalar_prefetch = 0 : i64, scratch_operands = 0 : i64, tpu.core_type = #tpu.core_type<tc>, window_params = [{transform_indices = @transform_0, window_bounds = array<i64: 2, 1000, 128>}, {transform_indices = @transform_1, window_bounds = array<i64: 1000, 128>}, {transform_indices = @transform_2, window_bounds = array<i64: 1000, 1>}, {pipeline_mode = #tpu.pipeline_mode<synchronous>, transform_indices = @transform_3, window_bounds = array<i64: 1, 64>}, {transform_indices = @transform_4, window_bounds = array<i64: 1000, 64>}, {pipeline_mode = #tpu.pipeline_mode<synchronous>, transform_indices = @transform_5, window_bounds = array<i64: 1, 64>}, {pipeline_mode = #tpu.pipeline_mode<synchronous>, transform_indices = @transform_6, window_bounds = array<i64: 1, 64>}]} {
    %get3A = arith.constant 0 : index
    %get3A_0 = arith.constant 0 : index
    %get3A_1 = vector.load %arg3[%get3A, %get3A_0] : memref<1000x1xf32, #tpu.memory_space<vmem>>, vector<1000x1xf32>
    %get3A_2 = arith.constant 0 : index
    %get3A_3 = arith.constant 0 : index
    %get3A_4 = arith.constant 0 : index
    %get3A_5 = vector.load %arg1[%get3A_2, %get3A_3, %get3A_4] : memref<2x1000x128xf32, #tpu.memory_space<vmem>>, vector<1x1000x64xf32>
    %get3A_6 = vector.shape_cast %get3A_5 : vector<1x1000x64xf32> to vector<1000x64xf32>
    %get3A_7 = arith.constant 1 : index
    %get3A_8 = arith.constant 0 : index
    %get3A_9 = arith.constant 0 : index
    %get3A_10 = vector.load %arg1[%get3A_7, %get3A_8, %get3A_9] : memref<2x1000x128xf32, #tpu.memory_space<vmem>>, vector<1x1000x64xf32>
    %get3A_11 = vector.shape_cast %get3A_10 : vector<1x1000x64xf32> to vector<1000x64xf32>
    %add3A = arith.addf %get3A_6, %get3A_11 : vector<1000x64xf32>
    %get3A_12 = arith.constant 0 : index
    %get3A_13 = arith.constant 0 : index
    %get3A_14 = vector.load %arg2[%get3A_12, %get3A_13] : memref<1000x128xf32, #tpu.memory_space<vmem>>, vector<1000x64xf32>
    %add3A_15 = arith.addf %add3A, %get3A_14 : vector<1000x64xf32>
    %mul3A = vector.broadcast %get3A_1 : vector<1000x1xf32> to vector<1000x64xf32>
    %mul3A_16 = arith.mulf %mul3A, %add3A_15 : vector<1000x64xf32>
    %get3A_17 = arith.constant 0 : index
    %get3A_18 = arith.constant 0 : index
    %get3A_19 = vector.load %arg4[%get3A_17, %get3A_18] : memref<1x64xf32, #tpu.memory_space<vmem>>, vector<1x64xf32>
    %add3A_20 = vector.broadcast %get3A_19 : vector<1x64xf32> to vector<1000x64xf32>
    %add3A_21 = arith.addf %mul3A_16, %add3A_20 : vector<1000x64xf32>
    %swap3A = arith.constant 0 : index
    %swap3A_22 = arith.constant 0 : index
    %swap3A_23 = vector.load %arg5[%swap3A, %swap3A_22] : memref<1000x64xf32, #tpu.memory_space<vmem>>, vector<1000x64xf32>
    tpu.vector_store %arg5[%swap3A, %swap3A_22], %add3A_21 {strides = array<i32>} : memref<1000x64xf32, #tpu.memory_space<vmem>>, vector<1000x64xf32>,
    %reduce_sum3A = arith.constant dense<0.000000e+00> : vector<64xf32>
    %reduce_sum3A_24 = vector.multi_reduction <add>, %add3A_21, %reduce_sum3A [0] : vector<1000x64xf32> to vector<64xf32>
    %broadcast_in_dim3A = vector.shape_cast %reduce_sum3A_24 : vector<64xf32> to vector<1x64xf32>
    %mul3A_25 = arith.mulf %add3A_21, %add3A_21 : vector<1000x64xf32>
    %reduce_sum3A_26 = arith.constant dense<0.000000e+00> : vector<64xf32>
    %reduce_sum3A_27 = vector.multi_reduction <add>, %mul3A_25, %reduce_sum3A_26 [0] : vector<1000x64xf32> to vector<64xf32>
    %broadcast_in_dim3A_28 = vector.shape_cast %reduce_sum3A_27 : vector<64xf32> to vector<1x64xf32>
    %eq3A = arith.constant 0 : i32
    %eq3A_29 = arith.cmpi eq, %arg0, %eq3A : i32
    %convert_element_type3A = arith.extui %eq3A_29 : i1 to i32
    %cond3A = arith.constant 0 : i32
    %cond3A_30 = arith.cmpi ne, %convert_element_type3A, %cond3A : i32
    scf.if %cond3A_30 {
      %swap3A_35 = arith.constant 0 : index
      %swap3A_36 = arith.constant 0 : index
      %swap3A_37 = vector.load %arg6[%swap3A_35, %swap3A_36] : memref<1x64xf32, #tpu.memory_space<vmem>>, vector<1x64xf32>
      tpu.vector_store %arg6[%swap3A_35, %swap3A_36], %broadcast_in_dim3A {strides = array<i32>} : memref<1x64xf32, #tpu.memory_space<vmem>>, vector<1x64xf32>,
      %swap3A_38 = arith.constant 0 : index
      %swap3A_39 = arith.constant 0 : index
      %swap3A_40 = vector.load %arg7[%swap3A_38, %swap3A_39] : memref<1x64xf32, #tpu.memory_space<vmem>>, vector<1x64xf32>
      tpu.vector_store %arg7[%swap3A_38, %swap3A_39], %broadcast_in_dim3A_28 {strides = array<i32>} : memref<1x64xf32, #tpu.memory_space<vmem>>, vector<1x64xf32>,
    } else {
    }
    %ne3A = arith.constant 0 : i32
    %ne3A_31 = arith.cmpi ne, %arg0, %ne3A : i32
    %convert_element_type3A_32 = arith.extui %ne3A_31 : i1 to i32
    %cond3A_33 = arith.constant 0 : i32
    %cond3A_34 = arith.cmpi ne, %convert_element_type3A_32, %cond3A_33 : i32
    scf.if %cond3A_34 {
      %get3A_35 = arith.constant 0 : index
      %get3A_36 = arith.constant 0 : index
      %get3A_37 = vector.load %arg6[%get3A_35, %get3A_36] : memref<1x64xf32, #tpu.memory_space<vmem>>, vector<1x64xf32>
      %add3A_38 = arith.addf %get3A_37, %broadcast_in_dim3A : vector<1x64xf32>
      %swap3A_39 = arith.constant 0 : index
      %swap3A_40 = arith.constant 0 : index
      %swap3A_41 = vector.load %arg6[%swap3A_39, %swap3A_40] : memref<1x64xf32, #tpu.memory_space<vmem>>, vector<1x64xf32>
      tpu.vector_store %arg6[%swap3A_39, %swap3A_40], %add3A_38 {strides = array<i32>} : memref<1x64xf32, #tpu.memory_space<vmem>>, vector<1x64xf32>,
      %get3A_42 = arith.constant 0 : index
      %get3A_43 = arith.constant 0 : index
      %get3A_44 = vector.load %arg7[%get3A_42, %get3A_43] : memref<1x64xf32, #tpu.memory_space<vmem>>, vector<1x64xf32>
      %add3A_45 = arith.addf %get3A_44, %broadcast_in_dim3A_28 : vector<1x64xf32>
      %swap3A_46 = arith.constant 0 : index
      %swap3A_47 = arith.constant 0 : index
      %swap3A_48 = vector.load %arg7[%swap3A_46, %swap3A_47] : memref<1x64xf32, #tpu.memory_space<vmem>>, vector<1x64xf32>
      tpu.vector_store %arg7[%swap3A_46, %swap3A_47], %add3A_45 {strides = array<i32>} : memref<1x64xf32, #tpu.memory_space<vmem>>, vector<1x64xf32>,
    } else {
    }
    return
  }
  func.func @transform_0(%arg0: i32) -> (i32, i32, i32) {
    %c0_i32 = arith.constant 0 : i32
    %c0_i32_0 = arith.constant 0 : i32
    %c0_i32_1 = arith.constant 0 : i32
    return %c0_i32, %arg0, %c0_i32_0 : i32, i32, i32
  }
  func.func @transform_1(%arg0: i32) -> (i32, i32) {
    %c0_i32 = arith.constant 0 : i32
    %c0_i32_0 = arith.constant 0 : i32
    return %arg0, %c0_i32 : i32, i32
  }
  func.func @transform_2(%arg0: i32) -> (i32, i32) {
    %c0_i32 = arith.constant 0 : i32
    %c0_i32_0 = arith.constant 0 : i32
    return %arg0, %c0_i32 : i32, i32
  }
  func.func @transform_3(%arg0: i32) -> (i32, i32) {
    %c0_i32 = arith.constant 0 : i32
    %c0_i32_0 = arith.constant 0 : i32
    %c0_i32_1 = arith.constant 0 : i32
    return %c0_i32, %c0_i32_0 : i32, i32
  }
  func.func @transform_4(%arg0: i32) -> (i32, i32) {
    %c0_i32 = arith.constant 0 : i32
    %c0_i32_0 = arith.constant 0 : i32
    return %arg0, %c0_i32 : i32, i32
  }
  func.func @transform_5(%arg0: i32) -> (i32, i32) {
    %c0_i32 = arith.constant 0 : i32
    %c0_i32_0 = arith.constant 0 : i32
    %c0_i32_1 = arith.constant 0 : i32
    return %c0_i32, %c0_i32_0 : i32, i32
  }
  func.func @transform_6(%arg0: i32) -> (i32, i32) {
    %c0_i32 = arith.constant 0 : i32
    %c0_i32_0 = arith.constant 0 : i32
    %c0_i32_1 = arith.constant 0 : i32
    return %c0_i32, %c0_i32_0 : i32, i32
  }
}

module attributes {stable_mosaic.version = 14 : i64} {
  func.func @_k3b_body(%arg0: i32, %arg1: memref<1000x256xf32, #tpu.memory_space<vmem>>, %arg2: memref<1000x128xf32, #tpu.memory_space<vmem>>, %arg3: memref<1000x64xf32, #tpu.memory_space<vmem>>, %arg4: memref<1x64xf32, #tpu.memory_space<vmem>>, %arg5: memref<1x64xf32, #tpu.memory_space<vmem>>, %arg6: memref<256x256xf32, #tpu.memory_space<vmem>>, %arg7: memref<128x256xf32, #tpu.memory_space<vmem>>, %arg8: memref<64x256xf32, #tpu.memory_space<vmem>>, %arg9: memref<1x256xf32, #tpu.memory_space<vmem>>, %arg10: memref<1000x256xf32, #tpu.memory_space<vmem>>) attributes {dimension_semantics = [#tpu.dimension_semantics<arbitrary>], iteration_bounds = array<i64: 10>, scalar_prefetch = 0 : i64, scratch_operands = 0 : i64, tpu.core_type = #tpu.core_type<tc>, window_params = [{transform_indices = @transform_0, window_bounds = array<i64: 1000, 256>}, {transform_indices = @transform_1, window_bounds = array<i64: 1000, 128>}, {transform_indices = @transform_2, window_bounds = array<i64: 1000, 64>}, {pipeline_mode = #tpu.pipeline_mode<synchronous>, transform_indices = @transform_3, window_bounds = array<i64: 1, 64>}, {pipeline_mode = #tpu.pipeline_mode<synchronous>, transform_indices = @transform_4, window_bounds = array<i64: 1, 64>}, {pipeline_mode = #tpu.pipeline_mode<synchronous>, transform_indices = @transform_5, window_bounds = array<i64: 256, 256>}, {pipeline_mode = #tpu.pipeline_mode<synchronous>, transform_indices = @transform_6, window_bounds = array<i64: 128, 256>}, {pipeline_mode = #tpu.pipeline_mode<synchronous>, transform_indices = @transform_7, window_bounds = array<i64: 64, 256>}, {pipeline_mode = #tpu.pipeline_mode<synchronous>, transform_indices = @transform_8, window_bounds = array<i64: 1, 256>}, {transform_indices = @transform_9, window_bounds = array<i64: 1000, 256>}]} {
    %get3A = arith.constant 0 : index
    %get3A_0 = arith.constant 0 : index
    %get3A_1 = vector.load %arg3[%get3A, %get3A_0] : memref<1000x64xf32, #tpu.memory_space<vmem>>, vector<1000x64xf32>
    %get3A_2 = arith.constant 0 : index
    %get3A_3 = arith.constant 0 : index
    %get3A_4 = vector.load %arg4[%get3A_2, %get3A_3] : memref<1x64xf32, #tpu.memory_space<vmem>>, vector<1x64xf32>
    %mul3A = vector.broadcast %get3A_4 : vector<1x64xf32> to vector<1000x64xf32>
    %mul3A_5 = arith.mulf %get3A_1, %mul3A : vector<1000x64xf32>
    %get3A_6 = arith.constant 0 : index
    %get3A_7 = arith.constant 0 : index
    %get3A_8 = vector.load %arg5[%get3A_6, %get3A_7] : memref<1x64xf32, #tpu.memory_space<vmem>>, vector<1x64xf32>
    %add3A = vector.broadcast %get3A_8 : vector<1x64xf32> to vector<1000x64xf32>
    %add3A_9 = arith.addf %mul3A_5, %add3A : vector<1000x64xf32>
    %max3A = arith.constant 0.000000e+00 : f32
    %max3A_10 = vector.broadcast %max3A : f32 to vector<1000x64xf32>
    %max3A_11 = arith.maximumf %add3A_9, %max3A_10 : vector<1000x64xf32>
    %get3A_12 = arith.constant 0 : index
    %get3A_13 = arith.constant 0 : index
    %get3A_14 = vector.load %arg1[%get3A_12, %get3A_13] : memref<1000x256xf32, #tpu.memory_space<vmem>>, vector<1000x256xf32>
    %get3A_15 = arith.constant 0 : index
    %get3A_16 = arith.constant 0 : index
    %get3A_17 = vector.load %arg6[%get3A_15, %get3A_16] : memref<256x256xf32, #tpu.memory_space<vmem>>, vector<256x256xf32>
    %dot_general3A = arith.constant dense<0.000000e+00> : vector<1000x256xf32>
    %dot_general3A_18 = tpu.matmul %get3A_14, %get3A_17, %dot_general3A {dimension_numbers = #tpu.dot_dimension_numbers<[1], [0], [0], [1], [0, 0, 1, 1], [], []>, transpose_lhs_hint = false} : vector<1000x256xf32>, vector<256x256xf32>, vector<1000x256xf32> -> vector<1000x256xf32>
    %get3A_19 = arith.constant 0 : index
    %get3A_20 = arith.constant 0 : index
    %get3A_21 = vector.load %arg2[%get3A_19, %get3A_20] : memref<1000x128xf32, #tpu.memory_space<vmem>>, vector<1000x128xf32>
    %get3A_22 = arith.constant 0 : index
    %get3A_23 = arith.constant 0 : index
    %get3A_24 = vector.load %arg7[%get3A_22, %get3A_23] : memref<128x256xf32, #tpu.memory_space<vmem>>, vector<128x256xf32>
    %dot_general3A_25 = arith.constant dense<0.000000e+00> : vector<1000x256xf32>
    %dot_general3A_26 = tpu.matmul %get3A_21, %get3A_24, %dot_general3A_25 {dimension_numbers = #tpu.dot_dimension_numbers<[1], [0], [0], [1], [0, 0, 1, 1], [], []>, transpose_lhs_hint = false} : vector<1000x128xf32>, vector<128x256xf32>, vector<1000x256xf32> -> vector<1000x256xf32>
    %add3A_27 = arith.addf %dot_general3A_18, %dot_general3A_26 : vector<1000x256xf32>
    %get3A_28 = arith.constant 0 : index
    %get3A_29 = arith.constant 0 : index
    %get3A_30 = vector.load %arg8[%get3A_28, %get3A_29] : memref<64x256xf32, #tpu.memory_space<vmem>>, vector<64x256xf32>
    %dot_general3A_31 = arith.constant dense<0.000000e+00> : vector<1000x256xf32>
    %dot_general3A_32 = tpu.matmul %max3A_11, %get3A_30, %dot_general3A_31 {dimension_numbers = #tpu.dot_dimension_numbers<[1], [0], [0], [1], [0, 0, 1, 1], [], []>, transpose_lhs_hint = false} : vector<1000x64xf32>, vector<64x256xf32>, vector<1000x256xf32> -> vector<1000x256xf32>
    %add3A_33 = arith.addf %add3A_27, %dot_general3A_32 : vector<1000x256xf32>
    %get3A_34 = arith.constant 0 : index
    %get3A_35 = arith.constant 0 : index
    %get3A_36 = vector.load %arg9[%get3A_34, %get3A_35] : memref<1x256xf32, #tpu.memory_space<vmem>>, vector<1x256xf32>
    %add3A_37 = vector.broadcast %get3A_36 : vector<1x256xf32> to vector<1000x256xf32>
    %add3A_38 = arith.addf %add3A_33, %add3A_37 : vector<1000x256xf32>
    %max3A_39 = arith.constant 0.000000e+00 : f32
    %max3A_40 = vector.broadcast %max3A_39 : f32 to vector<1000x256xf32>
    %max3A_41 = arith.maximumf %add3A_38, %max3A_40 : vector<1000x256xf32>
    %swap3A = arith.constant 0 : index
    %swap3A_42 = arith.constant 0 : index
    %swap3A_43 = vector.load %arg10[%swap3A, %swap3A_42] : memref<1000x256xf32, #tpu.memory_space<vmem>>, vector<1000x256xf32>
    tpu.vector_store %arg10[%swap3A, %swap3A_42], %max3A_41 {strides = array<i32>} : memref<1000x256xf32, #tpu.memory_space<vmem>>, vector<1000x256xf32>,
    return
  }
  func.func @transform_0(%arg0: i32) -> (i32, i32) {
    %c0_i32 = arith.constant 0 : i32
    %c0_i32_0 = arith.constant 0 : i32
    return %arg0, %c0_i32 : i32, i32
  }
  func.func @transform_1(%arg0: i32) -> (i32, i32) {
    %c0_i32 = arith.constant 0 : i32
    %c0_i32_0 = arith.constant 0 : i32
    return %arg0, %c0_i32 : i32, i32
  }
  func.func @transform_2(%arg0: i32) -> (i32, i32) {
    %c0_i32 = arith.constant 0 : i32
    %c0_i32_0 = arith.constant 0 : i32
    return %arg0, %c0_i32 : i32, i32
  }
  func.func @transform_3(%arg0: i32) -> (i32, i32) {
    %c0_i32 = arith.constant 0 : i32
    %c0_i32_0 = arith.constant 0 : i32
    %c0_i32_1 = arith.constant 0 : i32
    return %c0_i32, %c0_i32_0 : i32, i32
  }
  func.func @transform_4(%arg0: i32) -> (i32, i32) {
    %c0_i32 = arith.constant 0 : i32
    %c0_i32_0 = arith.constant 0 : i32
    %c0_i32_1 = arith.constant 0 : i32
    return %c0_i32, %c0_i32_0 : i32, i32
  }
  func.func @transform_5(%arg0: i32) -> (i32, i32) {
    %c0_i32 = arith.constant 0 : i32
    %c0_i32_0 = arith.constant 0 : i32
    %c0_i32_1 = arith.constant 0 : i32
    return %c0_i32, %c0_i32_0 : i32, i32
  }
  func.func @transform_6(%arg0: i32) -> (i32, i32) {
    %c0_i32 = arith.constant 0 : i32
    %c0_i32_0 = arith.constant 0 : i32
    %c0_i32_1 = arith.constant 0 : i32
    return %c0_i32, %c0_i32_0 : i32, i32
  }
  func.func @transform_7(%arg0: i32) -> (i32, i32) {
    %c0_i32 = arith.constant 0 : i32
    %c0_i32_0 = arith.constant 0 : i32
    %c0_i32_1 = arith.constant 0 : i32
    return %c0_i32, %c0_i32_0 : i32, i32
  }
  func.func @transform_8(%arg0: i32) -> (i32, i32) {
    %c0_i32 = arith.constant 0 : i32
    %c0_i32_0 = arith.constant 0 : i32
    %c0_i32_1 = arith.constant 0 : i32
    return %c0_i32, %c0_i32_0 : i32, i32
  }
  func.func @transform_9(%arg0: i32) -> (i32, i32) {
    %c0_i32 = arith.constant 0 : i32
    %c0_i32_0 = arith.constant 0 : i32
    return %arg0, %c0_i32 : i32, i32
  }
}

</mosaic_0001>

<sc_bundles>
// kernel: kernel.11.cloned.1.call-start
scs
__scs_entry_jumppad:
0x0: {  	(pc) =	sbr.rel $0x88, $3  }
0x1: {  	(tag) =	ssettag $0x0;
	lr =	simm.s32 $0x1  }
0x2: {  	[smem:$0x3F95] =	sst lr;
	_ =	strace $0xD0000000  }
0x3: {  	_ = 	snop  }
0x4: {  	_ = 	snop  }
0x5: {  	_ = 	snop  }
0x6: {  	_ = 	snop  }
0x7: {  	_ = 	snop  }
__scs_overlays_trampoline_lowered:
0x8: {  	[smem:$0x3FA4] =	sst s0  }
0x9: {  	[smem:$0x3FA5] =	sst s1  }
0xa: {  	[smem:$0x3FA6] =	sst s2  }
0xb: {  	[smem:$0x3FA7] =	sst s3  }
0xc: {  	[smem:$0x3FA8] =	sst s4  }
0xd: {  	[smem:$0x3FA9] =	sst s5  }
0xe: {  	[smem:$0x3FAA] =	sst s6  }
0xf: {  	[smem:$0x3FAB] =	sst s7  }
0x10: {  	[smem:$0x3FAC] =	sst s8  }
0x11: {  	[smem:$0x3FAD] =	sst s9;
	s0 =	simm.s32 @!p0 $0x0  }
0x12: {  	s1 =	sld [smem:$0x3F93];
	s0 =	simm.s32 @p0 $0x1  }
0x13: {  	[smem:$0x3FAE] =	sst s0;
	s0 =	simm.s32 @!p1 $0x0  }
0x14: {  	s2 =	sld [smem:$0x3F92];
	s0 =	simm.s32 @p1 $0x1  }
0x15: {  	[smem:$0x3FAF] =	sst s0;
	s0 =	simm.s32 @!p2 $0x0  }
0x16: {  	s3 =	sld [smem:$0x3FDB];
	s0 =	simm.s32 @p2 $0x1  }
0x17: {  	s4 =	simm.s32 $0x1BF5;
	[smem:$0x3FB1] =	sst s0  }
0x18: {  	s0 =	sld [smem:$0x3F94];
	_ =	swait.ge [sflag:s4], $0x0  }
0x19: {  	s7 =	sld [smem:$0x3F95]  }
0x1a: {  	s8 =	sadd.s32 $0xFFFFE003, lr  }
0x1b: {  	s9 =	sadd.s32 $0xFFFFFEF7, lr;
	s5 =	simm.s32 $0xFFFFFFFF;
	p2 =	slt.u32 s8, $0xFFFFF086  }
0x1c: {  	p1 =	slt.u32 s9, $0xF7A;
	s5 =	simm.s32 @!p2 $0x0  }
0x1d: {  	s5 =	simm.s32 @p1 $0x1;
	p0 =	seq.s32 s7, s2  }
0x1e: {  	s7 =	smul.u32 @!p0 $0xF7A, s2;
	p2 =	seq.s32 @!p0 s5, $0x0  }
0x1f: {  	s9 =	smul.u32 $0xF7A, s1;
	s8 =	simm.s32 @!p0 $0x1BF5;
	p2 =	por !p2, p0  }
0x20: {  	[sflag:s8] =	ssyncset.s32 @!p0 $0xFFFFF086;
	s6 =	sadd.s32 @!p0 s3, s7;
	s7 =	simm.s32 @!p0 $0x108  }
0x21: {  	s3 =	sadd.s32 s3, s9;
	s6 =	sadd.s32 @!p0 $0x88, s6;
	s7 =	simm.s32 @p2 $0x1082  }
0x22: {  	[simem:s7], [sflag:s8] =	dma.local @!p0 [hbm:s6], $0xF7A  }
0x23: {  	s9 =	sor.u32 $0xD0000000, s2;
	s6 =	simm.s32 $0x108;
	_ =	swait.ge @!p0 [sflag:s8], $0x0  }
0x24: {  	s3 =	sadd.s32 $0x88, s3;
	s6 =	simm.s32 @!p1 $0x1082;
	[sflag:s4] =	ssyncset.s32 $0xFFFFF086  }
0x25: {  	[simem:s6], [sflag:s4] =	dma.local [hbm:s3], $0xF7A  }
0x26: {  	[smem:$0x3F95] =	sst s1;
	(tag) =	ssettag s2;
	_ =	strace s9  }
0x27: {  	s1 =	sld [smem:$0x3FA5]  }
0x28: {  	s2 =	sld [smem:$0x3FA6]  }
0x29: {  	s4 =	sld [smem:$0x3FA8]  }
0x2a: {  	p0 =	seq.s32 s5, $0x0;
	s5 =	sld [smem:$0x3FA9]  }
0x2b: {  	s6 =	sld [smem:$0x3FAA]  }
0x2c: {  	s7 =	sld [smem:$0x3FAB]  }
0x2d: {  	s3 =	simm.s32 $0x108;
	s8 =	sld [smem:$0x3FAC]  }
0x2e: {  	s3 =	simm.s32 @!p0 $0x1082;
	s9 =	sld [smem:$0x3FAD]  }
0x2f: {  	lr =	sadd.s32 s0, s3;
	s0 =	sld [smem:$0x3FA4]  }
0x30: {  	s3 =	sld [smem:$0x3FA7]  }
0x31: {  	[smem:$0x3FB0] =	sst s10  }
0x32: {  	s10 =	sld [smem:$0x3FAE];
	_ =	sdelay $0x3  }
0x33: {  	p0 =	seq.s32 s10, $0x1;
	s10 =	sld [smem:$0x3FB0];
	_ =	sdelay $0x3  }
0x34: {  	[smem:$0x3FB0] =	sst s10  }
0x35: {  	s10 =	sld [smem:$0x3FAF];
	_ =	sdelay $0x3  }
0x36: {  	p1 =	seq.s32 s10, $0x1;
	s10 =	sld [smem:$0x3FB0];
	_ =	sdelay $0x3  }
0x37: {  	[smem:$0x3FB0] =	sst s10  }
0x38: {  	s10 =	sld [smem:$0x3FB1]  }
0x39: {  	_ = 	snop;
	(pc) =	sbr.ind lr, $3  }
0x3a: {  	_ = 	snop  }
0x3b: {  	_ = 	snop  }
0x3c: {  	p2 =	seq.s32 s10, $0x1;
	s10 =	sld [smem:$0x3FB0]  }
0x3d: {  	_ =	shalt  }
0x3e: {  	_ =	shalt  }
0x3f: {  	_ =	shalt  }
0x40: {  	_ =	shalt  }
0x41: {  	_ =	shalt  }
0x42: {  	_ =	shalt  }
0x43: {  	_ =	shalt  }
0x44: {  	_ =	shalt  }
0x45: {  	_ =	shalt  }
0x46: {  	_ =	shalt  }
0x47: {  	_ =	shalt  }
0x48: {  	_ =	shalt  }
0x49: {  	_ =	shalt  }
0x4a: {  	_ =	shalt  }
0x4b: {  	_ =	shalt  }
0x4c: {  	_ =	shalt  }
0x4d: {  	_ =	shalt  }
0x4e: {  	_ =	shalt  }
0x4f: {  	_ =	shalt  }
0x50: {  	_ =	shalt  }
0x51: {  	_ =	shalt  }
0x52: {  	_ =	shalt  }
0x53: {  	_ =	shalt  }
0x54: {  	_ =	shalt  }
0x55: {  	_ =	shalt  }
0x56: {  	_ =	shalt  }
0x57: {  	_ =	shalt  }
0x58: {  	_ =	shalt  }
0x59: {  	_ =	shalt  }
0x5a: {  	_ =	shalt  }
0x5b: {  	_ =	shalt  }
0x5c: {  	_ =	shalt  }
0x5d: {  	_ =	shalt  }
0x5e: {  	_ =	shalt  }
0x5f: {  	_ =	shalt  }
0x60: {  	_ =	shalt  }
0x61: {  	_ =	shalt  }
0x62: {  	_ =	shalt  }
0x63: {  	_ =	shalt  }
0x64: {  	_ =	shalt  }
0x65: {  	_ =	shalt  }
0x66: {  	_ =	shalt  }
0x67: {  	_ =	shalt  }
0x68: {  	_ =	shalt  }
0x69: {  	_ =	shalt  }
0x6a: {  	_ =	shalt  }
0x6b: {  	_ =	shalt  }
0x6c: {  	_ =	shalt  }
0x6d: {  	_ =	shalt  }
0x6e: {  	_ =	shalt  }
0x6f: {  	_ =	shalt  }
0x70: {  	_ =	shalt  }
0x71: {  	_ =	shalt  }
0x72: {  	_ =	shalt  }
0x73: {  	_ =	shalt  }
0x74: {  	_ =	shalt  }
0x75: {  	_ =	shalt  }
0x76: {  	_ =	shalt  }
0x77: {  	_ =	shalt  }
0x78: {  	_ =	shalt  }
0x79: {  	_ =	shalt  }
0x7a: {  	_ =	shalt  }
0x7b: {  	_ =	shalt  }
0x7c: {  	_ =	shalt  }
0x7d: {  	_ =	shalt  }
0x7e: {  	_ =	shalt  }
0x7f: {  	_ =	shalt  }
0x80: {  	_ =	shalt  }
0x81: {  	_ =	shalt  }
0x82: {  	_ =	shalt  }
0x83: {  	_ =	shalt  }
0x84: {  	_ =	shalt  }
0x85: {  	_ =	shalt  }
0x86: {  	_ =	shalt  }
0x87: {  	_ =	shalt  }
.Lfunc_end0:
.L_simem_size_0:
called_computation_lowered:
.L_overlay_start_0:
0x88: {  	s2 =	sld [smem:$0x3FD9]  }
0x89: {  	s3 =	sld [smem:$0x3FFE];
	_ =	sdelay $0x1  }
0x8a: {  	s1 =	srdreg.scid  }
0x8b: {  	s0 =	sand.u32 $0x1, s1  }
0x8c: {  	s16 =	sshll.u32 s0, $0xA;
	s2 =	sadd.s32 s3, s2  }
0x8d: {  	s2 =	sadd.s32 s2, s16  }
0x8e: {  	[smem:$0x3FBC] =	sst s2  }
0x8f: {  	_ = 	snop  }
0x90: {  	(tm) =	ssettm $0x1  }
0x91: {  	s17 =	sld [smem:$0x3FFB];
	_ =	sdelay $0x3  }
0x92: {  	_ =	strace s17  }
0x93: {  	s2 =	sld [smem:$0x3FFC];
	_ =	sdelay $0x3  }
0x94: {  	_ =	strace s2  }
0x95: {  	s2 =	sld [smem:$0x3FFD];
	_ =	sdelay $0x3  }
0x96: {  	_ =	strace s2  }
0x97: {  	_ =	strace $0x8FFFFFFF  }
0x98: {  	s18 =	sld [smem:$0x3FDB];
	_ =	sdelay $0x1  }
0x99: {  	s19 =	simm.s32 $_scs_section_size  }
0x9a: {  	s4 =	simm.s32 $_size__tile_overlayer_lowered;
	s5 =	simm.s32 $_tile_overlayer_lowered  }
0x9b: {  	s22 =	simm.s32 $0x1BFF;
	s21 =	sshll.u32 s5, $0x1;
	s2 =	sadd.s32 s19, s18  }
0x9c: {  	s6 =	simm.s32 $0x0;
	s20 =	sshll.u32 s4, $0x1;
	s4 =	sadd.s32 s21, s2  }
0x9d: {  	[timem:s6], [sflag:s22] =	dma.local [hbm:s4], s20  }
0x9e: {  	_ =	swait.ge [sflag:s22], s20  }
0x9f: {  	s3 =	ssub.s32 $0x0, s20;
	[sflag:s22] =	ssyncset.done $0x0  }
0xa0: {  	[sflag:s22] =	ssyncadd.s32 s3;
	_ =	sdelay $0x1  }
0xa1: {  	s23 =	simm.s32 $0x1B8B  }
0xa2: {  	_ =	swait.ge [sflag:s23], $0x1  }
0xa3: {  	[sflag:s23] =	ssyncset.done $0x0  }
0xa4: {  	s25 =	simm.s32 $0x1B8E;
	s24 =	sld [smem:$0x3FFE];
	[sflag:s23] =	ssyncadd.s32 $0xFFFFFFFF  }
0xa5: {  	s26 =	simm.s32 $execute0_lowered;
	[smem:$0x3FD2] =	sst s25  }
0xa6: {  	s4 =	sshll.u32 s26, $0x1;
	_ =	strace $0x80000046;
	[dreg:$0x1] =	wrdreg $0xFFFFFFFF  }
0xa7: {  	s28 =	simm.s32 $_size_execute0_lowered;
	s2 =	sadd.s32 s2, s4;
	[dreg:$0x0] =	wrdreg $0x0  }
0xa8: {  	s4 =	sshll.u32 s28, $0x1;
	[dreg:$0x2] =	wrdreg s2  }
0xa9: {  	[dreg:$0x3] =	wrdreg s4  }
0xaa: {  	[dreg:$0x4] =	wrdreg $0xC0  }
0xab: {  	_ =	task [dreg:s6], $0x5FFFF  }
0xac: {  	[dreg:$0x1] =	wrdreg $0xFFFFFFFF  }
0xad: {  	[dreg:$0x0] =	wrdreg $0x60  }
0xae: {  	[dreg:$0x2] =	wrdreg s24  }
0xaf: {  	[dreg:$0x3] =	wrdreg $0x54000  }
0xb0: {  	[dreg:$0x4] =	wrdreg $0x9  }
0xb1: {  	_ =	task.clear_ibuf [dreg:s6], $0x5FFFF;
	_ =	strace $0x90000046  }
0xb2: {  	s29 =	simm.s32 $0x9;
	_ =	strace $0x80000048  }
0xb3: {  	_ =	swait.ge [sflag:s29], $0x1  }
0xb4: {  	[sflag:s29] =	ssyncadd.s32 $0xFFFFFFFF  }
0xb5: {  	_ =	strace $0x90000048  }
0xb6: {  	_ =	sfence  }
0xb7: {  	s30 =	sld [smem:$0x0];
	_ =	sdelay $0x2  }
0xb8: {  	s31 =	sshll.u32 s1, $0xD;
	s1 =	sshrl.u32 s1, $0x2  }
0xb9: {  	s3 =	sand.u32 $0x4000, s31;
	s1 =	sadd.s32 s1, s30  }
0xba: {  	s0 =	sor.u32 s3, s0;
	s1 =	sshll.u32 s1, $0x11  }
0xbb: {  	s0 =	sor.u32 s1, s0  }
0xbc: {  	s0 =	sadd.s32 $0x8F2B, s0  }
0xbd: {  	[sflag:s0] =	ssyncadd.remote.s32 $0x1  }
0xbe: {  	_ =	sfence.sel $0xFFFF  }
0xbf: {  	[dreg:$0x0] =	wrdreg $0xFFFFFFFF;
	(pc) =	sbr.abs _section_cstart, $3  }
0xc0: {  	[dreg:$0x1] =	wrdreg $0xFFFFFFFF  }
0xc1: {  	_ =	task.clear_ibuf [dreg:s6], $0x2FFFF;
	_ =	strace $0x9FFFFFFF  }
0xc2: {  	(tm) =	ssettm $0x7FFFFFFF  }
0xc3: {  	_ =	shalt  }
tec
execute0_lowered:
.L_overlay_start_1:
0x0: {  	(tag) =	ssettag $0x1  }
0x1: {  	s0 =	srdreg.scid;
	s4 =	rddreg [dreg:$0x0]  }
0x2: {  	s7 =	stileid.u32;
	s2 =	rddreg [dreg:$0x1]  }
0x3: {  	s3 =	simm.s32 $0x0;
	s12 =	simm.s32 $0x1400;
	s13 =	simm.s32 $0x2  }
0x4: {  	s14 =	simm.s32 $0x80;
	s21 =	simm.s32 $0xD00;
	s22 =	simm.s32 $0xD80  }
0x5: {  	s23 =	simm.s32 $0xE00;
	s24 =	simm.s32 $0xE80;
	s28 =	simm.s32 $0x1000  }
0x6: {  	s29 =	simm.s32 $0x1080;
	s30 =	simm.s32 $0x1100;
	s31 =	simm.s32 $0x1180  }
0x7: {  	s15 =	simm.s32 $0x1300;
	s16 =	simm.s32 $0x1380;
	s17 =	simm.s32 $0x1  }
0x8: {  	s18 =	simm.s32 $0x0;
	s0 =	sand.u32 $0x1, s0;
	s6 =	smul.u32 $0x14000, s7  }
0x9: {  	[smem:$0x7FF] =	sst s3;
	s1 =	sshll.u32 s0, $0x4;
	s5 =	smul.u32 $0x140000, s0  }
0xa: {  	s0 =	ssub.s32 $0x2, s0;
	s1 =	sor.u32 s7, s1;
	s7 =	smul.u32 $0x50000, s7  }
0xb: {  	_ =	strace $0x80000047;
	s26 =	sshrl.u32 s0, $0x1;
	s1 =	smul.u32 $0x280, s1  }
0xc: {  	s5 =	sadd.s32 s6, s5;
	s0 =	ssub.s32 s0, s26;
	s26 =	simm.s32 $0xF80  }
0xd: {  	s5 =	sshrl.u32 s5, $0x3;
	s25 =	sshrl.u32 s7, $0x2;
	s11 =	smax.u32 s0, $0x1  }
0xe: {  	s1 =	sadd.s32 s1, s4;
	s10 =	sadd.s32 s5, s4;
	s4 =	sadd.s32 s25, s2  }
0xf: {  	s0 =	simm.s32 $0x1280;
	s25 =	simm.s32 $0xF00;
	s5 =	sadd.s32 $0x4000, s4  }
0x10: {  	s6 =	sadd.s32 $0x8000, s4;
	s7 =	sadd.s32 $0xC000, s4;
	s8 =	sadd.s32 $0x10000, s4  }
0x11: {  	v0 =	vimm.f32 $0.0e+00;
	v1 =	vimm.f32 $1.000000000e+00;
	s9 =	sadd.s32 $0x4400, s1;
	s10 =	sadd.s32 $0xE400, s10;
	s1 =	simm.s32 $0x1200  }
.LBB2_1:
0x12: {  	s19 =	simm.s32 $0x0;
	s20 =	simm.s32 $0x200  }
.LBB2_2:
0x13: {  	p0 =	sne.s32 s20, $0xFE00;
	[tilespmem:s19+$0x1470] =	vst v0  }
0x14: {  	[tilespmem:s19+$0x1400] =	vst v0  }
0x15: {  	[tilespmem:s19+$0x1410] =	vst v0  }
.Ltmp0:
0x16: {  	[tilespmem:s19+$0x1420] =	vst v0;
	(pc) =	sbr.rel @p0 .LBB2_2-.Ltmp0, $4  }
0x17: {  	[tilespmem:s19+$0x1430] =	vst v0  }
0x18: {  	[tilespmem:s19+$0x1440] =	vst v0  }
0x19: {  	[tilespmem:s19+$0x1450] =	vst v0  }
0x1a: {  	[tilespmem:s19+$0x1460] =	vst v0;
	s19 =	sshra.s32 s20, $0x2;
	s20 =	sadd.s32 $0x200, s20  }
0x1b: {  	[tilespmem:s19+$0x1470] =	vst v0  }
0x1c: {  	[tilespmem:s19+$0x1400] =	vst v0  }
0x1d: {  	[tilespmem:s19+$0x1410] =	vst v0  }
0x1e: {  	[tilespmem:s19+$0x1420] =	vst v0  }
0x1f: {  	[tilespmem:s19+$0x1430] =	vst v0  }
0x20: {  	[tilespmem:s19+$0x1440] =	vst v0  }
0x21: {  	[tilespmem:s19+$0x1450] =	vst v0  }
0x22: {  	[tilespmem:s19+$0x1460] =	vst v0  }
0x23: {  	[spmem:s4] =	stream.linear.scatter [tilespmem:s12], [sflag:$0x2], $0x4000, $0x38;
	[tilespmem:$0x19400] =	vst v63  }
0x24: {  	_ =	swait.ge [sflag:s13], $0x4000  }
0x25: {  	[sflag:s13] =	ssyncset.done $0x0  }
0x26: {  	[sflag:s13] =	ssyncadd.s32 $0xFFFFC000  }
0x27: {  	[spmem:s5] =	stream.linear.scatter [tilespmem:s12], [sflag:$0x2], $0x4000, $0x38;
	[tilespmem:$0x19400] =	vst v63  }
0x28: {  	_ =	swait.ge [sflag:s13], $0x4000  }
0x29: {  	[sflag:s13] =	ssyncset.done $0x0  }
0x2a: {  	[sflag:s13] =	ssyncadd.s32 $0xFFFFC000  }
0x2b: {  	[spmem:s6] =	stream.linear.scatter [tilespmem:s12], [sflag:$0x2], $0x4000, $0x38;
	[tilespmem:$0x19400] =	vst v63  }
0x2c: {  	_ =	swait.ge [sflag:s13], $0x4000  }
0x2d: {  	[sflag:s13] =	ssyncset.done $0x0  }
0x2e: {  	[sflag:s13] =	ssyncadd.s32 $0xFFFFC000  }
0x2f: {  	[spmem:s7] =	stream.linear.scatter [tilespmem:s12], [sflag:$0x2], $0x4000, $0x38;
	[tilespmem:$0x19400] =	vst v63  }
0x30: {  	_ =	swait.ge [sflag:s13], $0x4000  }
0x31: {  	[sflag:s13] =	ssyncset.done $0x0  }
0x32: {  	[sflag:s13] =	ssyncadd.s32 $0xFFFFC000  }
0x33: {  	[spmem:s8] =	stream.linear.scatter [tilespmem:s12], [sflag:$0x2], $0x4000, $0x38;
	[tilespmem:$0x19400] =	vst v63  }
0x34: {  	_ =	swait.ge [sflag:s13], $0x4000  }
0x35: {  	[sflag:s13] =	ssyncset.done $0x0  }
0x36: {  	s19 =	simm.s32 $0x0;
	s20 =	simm.s32 $0x200;
	[sflag:s13] =	ssyncadd.s32 $0xFFFFC000  }
.LBB2_4:
0x37: {  	p0 =	sne.s32 s20, $0xFE00;
	[tilespmem:s19+$0x1470] =	vst v1  }
0x38: {  	[tilespmem:s19+$0x1400] =	vst v1  }
0x39: {  	[tilespmem:s19+$0x1410] =	vst v1  }
.Ltmp1:
0x3a: {  	[tilespmem:s19+$0x1420] =	vst v1;
	(pc) =	sbr.rel @p0 .LBB2_4-.Ltmp1, $4  }
0x3b: {  	[tilespmem:s19+$0x1430] =	vst v1  }
0x3c: {  	[tilespmem:s19+$0x1440] =	vst v1  }
0x3d: {  	[tilespmem:s19+$0x1450] =	vst v1  }
0x3e: {  	[tilespmem:s19+$0x1460] =	vst v1;
	s19 =	sshra.s32 s20, $0x2;
	s20 =	sadd.s32 $0x200, s20  }
0x3f: {  	[tilespmem:s19+$0x1470] =	vst v1  }
0x40: {  	[tilespmem:s19+$0x1400] =	vst v1  }
0x41: {  	[tilespmem:s19+$0x1410] =	vst v1  }
0x42: {  	[tilespmem:s19+$0x1420] =	vst v1  }
0x43: {  	[tilespmem:s19+$0x1430] =	vst v1  }
0x44: {  	[tilespmem:s19+$0x1440] =	vst v1  }
0x45: {  	[tilespmem:s19+$0x1450] =	vst v1  }
0x46: {  	[tilespmem:s19+$0x1460] =	vst v1  }
0x47: {  	[tilespmem:s3], [sflag:$0x2] =	stream.linear.gather [hbm4b:s9+s3], $0x1400, $0x38;
	[tilespmem:$0x19400] =	vst v63  }
0x48: {  	_ =	swait.ge [sflag:s13], $0x1400  }
0x49: {  	[sflag:s13] =	ssyncset.done $0x0  }
0x4a: {  	[sflag:s13] =	ssyncadd.s32 $0xFFFFEC00  }
0x4b: {  	[bflag:$0x0] =	sbarrier.arrive $0xFFFF  }
0x4c: {  	[spmem:s2] =	stream.indirect.scatter.add.f32 [tilespmem:s12], [sflag:$0x1], $0x80, s3, s14, $0xb8;
	[tilespmem:$0x19400] =	vst v63  }
0x4d: {  	_ = 	snop  }
0x4e: {  	[spmem:s2] =	stream.indirect.scatter.add.f32 [tilespmem:s12], [sflag:$0x1], $0x80, s14, s14, $0xb8;
	[tilespmem:$0x19400] =	vst v63  }
0x4f: {  	s20 =	simm.s32 $0x100  }
0x50: {  	[spmem:s2] =	stream.indirect.scatter.add.f32 [tilespmem:s12], [sflag:$0x1], $0x80, s20, s14, $0xb8;
	[tilespmem:$0x19400] =	vst v63  }
0x51: {  	s20 =	simm.s32 $0x180  }
0x52: {  	[spmem:s2] =	stream.indirect.scatter.add.f32 [tilespmem:s12], [sflag:$0x1], $0x80, s20, s14, $0xb8;
	[tilespmem:$0x19400] =	vst v63  }
0x53: {  	s20 =	simm.s32 $0x200  }
0x54: {  	[spmem:s2] =	stream.indirect.scatter.add.f32 [tilespmem:s12], [sflag:$0x1], $0x80, s20, s14, $0xb8;
	[tilespmem:$0x19400] =	vst v63  }
0x55: {  	s20 =	simm.s32 $0x280  }
0x56: {  	[spmem:s2] =	stream.indirect.scatter.add.f32 [tilespmem:s12], [sflag:$0x1], $0x80, s20, s14, $0xb8;
	[tilespmem:$0x19400] =	vst v63  }
0x57: {  	s20 =	simm.s32 $0x300  }
0x58: {  	[spmem:s2] =	stream.indirect.scatter.add.f32 [tilespmem:s12], [sflag:$0x1], $0x80, s20, s14, $0xb8;
	[tilespmem:$0x19400] =	vst v63  }
0x59: {  	s20 =	simm.s32 $0x380  }
0x5a: {  	[spmem:s2] =	stream.indirect.scatter.add.f32 [tilespmem:s12], [sflag:$0x1], $0x80, s20, s14, $0xb8;
	[tilespmem:$0x19400] =	vst v63  }
0x5b: {  	s20 =	simm.s32 $0x400  }
0x5c: {  	[spmem:s2] =	stream.indirect.scatter.add.f32 [tilespmem:s12], [sflag:$0x1], $0x80, s20, s14, $0xb8;
	[tilespmem:$0x19400] =	vst v63  }
0x5d: {  	s20 =	simm.s32 $0x480  }
0x5e: {  	[spmem:s2] =	stream.indirect.scatter.add.f32 [tilespmem:s12], [sflag:$0x1], $0x80, s20, s14, $0xb8;
	[tilespmem:$0x19400] =	vst v63  }
0x5f: {  	s20 =	simm.s32 $0x500  }
0x60: {  	[spmem:s2] =	stream.indirect.scatter.add.f32 [tilespmem:s12], [sflag:$0x1], $0x80, s20, s14, $0xb8;
	[tilespmem:$0x19400] =	vst v63  }
0x61: {  	s20 =	simm.s32 $0x580  }
0x62: {  	[spmem:s2] =	stream.indirect.scatter.add.f32 [tilespmem:s12], [sflag:$0x1], $0x80, s20, s14, $0xb8;
	[tilespmem:$0x19400] =	vst v63  }
0x63: {  	s20 =	simm.s32 $0x600  }
0x64: {  	[spmem:s2] =	stream.indirect.scatter.add.f32 [tilespmem:s12], [sflag:$0x1], $0x80, s20, s14, $0xb8;
	[tilespmem:$0x19400] =	vst v63  }
0x65: {  	s20 =	simm.s32 $0x680  }
0x66: {  	[spmem:s2] =	stream.indirect.scatter.add.f32 [tilespmem:s12], [sflag:$0x1], $0x80, s20, s14, $0xb8;
	[tilespmem:$0x19400] =	vst v63  }
0x67: {  	s20 =	simm.s32 $0x700  }
0x68: {  	[spmem:s2] =	stream.indirect.scatter.add.f32 [tilespmem:s12], [sflag:$0x1], $0x80, s20, s14, $0xb8;
	[tilespmem:$0x19400] =	vst v63  }
0x69: {  	s20 =	simm.s32 $0x780  }
0x6a: {  	[spmem:s2] =	stream.indirect.scatter.add.f32 [tilespmem:s12], [sflag:$0x1], $0x80, s20, s14, $0xb8;
	[tilespmem:$0x19400] =	vst v63  }
0x6b: {  	s20 =	simm.s32 $0x800  }
0x6c: {  	[spmem:s2] =	stream.indirect.scatter.add.f32 [tilespmem:s12], [sflag:$0x1], $0x80, s20, s14, $0xb8;
	[tilespmem:$0x19400] =	vst v63  }
0x6d: {  	s20 =	simm.s32 $0x880  }
0x6e: {  	[spmem:s2] =	stream.indirect.scatter.add.f32 [tilespmem:s12], [sflag:$0x1], $0x80, s20, s14, $0xb8;
	[tilespmem:$0x19400] =	vst v63  }
0x6f: {  	s20 =	simm.s32 $0x900  }
0x70: {  	[spmem:s2] =	stream.indirect.scatter.add.f32 [tilespmem:s12], [sflag:$0x1], $0x80, s20, s14, $0xb8;
	[tilespmem:$0x19400] =	vst v63  }
0x71: {  	s20 =	simm.s32 $0x980  }
0x72: {  	[spmem:s2] =	stream.indirect.scatter.add.f32 [tilespmem:s12], [sflag:$0x1], $0x80, s20, s14, $0xb8;
	[tilespmem:$0x19400] =	vst v63  }
0x73: {  	s20 =	simm.s32 $0xA00  }
0x74: {  	[spmem:s2] =	stream.indirect.scatter.add.f32 [tilespmem:s12], [sflag:$0x1], $0x80, s20, s14, $0xb8;
	[tilespmem:$0x19400] =	vst v63  }
0x75: {  	s20 =	simm.s32 $0xA80  }
0x76: {  	[spmem:s2] =	stream.indirect.scatter.add.f32 [tilespmem:s12], [sflag:$0x1], $0x80, s20, s14, $0xb8;
	[tilespmem:$0x19400] =	vst v63  }
0x77: {  	s20 =	simm.s32 $0xB00  }
0x78: {  	[spmem:s2] =	stream.indirect.scatter.add.f32 [tilespmem:s12], [sflag:$0x1], $0x80, s20, s14, $0xb8;
	[tilespmem:$0x19400] =	vst v63  }
0x79: {  	s20 =	simm.s32 $0xB80  }
0x7a: {  	[spmem:s2] =	stream.indirect.scatter.add.f32 [tilespmem:s12], [sflag:$0x1], $0x80, s20, s14, $0xb8;
	[tilespmem:$0x19400] =	vst v63  }
0x7b: {  	s20 =	simm.s32 $0xC00  }
0x7c: {  	[spmem:s2] =	stream.indirect.scatter.add.f32 [tilespmem:s12], [sflag:$0x1], $0x80, s20, s14, $0xb8;
	[tilespmem:$0x19400] =	vst v63  }
0x7d: {  	s20 =	simm.s32 $0xC80  }
0x7e: {  	[spmem:s2] =	stream.indirect.scatter.add.f32 [tilespmem:s12], [sflag:$0x1], $0x80, s20, s14, $0xb8;
	[tilespmem:$0x19400] =	vst v63  }
0x7f: {  	_ = 	snop  }
0x80: {  	[spmem:s2] =	stream.indirect.scatter.add.f32 [tilespmem:s12], [sflag:$0x1], $0x80, s21, s14, $0xb8;
	[tilespmem:$0x19400] =	vst v63  }
0x81: {  	_ = 	snop  }
0x82: {  	[spmem:s2] =	stream.indirect.scatter.add.f32 [tilespmem:s12], [sflag:$0x1], $0x80, s22, s14, $0xb8;
	[tilespmem:$0x19400] =	vst v63  }
0x83: {  	_ = 	snop  }
0x84: {  	[spmem:s2] =	stream.indirect.scatter.add.f32 [tilespmem:s12], [sflag:$0x1], $0x80, s23, s14, $0xb8;
	[tilespmem:$0x19400] =	vst v63  }
0x85: {  	_ = 	snop  }
0x86: {  	[spmem:s2] =	stream.indirect.scatter.add.f32 [tilespmem:s12], [sflag:$0x1], $0x80, s24, s14, $0xb8;
	[tilespmem:$0x19400] =	vst v63  }
0x87: {  	_ = 	snop  }
0x88: {  	[spmem:s2] =	stream.indirect.scatter.add.f32 [tilespmem:s12], [sflag:$0x1], $0x80, s25, s14, $0xb8;
	[tilespmem:$0x19400] =	vst v63  }
0x89: {  	_ = 	snop  }
0x8a: {  	[spmem:s2] =	stream.indirect.scatter.add.f32 [tilespmem:s12], [sflag:$0x1], $0x80, s26, s14, $0xb8;
	[tilespmem:$0x19400] =	vst v63  }
0x8b: {  	_ = 	snop  }
0x8c: {  	[spmem:s2] =	stream.indirect.scatter.add.f32 [tilespmem:s12], [sflag:$0x1], $0x80, s28, s14, $0xb8;
	[tilespmem:$0x19400] =	vst v63  }
0x8d: {  	_ = 	snop  }
0x8e: {  	[spmem:s2] =	stream.indirect.scatter.add.f32 [tilespmem:s12], [sflag:$0x1], $0x80, s29, s14, $0xb8;
	[tilespmem:$0x19400] =	vst v63  }
0x8f: {  	_ = 	snop  }
0x90: {  	[spmem:s2] =	stream.indirect.scatter.add.f32 [tilespmem:s12], [sflag:$0x1], $0x80, s30, s14, $0xb8;
	[tilespmem:$0x19400] =	vst v63  }
0x91: {  	_ = 	snop  }
0x92: {  	[spmem:s2] =	stream.indirect.scatter.add.f32 [tilespmem:s12], [sflag:$0x1], $0x80, s31, s14, $0xb8;
	[tilespmem:$0x19400] =	vst v63  }
0x93: {  	_ = 	snop  }
0x94: {  	[spmem:s2] =	stream.indirect.scatter.add.f32 [tilespmem:s12], [sflag:$0x1], $0x80, s1, s14, $0xb8;
	[tilespmem:$0x19400] =	vst v63  }
0x95: {  	_ = 	snop  }
0x96: {  	[spmem:s2] =	stream.indirect.scatter.add.f32 [tilespmem:s12], [sflag:$0x1], $0x80, s0, s14, $0xb8;
	[tilespmem:$0x19400] =	vst v63  }
0x97: {  	_ = 	snop  }
0x98: {  	[spmem:s2] =	stream.indirect.scatter.add.f32 [tilespmem:s12], [sflag:$0x1], $0x80, s15, s14, $0xb8;
	[tilespmem:$0x19400] =	vst v63  }
0x99: {  	_ = 	snop  }
0x9a: {  	[spmem:s2] =	stream.indirect.scatter.add.f32 [tilespmem:s12], [sflag:$0x1], $0x80, s16, s14, $0xb8;
	[tilespmem:$0x19400] =	vst v63  }
0x9b: {  	_ =	swait.ge [sflag:s17], $0x4000  }
0x9c: {  	s19 =	simm.s32 $0x27;
	[sflag:s17] =	ssyncset.done $0x0  }
.LBB2_6:
0x9d: {  	p0 =	sne.s32 s19, $0x1;
	s19 =	sadd.s32 $0xFFFFFFFF, s19;
	[sflag:s17] =	ssyncadd.s32 $0xFFFFC000  }
.Ltmp2:
0x9e: {  	(pc) =	sbr.rel @p0 .LBB2_6-.Ltmp2, $3  }
0x9f: {  	_ =	sdelay $0x1  }
0xa0: {  	_ =	swait.ge [sflag:s17], $0x4000  }
0xa1: {  	[sflag:s17] =	ssyncset.done $0x0  }
0xa2: {  	[sflag:s17] =	ssyncadd.s32 $0xFFFFC000;
	s19 =	stileid.u32;
	s18 =	sadd.s32 $0x1, s18  }
0xa3: {  	s20 =	sshrl.u32 s4, $0x3;
	s19 =	sshll.u32 s19, $0x6;
	p0 =	sne.s32 s18, s11  }
.Ltmp3:
0xa4: {  	[bflag:$0x0] =	sbarrier.arrive $0xFFFF;
	s19 =	sor.u32 $0x1C02, s19;
	(pc) =	sbr.rel @p0 .LBB2_1-.Ltmp3, $4  }
0xa5: {  	[hbm:s10], [sflag:s19] =	dma.local [spmem:s20], $0x2800  }
0xa6: {  	_ =	swait.ge [sflag:s13], $0x2800  }
0xa7: {  	[sflag:s13] =	ssyncset.done $0x0  }
0xa8: {  	[sflag:s13] =	ssyncadd.s32 $0xFFFFD800  }
0xa9: {  	_ =	sfence.sel $0x180000  }
0xaa: {  	[bflag:$0x0] =	sbarrier.arrive $0xFFFF  }
0xab: {  	_ =	strace $0x90000047  }
0xac: {  	s0 =	stileid.u32;
	[bflag:$0x2] =	sbarrier.arrive $0xFFFF  }
0xad: {  	p0 =	sne.s32 s0, $0x0;
	s0 =	rddreg [dreg:$0x2]  }
0xae: {  	s0 =	sadd.s32 @!p0 $0x100000, s0  }
0xaf: {  	[sflag:s0] =	ssyncadd.tile.s32 @!p0 $0x1;
	_ =	shalt  }
.Lfunc_end2:
_tile_overlayer_lowered:
.L_overlay_start_2:
0xb0: {  	(tag) =	ssettag $0x2  }
0xb1: {  	s0 =	rddreg [dreg:$0x0];
	s2 =	stileid.u32  }
0xb2: {  	s1 =	rddreg [dreg:$0x1];
	p0 =	sne.s32 s2, $0x0  }
0xb3: {  	s3 =	rddreg [dreg:$0x2];
	[bflag:$0x3] =	sbarrier.arrive $0xFFFF;
	s2 =	simm.s32 @!p0 $0x1C02  }
0xb4: {  	[timem:s3], [sflag:s2] =	dma.local @!p0 [hbm:s0], s1  }
0xb5: {  	s0 =	simm.s32 @!p0 $0x2  }
0xb6: {  	_ =	swait.ge @!p0 [sflag:s0], s1  }
0xb7: {  	s1 =	ssub.s32 @!p0 $0x0, s1;
	[sflag:s0] =	ssyncset.done @!p0 $0x0  }
0xb8: {  	[sflag:s0] =	ssyncadd.s32 @!p0 s1  }
0xb9: {  	[bflag:$0x3] =	sbarrier.arrive $0xFFFF  }
0xba: {  	_ =	shalt  }

// kernel: kernel.14.cloned.1.call-start
scs
__scs_entry_jumppad:
0x0: {  	(pc) =	sbr.rel $0x88, $3  }
0x1: {  	(tag) =	ssettag $0x0;
	lr =	simm.s32 $0x1  }
0x2: {  	[smem:$0x3F95] =	sst lr;
	_ =	strace $0xD0000000  }
0x3: {  	_ = 	snop  }
0x4: {  	_ = 	snop  }
0x5: {  	_ = 	snop  }
0x6: {  	_ = 	snop  }
0x7: {  	_ = 	snop  }
__scs_overlays_trampoline_lowered:
0x8: {  	[smem:$0x3FA4] =	sst s0  }
0x9: {  	[smem:$0x3FA5] =	sst s1  }
0xa: {  	[smem:$0x3FA6] =	sst s2  }
0xb: {  	[smem:$0x3FA7] =	sst s3  }
0xc: {  	[smem:$0x3FA8] =	sst s4  }
0xd: {  	[smem:$0x3FA9] =	sst s5  }
0xe: {  	[smem:$0x3FAA] =	sst s6  }
0xf: {  	[smem:$0x3FAB] =	sst s7  }
0x10: {  	[smem:$0x3FAC] =	sst s8  }
0x11: {  	[smem:$0x3FAD] =	sst s9;
	s0 =	simm.s32 @!p0 $0x0  }
0x12: {  	s1 =	sld [smem:$0x3F93];
	s0 =	simm.s32 @p0 $0x1  }
0x13: {  	[smem:$0x3FAE] =	sst s0;
	s0 =	simm.s32 @!p1 $0x0  }
0x14: {  	s2 =	sld [smem:$0x3F92];
	s0 =	simm.s32 @p1 $0x1  }
0x15: {  	[smem:$0x3FAF] =	sst s0;
	s0 =	simm.s32 @!p2 $0x0  }
0x16: {  	s3 =	sld [smem:$0x3FDB];
	s0 =	simm.s32 @p2 $0x1  }
0x17: {  	s4 =	simm.s32 $0x1BF5;
	[smem:$0x3FB1] =	sst s0  }
0x18: {  	s0 =	sld [smem:$0x3F94];
	_ =	swait.ge [sflag:s4], $0x0  }
0x19: {  	s7 =	sld [smem:$0x3F95]  }
0x1a: {  	s8 =	sadd.s32 $0xFFFFE003, lr  }
0x1b: {  	s9 =	sadd.s32 $0xFFFFFEF7, lr;
	s5 =	simm.s32 $0xFFFFFFFF;
	p2 =	slt.u32 s8, $0xFFFFF086  }
0x1c: {  	p1 =	slt.u32 s9, $0xF7A;
	s5 =	simm.s32 @!p2 $0x0  }
0x1d: {  	s5 =	simm.s32 @p1 $0x1;
	p0 =	seq.s32 s7, s2  }
0x1e: {  	s7 =	smul.u32 @!p0 $0xF7A, s2;
	p2 =	seq.s32 @!p0 s5, $0x0  }
0x1f: {  	s9 =	smul.u32 $0xF7A, s1;
	s8 =	simm.s32 @!p0 $0x1BF5;
	p2 =	por !p2, p0  }
0x20: {  	[sflag:s8] =	ssyncset.s32 @!p0 $0xFFFFF086;
	s6 =	sadd.s32 @!p0 s3, s7;
	s7 =	simm.s32 @!p0 $0x108  }
0x21: {  	s3 =	sadd.s32 s3, s9;
	s6 =	sadd.s32 @!p0 $0x88, s6;
	s7 =	simm.s32 @p2 $0x1082  }
0x22: {  	[simem:s7], [sflag:s8] =	dma.local @!p0 [hbm:s6], $0xF7A  }
0x23: {  	s9 =	sor.u32 $0xD0000000, s2;
	s6 =	simm.s32 $0x108;
	_ =	swait.ge @!p0 [sflag:s8], $0x0  }
0x24: {  	s3 =	sadd.s32 $0x88, s3;
	s6 =	simm.s32 @!p1 $0x1082;
	[sflag:s4] =	ssyncset.s32 $0xFFFFF086  }
0x25: {  	[simem:s6], [sflag:s4] =	dma.local [hbm:s3], $0xF7A  }
0x26: {  	[smem:$0x3F95] =	sst s1;
	(tag) =	ssettag s2;
	_ =	strace s9  }
0x27: {  	s1 =	sld [smem:$0x3FA5]  }
0x28: {  	s2 =	sld [smem:$0x3FA6]  }
0x29: {  	s4 =	sld [smem:$0x3FA8]  }
0x2a: {  	p0 =	seq.s32 s5, $0x0;
	s5 =	sld [smem:$0x3FA9]  }
0x2b: {  	s6 =	sld [smem:$0x3FAA]  }
0x2c: {  	s7 =	sld [smem:$0x3FAB]  }
0x2d: {  	s3 =	simm.s32 $0x108;
	s8 =	sld [smem:$0x3FAC]  }
0x2e: {  	s3 =	simm.s32 @!p0 $0x1082;
	s9 =	sld [smem:$0x3FAD]  }
0x2f: {  	lr =	sadd.s32 s0, s3;
	s0 =	sld [smem:$0x3FA4]  }
0x30: {  	s3 =	sld [smem:$0x3FA7]  }
0x31: {  	[smem:$0x3FB0] =	sst s10  }
0x32: {  	s10 =	sld [smem:$0x3FAE];
	_ =	sdelay $0x3  }
0x33: {  	p0 =	seq.s32 s10, $0x1;
	s10 =	sld [smem:$0x3FB0];
	_ =	sdelay $0x3  }
0x34: {  	[smem:$0x3FB0] =	sst s10  }
0x35: {  	s10 =	sld [smem:$0x3FAF];
	_ =	sdelay $0x3  }
0x36: {  	p1 =	seq.s32 s10, $0x1;
	s10 =	sld [smem:$0x3FB0];
	_ =	sdelay $0x3  }
0x37: {  	[smem:$0x3FB0] =	sst s10  }
0x38: {  	s10 =	sld [smem:$0x3FB1]  }
0x39: {  	_ = 	snop;
	(pc) =	sbr.ind lr, $3  }
0x3a: {  	_ = 	snop  }
0x3b: {  	_ = 	snop  }
0x3c: {  	p2 =	seq.s32 s10, $0x1;
	s10 =	sld [smem:$0x3FB0]  }
0x3d: {  	_ =	shalt  }
0x3e: {  	_ =	shalt  }
0x3f: {  	_ =	shalt  }
0x40: {  	_ =	shalt  }
0x41: {  	_ =	shalt  }
0x42: {  	_ =	shalt  }
0x43: {  	_ =	shalt  }
0x44: {  	_ =	shalt  }
0x45: {  	_ =	shalt  }
0x46: {  	_ =	shalt  }
0x47: {  	_ =	shalt  }
0x48: {  	_ =	shalt  }
0x49: {  	_ =	shalt  }
0x4a: {  	_ =	shalt  }
0x4b: {  	_ =	shalt  }
0x4c: {  	_ =	shalt  }
0x4d: {  	_ =	shalt  }
0x4e: {  	_ =	shalt  }
0x4f: {  	_ =	shalt  }
0x50: {  	_ =	shalt  }
0x51: {  	_ =	shalt  }
0x52: {  	_ =	shalt  }
0x53: {  	_ =	shalt  }
0x54: {  	_ =	shalt  }
0x55: {  	_ =	shalt  }
0x56: {  	_ =	shalt  }
0x57: {  	_ =	shalt  }
0x58: {  	_ =	shalt  }
0x59: {  	_ =	shalt  }
0x5a: {  	_ =	shalt  }
0x5b: {  	_ =	shalt  }
0x5c: {  	_ =	shalt  }
0x5d: {  	_ =	shalt  }
0x5e: {  	_ =	shalt  }
0x5f: {  	_ =	shalt  }
0x60: {  	_ =	shalt  }
0x61: {  	_ =	shalt  }
0x62: {  	_ =	shalt  }
0x63: {  	_ =	shalt  }
0x64: {  	_ =	shalt  }
0x65: {  	_ =	shalt  }
0x66: {  	_ =	shalt  }
0x67: {  	_ =	shalt  }
0x68: {  	_ =	shalt  }
0x69: {  	_ =	shalt  }
0x6a: {  	_ =	shalt  }
0x6b: {  	_ =	shalt  }
0x6c: {  	_ =	shalt  }
0x6d: {  	_ =	shalt  }
0x6e: {  	_ =	shalt  }
0x6f: {  	_ =	shalt  }
0x70: {  	_ =	shalt  }
0x71: {  	_ =	shalt  }
0x72: {  	_ =	shalt  }
0x73: {  	_ =	shalt  }
0x74: {  	_ =	shalt  }
0x75: {  	_ =	shalt  }
0x76: {  	_ =	shalt  }
0x77: {  	_ =	shalt  }
0x78: {  	_ =	shalt  }
0x79: {  	_ =	shalt  }
0x7a: {  	_ =	shalt  }
0x7b: {  	_ =	shalt  }
0x7c: {  	_ =	shalt  }
0x7d: {  	_ =	shalt  }
0x7e: {  	_ =	shalt  }
0x7f: {  	_ =	shalt  }
0x80: {  	_ =	shalt  }
0x81: {  	_ =	shalt  }
0x82: {  	_ =	shalt  }
0x83: {  	_ =	shalt  }
0x84: {  	_ =	shalt  }
0x85: {  	_ =	shalt  }
0x86: {  	_ =	shalt  }
0x87: {  	_ =	shalt  }
.Lfunc_end0:
.L_simem_size_0:
called_computation.1_lowered:
.L_overlay_start_0:
0x88: {  	s2 =	sld [smem:$0x3FD9]  }
0x89: {  	s3 =	sld [smem:$0x3FFE];
	_ =	sdelay $0x1  }
0x8a: {  	s1 =	srdreg.scid  }
0x8b: {  	s0 =	sand.u32 $0x1, s1  }
0x8c: {  	s17 =	sshll.u32 s0, $0xA;
	s2 =	sadd.s32 s3, s2  }
0x8d: {  	s2 =	sadd.s32 s2, s17  }
0x8e: {  	[smem:$0x3FBC] =	sst s2  }
0x8f: {  	_ = 	snop  }
0x90: {  	s2 =	sld [smem:$0x3FD0];
	(tm) =	ssettm $0x1  }
0x91: {  	s18 =	sld [smem:$0x3FFB];
	_ =	sdelay $0x3  }
0x92: {  	_ =	strace s18  }
0x93: {  	s3 =	sld [smem:$0x3FFC];
	_ =	sdelay $0x3  }
0x94: {  	_ =	strace s3  }
0x95: {  	s3 =	sld [smem:$0x3FFD];
	_ =	sdelay $0x3  }
0x96: {  	_ =	strace s3  }
0x97: {  	_ =	strace $0x8FFFFFFF  }
0x98: {  	s19 =	sld [smem:$0x3FDB];
	_ =	sdelay $0x1  }
0x99: {  	s4 =	simm.s32 $_scs_section_size  }
0x9a: {  	s5 =	simm.s32 $_size__tile_overlayer_lowered;
	s6 =	simm.s32 $_tile_overlayer_lowered  }
0x9b: {  	s22 =	simm.s32 $0x1BFF;
	s21 =	sshll.u32 s6, $0x1;
	s3 =	sadd.s32 s4, s19  }
0x9c: {  	s7 =	simm.s32 $0x0;
	s20 =	sshll.u32 s5, $0x1;
	s5 =	sadd.s32 s21, s3  }
0x9d: {  	[timem:s7], [sflag:s22] =	dma.local [hbm:s5], s20  }
0x9e: {  	_ =	swait.ge [sflag:s22], s20  }
0x9f: {  	s4 =	ssub.s32 $0x0, s20;
	[sflag:s22] =	ssyncset.done $0x0  }
0xa0: {  	[sflag:s22] =	ssyncadd.s32 s4;
	_ =	sdelay $0x1  }
0xa1: {  	s23 =	simm.s32 $0x1B8B  }
0xa2: {  	_ =	swait.ge [sflag:s23], $0x1  }
0xa3: {  	[sflag:s23] =	ssyncset.done $0x0  }
0xa4: {  	s25 =	simm.s32 $0x1B8E;
	s24 =	sld [smem:$0x3FFE];
	[sflag:s23] =	ssyncadd.s32 $0xFFFFFFFF  }
0xa5: {  	s26 =	simm.s32 $execute0_lowered;
	[smem:$0x3FD2] =	sst s25  }
0xa6: {  	s5 =	sshll.u32 s26, $0x1;
	_ =	strace $0x80000049;
	[dreg:$0x1] =	wrdreg $0xFFFFFFFF  }
0xa7: {  	s28 =	simm.s32 $_size_execute0_lowered;
	s3 =	sadd.s32 s3, s5;
	[dreg:$0x0] =	wrdreg $0x0  }
0xa8: {  	s5 =	sshll.u32 s28, $0x1;
	[dreg:$0x2] =	wrdreg s3  }
0xa9: {  	[dreg:$0x3] =	wrdreg s5  }
0xaa: {  	[dreg:$0x4] =	wrdreg $0xC0  }
0xab: {  	_ =	task [dreg:s7], $0x5FFFF  }
0xac: {  	[dreg:$0x1] =	wrdreg $0xFFFFFFFF  }
0xad: {  	[dreg:$0x0] =	wrdreg $0x60  }
0xae: {  	[dreg:$0x2] =	wrdreg s2  }
0xaf: {  	[dreg:$0x3] =	wrdreg s24  }
0xb0: {  	[dreg:$0x4] =	wrdreg $0xA8000  }
0xb1: {  	[dreg:$0x5] =	wrdreg $0x9  }
0xb2: {  	_ =	task.clear_ibuf [dreg:s7], $0x6FFFF;
	_ =	strace $0x90000049  }
0xb3: {  	s29 =	simm.s32 $0x9;
	_ =	strace $0x8000004B  }
0xb4: {  	_ =	swait.ge [sflag:s29], $0x1  }
0xb5: {  	[sflag:s29] =	ssyncadd.s32 $0xFFFFFFFF  }
0xb6: {  	_ =	strace $0x9000004B  }
0xb7: {  	_ =	sfence  }
0xb8: {  	s30 =	sld [smem:$0x0];
	_ =	sdelay $0x2  }
0xb9: {  	s31 =	sshll.u32 s1, $0xD;
	s1 =	sshrl.u32 s1, $0x2  }
0xba: {  	s3 =	sand.u32 $0x4000, s31;
	s1 =	sadd.s32 s1, s30  }
0xbb: {  	s0 =	sor.u32 s3, s0;
	s1 =	sshll.u32 s1, $0x11  }
0xbc: {  	s0 =	sor.u32 s1, s0  }
0xbd: {  	s0 =	sadd.s32 $0x8F2B, s0  }
0xbe: {  	[sflag:s0] =	ssyncadd.remote.s32 $0x1  }
0xbf: {  	_ =	sfence.sel $0xFFFF  }
0xc0: {  	[dreg:$0x0] =	wrdreg $0xFFFFFFFF;
	(pc) =	sbr.abs _section_cstart, $3  }
0xc1: {  	[dreg:$0x1] =	wrdreg $0xFFFFFFFF  }
0xc2: {  	_ =	task.clear_ibuf [dreg:s7], $0x2FFFF;
	_ =	strace $0x9FFFFFFF  }
0xc3: {  	(tm) =	ssettm $0x7FFFFFFF  }
tec
execute0_lowered:
.L_overlay_start_1:
0x0: {  	(tag) =	ssettag $0x1  }
0x1: {  	s2 =	rddreg [dreg:$0x0]  }
0x2: {  	s6 =	rddreg [dreg:$0x1]  }
0x3: {  	s0 =	srdreg.scid;
	s3 =	rddreg [dreg:$0x2];
	s4 =	simm.s32 $0x0  }
0x4: {  	s14 =	simm.s32 $0x2800;
	s15 =	simm.s32 $0x5;
	s16 =	simm.s32 $0x1400  }
0x5: {  	s17 =	simm.s32 $0x80;
	s18 =	simm.s32 $0x6800;
	s19 =	simm.s32 $0x1  }
0x6: {  	s20 =	simm.s32 $0x3;
	s21 =	simm.s32 $0x2;
	s22 =	simm.s32 $0x4  }
0x7: {  	s23 =	simm.s32 $0x2700;
	s5 =	sand.u32 $0x1, s0;
	s0 =	stileid.u32  }
0x8: {  	s24 =	simm.s32 $0x2780;
	[smem:$0x7FF] =	sst s4;
	s8 =	smul.u32 $0x140000, s5  }
0x9: {  	s1 =	sshll.u32 s5, $0x4;
	s9 =	smul.u32 $0x14000, s0;
	s29 =	ssub.s32 $0x2, s5  }
0xa: {  	s10 =	smul.u32 $0x50000, s0;
	s1 =	sor.u32 s0, s1;
	s31 =	sshrl.u32 s29, $0x1  }
0xb: {  	s7 =	smul.u32 $0x280, s1;
	s1 =	rddreg [dreg:$0x3];
	_ =	strace $0x8000004A  }
0xc: {  	s28 =	sadd.s32 s9, s8;
	s30 =	sshrl.u32 s10, $0x2;
	s13 =	ssub.s32 s29, s31  }
0xd: {  	s5 =	sadd.s32 s30, s3;
	s13 =	smax.u32 s13, $0x1;
	s11 =	sadd.s32 s7, s6  }
0xe: {  	s7 =	sshrl.u32 s28, $0x3;
	s8 =	sadd.s32 $0xC000, s5;
	s9 =	sadd.s32 $0x10000, s5  }
0xf: {  	s12 =	sadd.s32 s7, s6;
	s6 =	sadd.s32 $0x4000, s5;
	s7 =	sadd.s32 $0x8000, s5  }
0x10: {  	v0 =	vimm.f32 $0.0e+00;
	s10 =	sadd.s32 $0x9400, s11;
	s11 =	sadd.s32 $0x4400, s11;
	s12 =	sadd.s32 $0xE400, s12  }
.LBB2_1:
0x11: {  	s25 =	simm.s32 $0x0;
	s26 =	simm.s32 $0x200  }
.LBB2_2:
0x12: {  	p0 =	sne.s32 s26, $0xFE00;
	[tilespmem:s25+$0x2870] =	vst v0  }
0x13: {  	[tilespmem:s25+$0x2800] =	vst v0  }
0x14: {  	[tilespmem:s25+$0x2810] =	vst v0  }
.Ltmp0:
0x15: {  	[tilespmem:s25+$0x2820] =	vst v0;
	(pc) =	sbr.rel @p0 .LBB2_2-.Ltmp0, $4  }
0x16: {  	[tilespmem:s25+$0x2830] =	vst v0  }
0x17: {  	[tilespmem:s25+$0x2840] =	vst v0  }
0x18: {  	[tilespmem:s25+$0x2850] =	vst v0  }
0x19: {  	[tilespmem:s25+$0x2860] =	vst v0;
	s25 =	sshra.s32 s26, $0x2;
	s26 =	sadd.s32 $0x200, s26  }
0x1a: {  	[tilespmem:s25+$0x2870] =	vst v0  }
0x1b: {  	[tilespmem:s25+$0x2800] =	vst v0  }
0x1c: {  	[tilespmem:s25+$0x2810] =	vst v0  }
0x1d: {  	[tilespmem:s25+$0x2820] =	vst v0  }
0x1e: {  	[tilespmem:s25+$0x2830] =	vst v0  }
0x1f: {  	[tilespmem:s25+$0x2840] =	vst v0  }
0x20: {  	[tilespmem:s25+$0x2850] =	vst v0  }
0x21: {  	[tilespmem:s25+$0x2860] =	vst v0  }
0x22: {  	[spmem:s5] =	stream.linear.scatter [tilespmem:s14], [sflag:$0x5], $0x4000, $0x38;
	[tilespmem:$0x1E800] =	vst v63  }
0x23: {  	_ =	swait.ge [sflag:s15], $0x4000  }
0x24: {  	[sflag:s15] =	ssyncset.done $0x0  }
0x25: {  	[sflag:s15] =	ssyncadd.s32 $0xFFFFC000  }
0x26: {  	[spmem:s6] =	stream.linear.scatter [tilespmem:s14], [sflag:$0x5], $0x4000, $0x38;
	[tilespmem:$0x1E800] =	vst v63  }
0x27: {  	_ =	swait.ge [sflag:s15], $0x4000  }
0x28: {  	[sflag:s15] =	ssyncset.done $0x0  }
0x29: {  	[sflag:s15] =	ssyncadd.s32 $0xFFFFC000  }
0x2a: {  	[spmem:s7] =	stream.linear.scatter [tilespmem:s14], [sflag:$0x5], $0x4000, $0x38;
	[tilespmem:$0x1E800] =	vst v63  }
0x2b: {  	_ =	swait.ge [sflag:s15], $0x4000  }
0x2c: {  	[sflag:s15] =	ssyncset.done $0x0  }
0x2d: {  	[sflag:s15] =	ssyncadd.s32 $0xFFFFC000  }
0x2e: {  	[spmem:s8] =	stream.linear.scatter [tilespmem:s14], [sflag:$0x5], $0x4000, $0x38;
	[tilespmem:$0x1E800] =	vst v63  }
0x2f: {  	_ =	swait.ge [sflag:s15], $0x4000  }
0x30: {  	[sflag:s15] =	ssyncset.done $0x0  }
0x31: {  	[sflag:s15] =	ssyncadd.s32 $0xFFFFC000  }
0x32: {  	[spmem:s9] =	stream.linear.scatter [tilespmem:s14], [sflag:$0x5], $0x4000, $0x38;
	[tilespmem:$0x1E800] =	vst v63  }
0x33: {  	_ =	swait.ge [sflag:s15], $0x4000  }
0x34: {  	[sflag:s15] =	ssyncset.done $0x0  }
0x35: {  	[sflag:s15] =	ssyncadd.s32 $0xFFFFC000  }
0x36: {  	s28 =	simm.s32 $0x0;
	[bflag:$0x0] =	sbarrier.arrive $0xFFFF  }
0x37: {  	[tilespmem:s28], [sflag:$0x5] =	stream.linear.gather [hbm4b:s10+s28], $0x1400, $0x38;
	[tilespmem:$0x1E800] =	vst v63  }
0x38: {  	_ =	swait.ge [sflag:s15], $0x1400  }
0x39: {  	[sflag:s15] =	ssyncset.done $0x0  }
0x3a: {  	[sflag:s15] =	ssyncadd.s32 $0xFFFFEC00  }
0x3b: {  	[tilespmem:s16], [sflag:$0x5] =	stream.linear.gather [hbm4b:s11+s28], $0x1400, $0x38;
	[tilespmem:$0x1E800] =	vst v63  }
0x3c: {  	_ =	swait.ge [sflag:s15], $0x1400  }
0x3d: {  	[sflag:s15] =	ssyncset.done $0x0  }
0x3e: {  	[sflag:s15] =	ssyncadd.s32 $0xFFFFEC00  }
0x3f: {  	[tilespmem:s14], [sflag:$0x1] =	stream.indirect.gather [hbm4b:s2+s17], $0x80, s28, s17, $0xb8;
	[tilespmem:$0x1E800] =	vst v63  }
0x40: {  	_ = 	snop  }
0x41: {  	[tilespmem:s18], [sflag:$0x2] =	stream.indirect.gather [hbm4b:s2+s17], $0x80, s17, s17, $0xb8;
	[tilespmem:$0x1E800] =	vst v63  }
0x42: {  	_ =	swait.ge [sflag:s19], $0x4000  }
0x43: {  	[sflag:s19] =	ssyncset.done $0x0  }
0x44: {  	s29 =	simm.s32 $0x1400;
	[sflag:s19] =	ssyncadd.s32 $0xFFFFC000  }
0x45: {  	[spmem:s3] =	stream.indirect.scatter.add.f32 [tilespmem:s14], [sflag:$0x3], $0x80, s29, s17, $0xb8;
	[tilespmem:$0x1E800] =	vst v63  }
0x46: {  	_ =	swait.ge [sflag:s20], $0x4000  }
0x47: {  	[sflag:s20] =	ssyncset.done $0x0  }
0x48: {  	s30 =	simm.s32 $0x100;
	[sflag:s20] =	ssyncadd.s32 $0xFFFFC000  }
0x49: {  	[tilespmem:s14], [sflag:$0x1] =	stream.indirect.gather [hbm4b:s2+s17], $0x80, s30, s17, $0xb8;
	[tilespmem:$0x1E800] =	vst v63  }
0x4a: {  	_ =	swait.ge [sflag:s21], $0x4000  }
0x4b: {  	[sflag:s21] =	ssyncset.done $0x0  }
0x4c: {  	s31 =	simm.s32 $0x1480;
	[sflag:s21] =	ssyncadd.s32 $0xFFFFC000  }
0x4d: {  	[spmem:s3] =	stream.indirect.scatter.add.f32 [tilespmem:s18], [sflag:$0x4], $0x80, s31, s17, $0xb8;
	[tilespmem:$0x1E800] =	vst v63  }
0x4e: {  	_ =	swait.ge [sflag:s22], $0x4000  }
0x4f: {  	[sflag:s22] =	ssyncset.done $0x0  }
0x50: {  	s25 =	simm.s32 $0x400;
	s26 =	simm.s32 $0x180;
	[sflag:s22] =	ssyncadd.s32 $0xFFFFC000  }
.LBB2_4:
0x51: {  	[tilespmem:s18], [sflag:$0x2] =	stream.indirect.gather [hbm4b:s2+s17], $0x80, s26, s17, $0xb8;
	[tilespmem:$0x1E800] =	vst v63  }
0x52: {  	s26 =	smov.u32 s25  }
0x53: {  	p0 =	sne.s32 s25, $0x4800;
	s25 =	sadd.s32 $0x400, s25;
	_ =	swait.ge [sflag:s19], $0x4000  }
0x54: {  	s26 =	sshra.s32 s26, $0x2;
	[sflag:s19] =	ssyncset.done $0x0  }
0x55: {  	s28 =	sadd.s32 $0x1400, s26;
	[sflag:s19] =	ssyncadd.s32 $0xFFFFC000  }
0x56: {  	[spmem:s3] =	stream.indirect.scatter.add.f32 [tilespmem:s14], [sflag:$0x3], $0x80, s28, s17, $0xb8;
	[tilespmem:$0x1E800] =	vst v63  }
0x57: {  	_ =	swait.ge [sflag:s20], $0x4000  }
0x58: {  	[sflag:s20] =	ssyncset.done $0x0  }
0x59: {  	s28 =	sadd.s32 $0x100, s26;
	[sflag:s20] =	ssyncadd.s32 $0xFFFFC000  }
0x5a: {  	[tilespmem:s14], [sflag:$0x1] =	stream.indirect.gather [hbm4b:s2+s17], $0x80, s28, s17, $0xb8;
	[tilespmem:$0x1E800] =	vst v63  }
0x5b: {  	_ =	swait.ge [sflag:s21], $0x4000  }
0x5c: {  	[sflag:s21] =	ssyncset.done $0x0  }
.Ltmp1:
0x5d: {  	s28 =	sadd.s32 $0x1480, s26;
	[sflag:s21] =	ssyncadd.s32 $0xFFFFC000;
	(pc) =	sbr.rel @p0 .LBB2_4-.Ltmp1, $4  }
0x5e: {  	[spmem:s3] =	stream.indirect.scatter.add.f32 [tilespmem:s18], [sflag:$0x4], $0x80, s28, s17, $0xb8;
	[tilespmem:$0x1E800] =	vst v63  }
0x5f: {  	_ =	swait.ge [sflag:s22], $0x4000  }
0x60: {  	[sflag:s22] =	ssyncset.done $0x0  }
0x61: {  	s26 =	sadd.s32 $0x180, s26;
	[sflag:s22] =	ssyncadd.s32 $0xFFFFC000  }
0x62: {  	[tilespmem:s18], [sflag:$0x2] =	stream.indirect.gather [hbm4b:s2+s17], $0x80, s26, s17, $0xb8;
	[tilespmem:$0x1E800] =	vst v63  }
0x63: {  	_ =	swait.ge [sflag:s19], $0x4000  }
0x64: {  	[sflag:s19] =	ssyncset.done $0x0  }
0x65: {  	[sflag:s19] =	ssyncadd.s32 $0xFFFFC000  }
0x66: {  	[spmem:s3] =	stream.indirect.scatter.add.f32 [tilespmem:s14], [sflag:$0x3], $0x80, s23, s17, $0xb8;
	[tilespmem:$0x1E800] =	vst v63  }
0x67: {  	_ =	swait.ge [sflag:s21], $0x4000  }
0x68: {  	[sflag:s21] =	ssyncset.done $0x0  }
0x69: {  	[sflag:s21] =	ssyncadd.s32 $0xFFFFC000  }
0x6a: {  	[spmem:s3] =	stream.indirect.scatter.add.f32 [tilespmem:s18], [sflag:$0x4], $0x80, s24, s17, $0xb8;
	[tilespmem:$0x1E800] =	vst v63  }
0x6b: {  	_ =	swait.ge [sflag:s20], $0x4000  }
0x6c: {  	[sflag:s20] =	ssyncset.done $0x0  }
0x6d: {  	[sflag:s20] =	ssyncadd.s32 $0xFFFFC000  }
0x6e: {  	_ =	swait.ge [sflag:s22], $0x4000  }
0x6f: {  	s25 =	sshll.u32 s0, $0x6;
	s4 =	sadd.s32 $0x1, s4;
	[sflag:s22] =	ssyncset.done $0x0  }
0x70: {  	s31 =	sshrl.u32 s5, $0x3;
	p0 =	sne.s32 s4, s13;
	[sflag:s22] =	ssyncadd.s32 $0xFFFFC000  }
.Ltmp2:
0x71: {  	s25 =	sor.u32 $0x1C05, s25;
	[bflag:$0x0] =	sbarrier.arrive $0xFFFF;
	(pc) =	sbr.rel @p0 .LBB2_1-.Ltmp2, $4  }
0x72: {  	[hbm:s12], [sflag:s25] =	dma.local [spmem:s31], $0x2800  }
0x73: {  	_ =	swait.ge [sflag:s15], $0x2800  }
0x74: {  	[sflag:s15] =	ssyncset.done $0x0  }
0x75: {  	[sflag:s15] =	ssyncadd.s32 $0xFFFFD800  }
0x76: {  	_ =	sfence.sel $0x180000  }
0x77: {  	[bflag:$0x0] =	sbarrier.arrive $0xFFFF  }
0x78: {  	p0 =	sne.s32 s0, $0x0;
	_ =	strace $0x9000004A  }
0x79: {  	s0 =	sadd.s32 @!p0 $0x100000, s1;
	[bflag:$0x2] =	sbarrier.arrive $0xFFFF  }
0x7a: {  	[sflag:s0] =	ssyncadd.tile.s32 @!p0 $0x1;
	_ =	shalt  }
.Lfunc_end2:
_tile_overlayer_lowered:
.L_overlay_start_2:
0x7b: {  	(tag) =	ssettag $0x2  }
0x7c: {  	s0 =	rddreg [dreg:$0x0];
	s2 =	stileid.u32  }
0x7d: {  	s1 =	rddreg [dreg:$0x1];
	p0 =	sne.s32 s2, $0x0  }
0x7e: {  	s3 =	rddreg [dreg:$0x2];
	[bflag:$0x3] =	sbarrier.arrive $0xFFFF;
	s2 =	simm.s32 @!p0 $0x1C05  }
0x7f: {  	[timem:s3], [sflag:s2] =	dma.local @!p0 [hbm:s0], s1  }
0x80: {  	s0 =	simm.s32 @!p0 $0x5  }
0x81: {  	_ =	swait.ge @!p0 [sflag:s0], s1  }
0x82: {  	s1 =	ssub.s32 @!p0 $0x0, s1;
	[sflag:s0] =	ssyncset.done @!p0 $0x0  }
0x83: {  	[sflag:s0] =	ssyncadd.s32 @!p0 s1  }
0x84: {  	[bflag:$0x3] =	sbarrier.arrive $0xFFFF  }
0x85: {  	_ =	shalt  }

// kernel: kernel.17.cloned.1.call-start
scs
__scs_entry_jumppad:
0x0: {  	(pc) =	sbr.rel $0x88, $3  }
0x1: {  	(tag) =	ssettag $0x0;
	lr =	simm.s32 $0x1  }
0x2: {  	[smem:$0x3F95] =	sst lr;
	_ =	strace $0xD0000000  }
0x3: {  	_ = 	snop  }
0x4: {  	_ = 	snop  }
0x5: {  	_ = 	snop  }
0x6: {  	_ = 	snop  }
0x7: {  	_ = 	snop  }
__scs_overlays_trampoline_lowered:
0x8: {  	[smem:$0x3FA4] =	sst s0  }
0x9: {  	[smem:$0x3FA5] =	sst s1  }
0xa: {  	[smem:$0x3FA6] =	sst s2  }
0xb: {  	[smem:$0x3FA7] =	sst s3  }
0xc: {  	[smem:$0x3FA8] =	sst s4  }
0xd: {  	[smem:$0x3FA9] =	sst s5  }
0xe: {  	[smem:$0x3FAA] =	sst s6  }
0xf: {  	[smem:$0x3FAB] =	sst s7  }
0x10: {  	[smem:$0x3FAC] =	sst s8  }
0x11: {  	[smem:$0x3FAD] =	sst s9;
	s0 =	simm.s32 @!p0 $0x0  }
0x12: {  	s1 =	sld [smem:$0x3F93];
	s0 =	simm.s32 @p0 $0x1  }
0x13: {  	[smem:$0x3FAE] =	sst s0;
	s0 =	simm.s32 @!p1 $0x0  }
0x14: {  	s2 =	sld [smem:$0x3F92];
	s0 =	simm.s32 @p1 $0x1  }
0x15: {  	[smem:$0x3FAF] =	sst s0;
	s0 =	simm.s32 @!p2 $0x0  }
0x16: {  	s3 =	sld [smem:$0x3FDB];
	s0 =	simm.s32 @p2 $0x1  }
0x17: {  	s4 =	simm.s32 $0x1BF5;
	[smem:$0x3FB1] =	sst s0  }
0x18: {  	s0 =	sld [smem:$0x3F94];
	_ =	swait.ge [sflag:s4], $0x0  }
0x19: {  	s7 =	sld [smem:$0x3F95]  }
0x1a: {  	s8 =	sadd.s32 $0xFFFFE003, lr  }
0x1b: {  	s9 =	sadd.s32 $0xFFFFFEF7, lr;
	s5 =	simm.s32 $0xFFFFFFFF;
	p2 =	slt.u32 s8, $0xFFFFF086  }
0x1c: {  	p1 =	slt.u32 s9, $0xF7A;
	s5 =	simm.s32 @!p2 $0x0  }
0x1d: {  	s5 =	simm.s32 @p1 $0x1;
	p0 =	seq.s32 s7, s2  }
0x1e: {  	s7 =	smul.u32 @!p0 $0xF7A, s2;
	p2 =	seq.s32 @!p0 s5, $0x0  }
0x1f: {  	s9 =	smul.u32 $0xF7A, s1;
	s8 =	simm.s32 @!p0 $0x1BF5;
	p2 =	por !p2, p0  }
0x20: {  	[sflag:s8] =	ssyncset.s32 @!p0 $0xFFFFF086;
	s6 =	sadd.s32 @!p0 s3, s7;
	s7 =	simm.s32 @!p0 $0x108  }
0x21: {  	s3 =	sadd.s32 s3, s9;
	s6 =	sadd.s32 @!p0 $0x88, s6;
	s7 =	simm.s32 @p2 $0x1082  }
0x22: {  	[simem:s7], [sflag:s8] =	dma.local @!p0 [hbm:s6], $0xF7A  }
0x23: {  	s9 =	sor.u32 $0xD0000000, s2;
	s6 =	simm.s32 $0x108;
	_ =	swait.ge @!p0 [sflag:s8], $0x0  }
0x24: {  	s3 =	sadd.s32 $0x88, s3;
	s6 =	simm.s32 @!p1 $0x1082;
	[sflag:s4] =	ssyncset.s32 $0xFFFFF086  }
0x25: {  	[simem:s6], [sflag:s4] =	dma.local [hbm:s3], $0xF7A  }
0x26: {  	[smem:$0x3F95] =	sst s1;
	(tag) =	ssettag s2;
	_ =	strace s9  }
0x27: {  	s1 =	sld [smem:$0x3FA5]  }
0x28: {  	s2 =	sld [smem:$0x3FA6]  }
0x29: {  	s4 =	sld [smem:$0x3FA8]  }
0x2a: {  	p0 =	seq.s32 s5, $0x0;
	s5 =	sld [smem:$0x3FA9]  }
0x2b: {  	s6 =	sld [smem:$0x3FAA]  }
0x2c: {  	s7 =	sld [smem:$0x3FAB]  }
0x2d: {  	s3 =	simm.s32 $0x108;
	s8 =	sld [smem:$0x3FAC]  }
0x2e: {  	s3 =	simm.s32 @!p0 $0x1082;
	s9 =	sld [smem:$0x3FAD]  }
0x2f: {  	lr =	sadd.s32 s0, s3;
	s0 =	sld [smem:$0x3FA4]  }
0x30: {  	s3 =	sld [smem:$0x3FA7]  }
0x31: {  	[smem:$0x3FB0] =	sst s10  }
0x32: {  	s10 =	sld [smem:$0x3FAE];
	_ =	sdelay $0x3  }
0x33: {  	p0 =	seq.s32 s10, $0x1;
	s10 =	sld [smem:$0x3FB0];
	_ =	sdelay $0x3  }
0x34: {  	[smem:$0x3FB0] =	sst s10  }
0x35: {  	s10 =	sld [smem:$0x3FAF];
	_ =	sdelay $0x3  }
0x36: {  	p1 =	seq.s32 s10, $0x1;
	s10 =	sld [smem:$0x3FB0];
	_ =	sdelay $0x3  }
0x37: {  	[smem:$0x3FB0] =	sst s10  }
0x38: {  	s10 =	sld [smem:$0x3FB1]  }
0x39: {  	_ = 	snop;
	(pc) =	sbr.ind lr, $3  }
0x3a: {  	_ = 	snop  }
0x3b: {  	_ = 	snop  }
0x3c: {  	p2 =	seq.s32 s10, $0x1;
	s10 =	sld [smem:$0x3FB0]  }
0x3d: {  	_ =	shalt  }
0x3e: {  	_ =	shalt  }
0x3f: {  	_ =	shalt  }
0x40: {  	_ =	shalt  }
0x41: {  	_ =	shalt  }
0x42: {  	_ =	shalt  }
0x43: {  	_ =	shalt  }
0x44: {  	_ =	shalt  }
0x45: {  	_ =	shalt  }
0x46: {  	_ =	shalt  }
0x47: {  	_ =	shalt  }
0x48: {  	_ =	shalt  }
0x49: {  	_ =	shalt  }
0x4a: {  	_ =	shalt  }
0x4b: {  	_ =	shalt  }
0x4c: {  	_ =	shalt  }
0x4d: {  	_ =	shalt  }
0x4e: {  	_ =	shalt  }
0x4f: {  	_ =	shalt  }
0x50: {  	_ =	shalt  }
0x51: {  	_ =	shalt  }
0x52: {  	_ =	shalt  }
0x53: {  	_ =	shalt  }
0x54: {  	_ =	shalt  }
0x55: {  	_ =	shalt  }
0x56: {  	_ =	shalt  }
0x57: {  	_ =	shalt  }
0x58: {  	_ =	shalt  }
0x59: {  	_ =	shalt  }
0x5a: {  	_ =	shalt  }
0x5b: {  	_ =	shalt  }
0x5c: {  	_ =	shalt  }
0x5d: {  	_ =	shalt  }
0x5e: {  	_ =	shalt  }
0x5f: {  	_ =	shalt  }
0x60: {  	_ =	shalt  }
0x61: {  	_ =	shalt  }
0x62: {  	_ =	shalt  }
0x63: {  	_ =	shalt  }
0x64: {  	_ =	shalt  }
0x65: {  	_ =	shalt  }
0x66: {  	_ =	shalt  }
0x67: {  	_ =	shalt  }
0x68: {  	_ =	shalt  }
0x69: {  	_ =	shalt  }
0x6a: {  	_ =	shalt  }
0x6b: {  	_ =	shalt  }
0x6c: {  	_ =	shalt  }
0x6d: {  	_ =	shalt  }
0x6e: {  	_ =	shalt  }
0x6f: {  	_ =	shalt  }
0x70: {  	_ =	shalt  }
0x71: {  	_ =	shalt  }
0x72: {  	_ =	shalt  }
0x73: {  	_ =	shalt  }
0x74: {  	_ =	shalt  }
0x75: {  	_ =	shalt  }
0x76: {  	_ =	shalt  }
0x77: {  	_ =	shalt  }
0x78: {  	_ =	shalt  }
0x79: {  	_ =	shalt  }
0x7a: {  	_ =	shalt  }
0x7b: {  	_ =	shalt  }
0x7c: {  	_ =	shalt  }
0x7d: {  	_ =	shalt  }
0x7e: {  	_ =	shalt  }
0x7f: {  	_ =	shalt  }
0x80: {  	_ =	shalt  }
0x81: {  	_ =	shalt  }
0x82: {  	_ =	shalt  }
0x83: {  	_ =	shalt  }
0x84: {  	_ =	shalt  }
0x85: {  	_ =	shalt  }
0x86: {  	_ =	shalt  }
0x87: {  	_ =	shalt  }
.Lfunc_end0:
.L_simem_size_0:
called_computation.2_lowered:
.L_overlay_start_0:
0x88: {  	s2 =	sld [smem:$0x3FD9]  }
0x89: {  	s3 =	sld [smem:$0x3FFE];
	_ =	sdelay $0x1  }
0x8a: {  	s1 =	srdreg.scid  }
0x8b: {  	s0 =	sand.u32 $0x1, s1  }
0x8c: {  	s17 =	sshll.u32 s0, $0xA;
	s2 =	sadd.s32 s3, s2  }
0x8d: {  	s2 =	sadd.s32 s2, s17  }
0x8e: {  	[smem:$0x3FBC] =	sst s2  }
0x8f: {  	_ = 	snop  }
0x90: {  	s2 =	sld [smem:$0x3FD0];
	(tm) =	ssettm $0x1  }
0x91: {  	s18 =	sld [smem:$0x3FFB];
	_ =	sdelay $0x3  }
0x92: {  	_ =	strace s18  }
0x93: {  	s3 =	sld [smem:$0x3FFC];
	_ =	sdelay $0x3  }
0x94: {  	_ =	strace s3  }
0x95: {  	s3 =	sld [smem:$0x3FFD];
	_ =	sdelay $0x3  }
0x96: {  	_ =	strace s3  }
0x97: {  	_ =	strace $0x8FFFFFFF  }
0x98: {  	s19 =	sld [smem:$0x3FDB];
	_ =	sdelay $0x1  }
0x99: {  	s4 =	simm.s32 $_scs_section_size  }
0x9a: {  	s5 =	simm.s32 $_size__tile_overlayer_lowered;
	s6 =	simm.s32 $_tile_overlayer_lowered  }
0x9b: {  	s22 =	simm.s32 $0x1BFF;
	s21 =	sshll.u32 s6, $0x1;
	s3 =	sadd.s32 s4, s19  }
0x9c: {  	s7 =	simm.s32 $0x0;
	s20 =	sshll.u32 s5, $0x1;
	s5 =	sadd.s32 s21, s3  }
0x9d: {  	[timem:s7], [sflag:s22] =	dma.local [hbm:s5], s20  }
0x9e: {  	_ =	swait.ge [sflag:s22], s20  }
0x9f: {  	s4 =	ssub.s32 $0x0, s20;
	[sflag:s22] =	ssyncset.done $0x0  }
0xa0: {  	[sflag:s22] =	ssyncadd.s32 s4;
	_ =	sdelay $0x1  }
0xa1: {  	s23 =	simm.s32 $0x1B8B  }
0xa2: {  	_ =	swait.ge [sflag:s23], $0x1  }
0xa3: {  	[sflag:s23] =	ssyncset.done $0x0  }
0xa4: {  	s25 =	simm.s32 $0x1B8E;
	s24 =	sld [smem:$0x3FFE];
	[sflag:s23] =	ssyncadd.s32 $0xFFFFFFFF  }
0xa5: {  	s26 =	simm.s32 $execute0_lowered;
	[smem:$0x3FD2] =	sst s25  }
0xa6: {  	s5 =	sshll.u32 s26, $0x1;
	_ =	strace $0x8000004C;
	[dreg:$0x1] =	wrdreg $0xFFFFFFFF  }
0xa7: {  	s28 =	simm.s32 $_size_execute0_lowered;
	s3 =	sadd.s32 s3, s5;
	[dreg:$0x0] =	wrdreg $0x0  }
0xa8: {  	s5 =	sshll.u32 s28, $0x1;
	[dreg:$0x2] =	wrdreg s3  }
0xa9: {  	[dreg:$0x3] =	wrdreg s5  }
0xaa: {  	[dreg:$0x4] =	wrdreg $0xC0  }
0xab: {  	_ =	task [dreg:s7], $0x5FFFF  }
0xac: {  	[dreg:$0x1] =	wrdreg $0xFFFFFFFF  }
0xad: {  	[dreg:$0x0] =	wrdreg $0x60  }
0xae: {  	[dreg:$0x2] =	wrdreg s2  }
0xaf: {  	[dreg:$0x3] =	wrdreg s24  }
0xb0: {  	[dreg:$0x4] =	wrdreg $0xA8000  }
0xb1: {  	[dreg:$0x5] =	wrdreg $0x9  }
0xb2: {  	_ =	task.clear_ibuf [dreg:s7], $0x6FFFF;
	_ =	strace $0x9000004C  }
0xb3: {  	s29 =	simm.s32 $0x9;
	_ =	strace $0x8000004E  }
0xb4: {  	_ =	swait.ge [sflag:s29], $0x1  }
0xb5: {  	[sflag:s29] =	ssyncadd.s32 $0xFFFFFFFF  }
0xb6: {  	_ =	strace $0x9000004E  }
0xb7: {  	_ =	sfence  }
0xb8: {  	s30 =	sld [smem:$0x0];
	_ =	sdelay $0x2  }
0xb9: {  	s31 =	sshll.u32 s1, $0xD;
	s1 =	sshrl.u32 s1, $0x2  }
0xba: {  	s3 =	sand.u32 $0x4000, s31;
	s1 =	sadd.s32 s1, s30  }
0xbb: {  	s0 =	sor.u32 s3, s0;
	s1 =	sshll.u32 s1, $0x11  }
0xbc: {  	s0 =	sor.u32 s1, s0  }
0xbd: {  	s0 =	sadd.s32 $0x8F2B, s0  }
0xbe: {  	[sflag:s0] =	ssyncadd.remote.s32 $0x1  }
0xbf: {  	_ =	sfence.sel $0xFFFF  }
0xc0: {  	[dreg:$0x0] =	wrdreg $0xFFFFFFFF;
	(pc) =	sbr.abs _section_cstart, $3  }
0xc1: {  	[dreg:$0x1] =	wrdreg $0xFFFFFFFF  }
0xc2: {  	_ =	task.clear_ibuf [dreg:s7], $0x2FFFF;
	_ =	strace $0x9FFFFFFF  }
0xc3: {  	(tm) =	ssettm $0x7FFFFFFF  }
tec
execute0_lowered:
.L_overlay_start_1:
0x0: {  	(tag) =	ssettag $0x1  }
0x1: {  	s2 =	rddreg [dreg:$0x0]  }
0x2: {  	s6 =	rddreg [dreg:$0x1]  }
0x3: {  	s0 =	srdreg.scid;
	s3 =	rddreg [dreg:$0x2];
	s4 =	simm.s32 $0x0  }
0x4: {  	s14 =	simm.s32 $0x2800;
	s15 =	simm.s32 $0x5;
	s16 =	simm.s32 $0x1400  }
0x5: {  	s17 =	simm.s32 $0x80;
	s18 =	simm.s32 $0x6800;
	s19 =	simm.s32 $0x1  }
0x6: {  	s20 =	simm.s32 $0x3;
	s21 =	simm.s32 $0x2;
	s22 =	simm.s32 $0x4  }
0x7: {  	s23 =	simm.s32 $0x2700;
	s5 =	sand.u32 $0x1, s0;
	s0 =	stileid.u32  }
0x8: {  	s24 =	simm.s32 $0x2780;
	[smem:$0x7FF] =	sst s4;
	s8 =	smul.u32 $0x140000, s5  }
0x9: {  	s1 =	sshll.u32 s5, $0x4;
	s9 =	smul.u32 $0x14000, s0;
	s29 =	ssub.s32 $0x2, s5  }
0xa: {  	s10 =	smul.u32 $0x50000, s0;
	s1 =	sor.u32 s0, s1;
	s31 =	sshrl.u32 s29, $0x1  }
0xb: {  	s7 =	smul.u32 $0x280, s1;
	s1 =	rddreg [dreg:$0x3];
	_ =	strace $0x8000004D  }
0xc: {  	s28 =	sadd.s32 s9, s8;
	s30 =	sshrl.u32 s10, $0x2;
	s13 =	ssub.s32 s29, s31  }
0xd: {  	s5 =	sadd.s32 s30, s3;
	s13 =	smax.u32 s13, $0x1;
	s11 =	sadd.s32 s7, s6  }
0xe: {  	s7 =	sshrl.u32 s28, $0x3;
	s8 =	sadd.s32 $0xC000, s5;
	s9 =	sadd.s32 $0x10000, s5  }
0xf: {  	s12 =	sadd.s32 s7, s6;
	s6 =	sadd.s32 $0x4000, s5;
	s7 =	sadd.s32 $0x8000, s5  }
0x10: {  	v0 =	vimm.f32 $0.0e+00;
	s10 =	sadd.s32 $0x9400, s11;
	s11 =	sadd.s32 $0x4400, s11;
	s12 =	sadd.s32 $0xE400, s12  }
.LBB2_1:
0x11: {  	s25 =	simm.s32 $0x0;
	s26 =	simm.s32 $0x200  }
.LBB2_2:
0x12: {  	p0 =	sne.s32 s26, $0xFE00;
	[tilespmem:s25+$0x2870] =	vst v0  }
0x13: {  	[tilespmem:s25+$0x2800] =	vst v0  }
0x14: {  	[tilespmem:s25+$0x2810] =	vst v0  }
.Ltmp0:
0x15: {  	[tilespmem:s25+$0x2820] =	vst v0;
	(pc) =	sbr.rel @p0 .LBB2_2-.Ltmp0, $4  }
0x16: {  	[tilespmem:s25+$0x2830] =	vst v0  }
0x17: {  	[tilespmem:s25+$0x2840] =	vst v0  }
0x18: {  	[tilespmem:s25+$0x2850] =	vst v0  }
0x19: {  	[tilespmem:s25+$0x2860] =	vst v0;
	s25 =	sshra.s32 s26, $0x2;
	s26 =	sadd.s32 $0x200, s26  }
0x1a: {  	[tilespmem:s25+$0x2870] =	vst v0  }
0x1b: {  	[tilespmem:s25+$0x2800] =	vst v0  }
0x1c: {  	[tilespmem:s25+$0x2810] =	vst v0  }
0x1d: {  	[tilespmem:s25+$0x2820] =	vst v0  }
0x1e: {  	[tilespmem:s25+$0x2830] =	vst v0  }
0x1f: {  	[tilespmem:s25+$0x2840] =	vst v0  }
0x20: {  	[tilespmem:s25+$0x2850] =	vst v0  }
0x21: {  	[tilespmem:s25+$0x2860] =	vst v0  }
0x22: {  	[spmem:s5] =	stream.linear.scatter [tilespmem:s14], [sflag:$0x5], $0x4000, $0x38;
	[tilespmem:$0x1E800] =	vst v63  }
0x23: {  	_ =	swait.ge [sflag:s15], $0x4000  }
0x24: {  	[sflag:s15] =	ssyncset.done $0x0  }
0x25: {  	[sflag:s15] =	ssyncadd.s32 $0xFFFFC000  }
0x26: {  	[spmem:s6] =	stream.linear.scatter [tilespmem:s14], [sflag:$0x5], $0x4000, $0x38;
	[tilespmem:$0x1E800] =	vst v63  }
0x27: {  	_ =	swait.ge [sflag:s15], $0x4000  }
0x28: {  	[sflag:s15] =	ssyncset.done $0x0  }
0x29: {  	[sflag:s15] =	ssyncadd.s32 $0xFFFFC000  }
0x2a: {  	[spmem:s7] =	stream.linear.scatter [tilespmem:s14], [sflag:$0x5], $0x4000, $0x38;
	[tilespmem:$0x1E800] =	vst v63  }
0x2b: {  	_ =	swait.ge [sflag:s15], $0x4000  }
0x2c: {  	[sflag:s15] =	ssyncset.done $0x0  }
0x2d: {  	[sflag:s15] =	ssyncadd.s32 $0xFFFFC000  }
0x2e: {  	[spmem:s8] =	stream.linear.scatter [tilespmem:s14], [sflag:$0x5], $0x4000, $0x38;
	[tilespmem:$0x1E800] =	vst v63  }
0x2f: {  	_ =	swait.ge [sflag:s15], $0x4000  }
0x30: {  	[sflag:s15] =	ssyncset.done $0x0  }
0x31: {  	[sflag:s15] =	ssyncadd.s32 $0xFFFFC000  }
0x32: {  	[spmem:s9] =	stream.linear.scatter [tilespmem:s14], [sflag:$0x5], $0x4000, $0x38;
	[tilespmem:$0x1E800] =	vst v63  }
0x33: {  	_ =	swait.ge [sflag:s15], $0x4000  }
0x34: {  	[sflag:s15] =	ssyncset.done $0x0  }
0x35: {  	[sflag:s15] =	ssyncadd.s32 $0xFFFFC000  }
0x36: {  	s28 =	simm.s32 $0x0;
	[bflag:$0x0] =	sbarrier.arrive $0xFFFF  }
0x37: {  	[tilespmem:s28], [sflag:$0x5] =	stream.linear.gather [hbm4b:s10+s28], $0x1400, $0x38;
	[tilespmem:$0x1E800] =	vst v63  }
0x38: {  	_ =	swait.ge [sflag:s15], $0x1400  }
0x39: {  	[sflag:s15] =	ssyncset.done $0x0  }
0x3a: {  	[sflag:s15] =	ssyncadd.s32 $0xFFFFEC00  }
0x3b: {  	[tilespmem:s16], [sflag:$0x5] =	stream.linear.gather [hbm4b:s11+s28], $0x1400, $0x38;
	[tilespmem:$0x1E800] =	vst v63  }
0x3c: {  	_ =	swait.ge [sflag:s15], $0x1400  }
0x3d: {  	[sflag:s15] =	ssyncset.done $0x0  }
0x3e: {  	[sflag:s15] =	ssyncadd.s32 $0xFFFFEC00  }
0x3f: {  	[tilespmem:s14], [sflag:$0x1] =	stream.indirect.gather [hbm4b:s2+s17], $0x80, s28, s17, $0xb8;
	[tilespmem:$0x1E800] =	vst v63  }
0x40: {  	_ = 	snop  }
0x41: {  	[tilespmem:s18], [sflag:$0x2] =	stream.indirect.gather [hbm4b:s2+s17], $0x80, s17, s17, $0xb8;
	[tilespmem:$0x1E800] =	vst v63  }
0x42: {  	_ =	swait.ge [sflag:s19], $0x4000  }
0x43: {  	[sflag:s19] =	ssyncset.done $0x0  }
0x44: {  	s29 =	simm.s32 $0x1400;
	[sflag:s19] =	ssyncadd.s32 $0xFFFFC000  }
0x45: {  	[spmem:s3] =	stream.indirect.scatter.add.f32 [tilespmem:s14], [sflag:$0x3], $0x80, s29, s17, $0xb8;
	[tilespmem:$0x1E800] =	vst v63  }
0x46: {  	_ =	swait.ge [sflag:s20], $0x4000  }
0x47: {  	[sflag:s20] =	ssyncset.done $0x0  }
0x48: {  	s30 =	simm.s32 $0x100;
	[sflag:s20] =	ssyncadd.s32 $0xFFFFC000  }
0x49: {  	[tilespmem:s14], [sflag:$0x1] =	stream.indirect.gather [hbm4b:s2+s17], $0x80, s30, s17, $0xb8;
	[tilespmem:$0x1E800] =	vst v63  }
0x4a: {  	_ =	swait.ge [sflag:s21], $0x4000  }
0x4b: {  	[sflag:s21] =	ssyncset.done $0x0  }
0x4c: {  	s31 =	simm.s32 $0x1480;
	[sflag:s21] =	ssyncadd.s32 $0xFFFFC000  }
0x4d: {  	[spmem:s3] =	stream.indirect.scatter.add.f32 [tilespmem:s18], [sflag:$0x4], $0x80, s31, s17, $0xb8;
	[tilespmem:$0x1E800] =	vst v63  }
0x4e: {  	_ =	swait.ge [sflag:s22], $0x4000  }
0x4f: {  	[sflag:s22] =	ssyncset.done $0x0  }
0x50: {  	s25 =	simm.s32 $0x400;
	s26 =	simm.s32 $0x180;
	[sflag:s22] =	ssyncadd.s32 $0xFFFFC000  }
.LBB2_4:
0x51: {  	[tilespmem:s18], [sflag:$0x2] =	stream.indirect.gather [hbm4b:s2+s17], $0x80, s26, s17, $0xb8;
	[tilespmem:$0x1E800] =	vst v63  }
0x52: {  	s26 =	smov.u32 s25  }
0x53: {  	p0 =	sne.s32 s25, $0x4800;
	s25 =	sadd.s32 $0x400, s25;
	_ =	swait.ge [sflag:s19], $0x4000  }
0x54: {  	s26 =	sshra.s32 s26, $0x2;
	[sflag:s19] =	ssyncset.done $0x0  }
0x55: {  	s28 =	sadd.s32 $0x1400, s26;
	[sflag:s19] =	ssyncadd.s32 $0xFFFFC000  }
0x56: {  	[spmem:s3] =	stream.indirect.scatter.add.f32 [tilespmem:s14], [sflag:$0x3], $0x80, s28, s17, $0xb8;
	[tilespmem:$0x1E800] =	vst v63  }
0x57: {  	_ =	swait.ge [sflag:s20], $0x4000  }
0x58: {  	[sflag:s20] =	ssyncset.done $0x0  }
0x59: {  	s28 =	sadd.s32 $0x100, s26;
	[sflag:s20] =	ssyncadd.s32 $0xFFFFC000  }
0x5a: {  	[tilespmem:s14], [sflag:$0x1] =	stream.indirect.gather [hbm4b:s2+s17], $0x80, s28, s17, $0xb8;
	[tilespmem:$0x1E800] =	vst v63  }
0x5b: {  	_ =	swait.ge [sflag:s21], $0x4000  }
0x5c: {  	[sflag:s21] =	ssyncset.done $0x0  }
.Ltmp1:
0x5d: {  	s28 =	sadd.s32 $0x1480, s26;
	[sflag:s21] =	ssyncadd.s32 $0xFFFFC000;
	(pc) =	sbr.rel @p0 .LBB2_4-.Ltmp1, $4  }
0x5e: {  	[spmem:s3] =	stream.indirect.scatter.add.f32 [tilespmem:s18], [sflag:$0x4], $0x80, s28, s17, $0xb8;
	[tilespmem:$0x1E800] =	vst v63  }
0x5f: {  	_ =	swait.ge [sflag:s22], $0x4000  }
0x60: {  	[sflag:s22] =	ssyncset.done $0x0  }
0x61: {  	s26 =	sadd.s32 $0x180, s26;
	[sflag:s22] =	ssyncadd.s32 $0xFFFFC000  }
0x62: {  	[tilespmem:s18], [sflag:$0x2] =	stream.indirect.gather [hbm4b:s2+s17], $0x80, s26, s17, $0xb8;
	[tilespmem:$0x1E800] =	vst v63  }
0x63: {  	_ =	swait.ge [sflag:s19], $0x4000  }
0x64: {  	[sflag:s19] =	ssyncset.done $0x0  }
0x65: {  	[sflag:s19] =	ssyncadd.s32 $0xFFFFC000  }
0x66: {  	[spmem:s3] =	stream.indirect.scatter.add.f32 [tilespmem:s14], [sflag:$0x3], $0x80, s23, s17, $0xb8;
	[tilespmem:$0x1E800] =	vst v63  }
0x67: {  	_ =	swait.ge [sflag:s21], $0x4000  }
0x68: {  	[sflag:s21] =	ssyncset.done $0x0  }
0x69: {  	[sflag:s21] =	ssyncadd.s32 $0xFFFFC000  }
0x6a: {  	[spmem:s3] =	stream.indirect.scatter.add.f32 [tilespmem:s18], [sflag:$0x4], $0x80, s24, s17, $0xb8;
	[tilespmem:$0x1E800] =	vst v63  }
0x6b: {  	_ =	swait.ge [sflag:s20], $0x4000  }
0x6c: {  	[sflag:s20] =	ssyncset.done $0x0  }
0x6d: {  	[sflag:s20] =	ssyncadd.s32 $0xFFFFC000  }
0x6e: {  	_ =	swait.ge [sflag:s22], $0x4000  }
0x6f: {  	s25 =	sshll.u32 s0, $0x6;
	s4 =	sadd.s32 $0x1, s4;
	[sflag:s22] =	ssyncset.done $0x0  }
0x70: {  	s31 =	sshrl.u32 s5, $0x3;
	p0 =	sne.s32 s4, s13;
	[sflag:s22] =	ssyncadd.s32 $0xFFFFC000  }
.Ltmp2:
0x71: {  	s25 =	sor.u32 $0x1C05, s25;
	[bflag:$0x0] =	sbarrier.arrive $0xFFFF;
	(pc) =	sbr.rel @p0 .LBB2_1-.Ltmp2, $4  }
0x72: {  	[hbm:s12], [sflag:s25] =	dma.local [spmem:s31], $0x2800  }
0x73: {  	_ =	swait.ge [sflag:s15], $0x2800  }
0x74: {  	[sflag:s15] =	ssyncset.done $0x0  }
0x75: {  	[sflag:s15] =	ssyncadd.s32 $0xFFFFD800  }
0x76: {  	_ =	sfence.sel $0x180000  }
0x77: {  	[bflag:$0x0] =	sbarrier.arrive $0xFFFF  }
0x78: {  	p0 =	sne.s32 s0, $0x0;
	_ =	strace $0x9000004D  }
0x79: {  	s0 =	sadd.s32 @!p0 $0x100000, s1;
	[bflag:$0x2] =	sbarrier.arrive $0xFFFF  }
0x7a: {  	[sflag:s0] =	ssyncadd.tile.s32 @!p0 $0x1;
	_ =	shalt  }
.Lfunc_end2:
_tile_overlayer_lowered:
.L_overlay_start_2:
0x7b: {  	(tag) =	ssettag $0x2  }
0x7c: {  	s0 =	rddreg [dreg:$0x0];
	s2 =	stileid.u32  }
0x7d: {  	s1 =	rddreg [dreg:$0x1];
	p0 =	sne.s32 s2, $0x0  }
0x7e: {  	s3 =	rddreg [dreg:$0x2];
	[bflag:$0x3] =	sbarrier.arrive $0xFFFF;
	s2 =	simm.s32 @!p0 $0x1C05  }
0x7f: {  	[timem:s3], [sflag:s2] =	dma.local @!p0 [hbm:s0], s1  }
0x80: {  	s0 =	simm.s32 @!p0 $0x5  }
0x81: {  	_ =	swait.ge @!p0 [sflag:s0], s1  }
0x82: {  	s1 =	ssub.s32 @!p0 $0x0, s1;
	[sflag:s0] =	ssyncset.done @!p0 $0x0  }
0x83: {  	[sflag:s0] =	ssyncadd.s32 @!p0 s1  }
0x84: {  	[bflag:$0x3] =	sbarrier.arrive $0xFFFF  }
0x85: {  	_ =	shalt  }

</sc_bundles>
